<compile_context>
chip_gen: v7x
topology: tpu7x:2x2x1
jax: 0.10.2.dev20260603
libtpu: 0.0.44.dev20260713+nightly
codegen_flags: <defaults>
</compile_context>

<pallas_src>
import functools

import jax
import jax.numpy as jnp
from jax import lax
from jax.experimental import pallas as pl
from jax.experimental.pallas import tpu as pltpu
from jax.experimental.pallas import tpu_sc as plsc

_NC, _NS = 2, 16
_NW = _NC * _NS
_ROWS = 32
_NBUF = 3


def kernel(inputs, pos_table):
    batch, seq_len, dim = inputs.shape
    seq_per_w = seq_len // _NW
    n_chunks = seq_per_w // _ROWS
    flat_in = inputs.reshape(batch * seq_len, dim)
    mesh = plsc.VectorSubcoreMesh(core_axis_name="c", subcore_axis_name="s")

    @functools.partial(
        pl.kernel,
        out_type=jax.ShapeDtypeStruct((batch * seq_len, dim), jnp.float32),
        mesh=mesh,
        scratch_types=[
            pltpu.VMEM((_ROWS, dim), jnp.float32),
            [pltpu.VMEM((_ROWS, dim), jnp.float32) for _ in range(_NBUF)],
            pltpu.SemaphoreType.DMA,
            [pltpu.SemaphoreType.DMA for _ in range(_NBUF)],
            [pltpu.SemaphoreType.DMA for _ in range(_NBUF)],
        ],
    )
    def sc_add(in_hbm, pos_hbm, out_hbm, pos_v, bufs, sem_pos, sems_in,
               sems_out):
        cid = lax.axis_index("c")
        sid = lax.axis_index("s")
        wid = sid * _NC + cid
        base = wid * seq_per_w

        def chunk(c, carry):
            row0 = base + c * _ROWS
            cp_pos = pltpu.async_copy(
                pos_hbm.at[pl.ds(row0, _ROWS)], pos_v, sem_pos)
            cp_in = [None] * batch
            cp_out = [None] * batch
            cp_in[0] = pltpu.async_copy(
                in_hbm.at[pl.ds(row0, _ROWS)], bufs[0], sems_in[0])
            cp_in[1] = pltpu.async_copy(
                in_hbm.at[pl.ds(seq_len + row0, _ROWS)], bufs[1], sems_in[1])
            cp_pos.wait()
            for b in range(batch):
                cur = b % _NBUF
                cp_in[b].wait()
                if b + 2 < batch:
                    nxt = (b + 2) % _NBUF
                    if b >= 1:
                        cp_out[b - 1].wait()
                    cp_in[b + 2] = pltpu.async_copy(
                        in_hbm.at[pl.ds((b + 2) * seq_len + row0, _ROWS)],
                        bufs[nxt], sems_in[nxt])
                buf = bufs[cur]

                @plsc.parallel_loop(0, _ROWS)
                def row_add(r):
                    for k in range(dim // 16):
                        x = pos_v[r, pl.ds(k * 16, 16)]
                        plsc.addupdate(buf.at[r, pl.ds(k * 16, 16)], x)

                cp_out[b] = pltpu.async_copy(
                    buf, out_hbm.at[pl.ds(b * seq_len + row0, _ROWS)],
                    sems_out[cur])
            for b in range(1, batch):
                cp_out[b].wait()
            return carry

        lax.fori_loop(0, n_chunks, chunk, 0)

    out_flat = sc_add(flat_in, pos_table)
    return out_flat.reshape(batch, seq_len, dim)

# --- scband reference (transcript-rebuilt; emitter-appended) ---
"""Pipeline reference for scband-positional-embedding-3204045603723 (READ-ONLY COPY).

The authoritative reference and input builder live on the scoring server;
editing this copy changes nothing except your own understanding.
"""

import jax, jax.numpy as jnp
import numpy as np

SEQ_LEN = 8192
OUT_DIM = 768
BATCH = 4

def setup_inputs(seed: int = 0) -> dict:
    key = jax.random.key(seed)
    k1, k2 = jax.random.split(key)
    inputs = jax.random.normal(k1, (BATCH, SEQ_LEN, OUT_DIM), dtype=jnp.float32)
    # learned positional embedding table, sized per init_kwargs
    pos_table = jax.random.normal(k2, (SEQ_LEN, OUT_DIM), dtype=jnp.float32) * 0.02
    return {"inputs": inputs, "pos_table": pos_table}

def reference(inputs, pos_table):
    length = inputs.shape[1]
    positions = jnp.arange(0, length, 1)
    embedded_positions = jnp.take(pos_table, positions, axis=0)
    return inputs + embedded_positions[None, :, :]

if __name__ == "__main__":
    import jax
    _d = setup_inputs()
    print(jax.jit(kernel)(*tuple(_d.values())))

</pallas_src>

<mosaic_0001>
#map = affine_map<(d0, d1) -> (0, 0)>
module attributes {stable_mosaic.version = 14 : i64} {
  func.func @sc_add(%arg0: i32, %arg1: i32, %arg2: memref<32768x768xf32, #tpu.memory_space<hbm>>, %arg3: memref<8192x768xf32, #tpu.memory_space<hbm>>, %arg4: memref<32768x768xf32, #tpu.memory_space<hbm>>, %arg5: memref<32x768xf32, #tpu.memory_space<vmem>>, %arg6: memref<32x768xf32, #tpu.memory_space<vmem>>, %arg7: memref<32x768xf32, #tpu.memory_space<vmem>>, %arg8: memref<32x768xf32, #tpu.memory_space<vmem>>, %arg9: memref<!tpu.dma_semaphore, #tpu.memory_space<semaphore_mem>>, %arg10: memref<!tpu.dma_semaphore, #tpu.memory_space<semaphore_mem>>, %arg11: memref<!tpu.dma_semaphore, #tpu.memory_space<semaphore_mem>>, %arg12: memref<!tpu.dma_semaphore, #tpu.memory_space<semaphore_mem>>, %arg13: memref<!tpu.dma_semaphore, #tpu.memory_space<semaphore_mem>>, %arg14: memref<!tpu.dma_semaphore, #tpu.memory_space<semaphore_mem>>, %arg15: memref<!tpu.dma_semaphore, #tpu.memory_space<semaphore_mem>>) attributes {dimension_semantics = [#tpu.dimension_semantics<core_parallel>, #tpu.dimension_semantics<subcore_parallel>], iteration_bounds = array<i64: 2, 16>, scalar_prefetch = 0 : i64, scratch_operands = 11 : i64, tpu.core_type = #tpu.core_type<sc_vector_subcore>, window_params = [{transform_indices = #map}, {transform_indices = #map}, {transform_indices = #map}]} {
    %mul3A = arith.constant 2 : i32
    %mul3A_0 = arith.muli %arg1, %mul3A : i32
    %add3A = arith.addi %mul3A_0, %arg0 : i32
    %mul3A_1 = arith.constant 256 : i32
    %mul3A_2 = arith.muli %add3A, %mul3A_1 : i32
    %scan3A = arith.constant 0 : i32
    %scan3A_3 = arith.constant 0 : i32
    %scan3A_4 = arith.constant 8 : i32
    %scan3A_5 = arith.addi %scan3A_3, %scan3A_4 : i32
    %scan3A_6 = arith.constant 1 : i32
    scf.for %scan3A_8 = %scan3A_3 to %scan3A_5 step %scan3A_6  : i32 {
      %mul3A_9 = arith.constant 32 : i32
      %mul3A_10 = arith.muli %scan3A_8, %mul3A_9 : i32
      %add3A_11 = arith.addi %mul3A_2, %mul3A_10 : i32
      %dma_start3A = arith.constant 0 : i32
      %dma_start3A_12 = tpu.memref_slice %arg3[%add3A_11, %dma_start3A] : memref<8192x768xf32, #tpu.memory_space<hbm>> -> memref<32x768xf32, #tpu.memory_space<hbm>>
      %dma_start3A_13 = arith.constant 0 : i32
      %dma_start3A_14 = tpu.memref_slice %arg3[%add3A_11, %dma_start3A_13] : memref<8192x768xf32, #tpu.memory_space<hbm>> -> memref<32x768xf32, #tpu.memory_space<hbm>>
      tpu.enqueue_dma source(%dma_start3A_14 : memref<32x768xf32, #tpu.memory_space<hbm>>) target(%arg5 : memref<32x768xf32, #tpu.memory_space<vmem>>) target_semaphore(%arg9 : memref<!tpu.dma_semaphore, #tpu.memory_space<semaphore_mem>>)
      %dma_start3A_15 = arith.constant 0 : i32
      %dma_start3A_16 = tpu.memref_slice %arg2[%add3A_11, %dma_start3A_15] : memref<32768x768xf32, #tpu.memory_space<hbm>> -> memref<32x768xf32, #tpu.memory_space<hbm>>
      %dma_start3A_17 = arith.constant 0 : i32
      %dma_start3A_18 = tpu.memref_slice %arg2[%add3A_11, %dma_start3A_17] : memref<32768x768xf32, #tpu.memory_space<hbm>> -> memref<32x768xf32, #tpu.memory_space<hbm>>
      tpu.enqueue_dma source(%dma_start3A_18 : memref<32x768xf32, #tpu.memory_space<hbm>>) target(%arg6 : memref<32x768xf32, #tpu.memory_space<vmem>>) target_semaphore(%arg10 : memref<!tpu.dma_semaphore, #tpu.memory_space<semaphore_mem>>)
      %add3A_19 = arith.constant 8192 : i32
      %add3A_20 = arith.addi %add3A_19, %add3A_11 : i32
      %dma_start3A_21 = arith.constant 0 : i32
      %dma_start3A_22 = tpu.memref_slice %arg2[%add3A_20, %dma_start3A_21] : memref<32768x768xf32, #tpu.memory_space<hbm>> -> memref<32x768xf32, #tpu.memory_space<hbm>>
      %dma_start3A_23 = arith.constant 0 : i32
      %dma_start3A_24 = tpu.memref_slice %arg2[%add3A_20, %dma_start3A_23] : memref<32768x768xf32, #tpu.memory_space<hbm>> -> memref<32x768xf32, #tpu.memory_space<hbm>>
      tpu.enqueue_dma source(%dma_start3A_24 : memref<32x768xf32, #tpu.memory_space<hbm>>) target(%arg7 : memref<32x768xf32, #tpu.memory_space<vmem>>) target_semaphore(%arg11 : memref<!tpu.dma_semaphore, #tpu.memory_space<semaphore_mem>>)
      %dma_wait3A = arith.constant 0 : i32
      %dma_wait3A_25 = tpu.memref_slice %arg3[%add3A_11, %dma_wait3A] : memref<8192x768xf32, #tpu.memory_space<hbm>> -> memref<32x768xf32, #tpu.memory_space<hbm>>
      %dma_wait3A_26 = arith.constant 0 : i32
      %dma_wait3A_27 = tpu.memref_slice %arg3[%add3A_11, %dma_wait3A_26] : memref<8192x768xf32, #tpu.memory_space<hbm>> -> memref<32x768xf32, #tpu.memory_space<hbm>>
      tpu.wait_dma2 semaphore(%arg9 : memref<!tpu.dma_semaphore, #tpu.memory_space<semaphore_mem>>) src(%dma_wait3A_27 : memref<32x768xf32, #tpu.memory_space<hbm>>) dst(%arg5 : memref<32x768xf32, #tpu.memory_space<vmem>>)
      %dma_wait3A_28 = arith.constant 0 : i32
      %dma_wait3A_29 = tpu.memref_slice %arg2[%add3A_11, %dma_wait3A_28] : memref<32768x768xf32, #tpu.memory_space<hbm>> -> memref<32x768xf32, #tpu.memory_space<hbm>>
      %dma_wait3A_30 = arith.constant 0 : i32
      %dma_wait3A_31 = tpu.memref_slice %arg2[%add3A_11, %dma_wait3A_30] : memref<32768x768xf32, #tpu.memory_space<hbm>> -> memref<32x768xf32, #tpu.memory_space<hbm>>
      tpu.wait_dma2 semaphore(%arg10 : memref<!tpu.dma_semaphore, #tpu.memory_space<semaphore_mem>>) src(%dma_wait3A_31 : memref<32x768xf32, #tpu.memory_space<hbm>>) dst(%arg6 : memref<32x768xf32, #tpu.memory_space<vmem>>)
      %add3A_32 = arith.constant 16384 : i32
      %add3A_33 = arith.addi %add3A_32, %add3A_11 : i32
      %dma_start3A_34 = arith.constant 0 : i32
      %dma_start3A_35 = tpu.memref_slice %arg2[%add3A_33, %dma_start3A_34] : memref<32768x768xf32, #tpu.memory_space<hbm>> -> memref<32x768xf32, #tpu.memory_space<hbm>>
      %dma_start3A_36 = arith.constant 0 : i32
      %dma_start3A_37 = tpu.memref_slice %arg2[%add3A_33, %dma_start3A_36] : memref<32768x768xf32, #tpu.memory_space<hbm>> -> memref<32x768xf32, #tpu.memory_space<hbm>>
      tpu.enqueue_dma source(%dma_start3A_37 : memref<32x768xf32, #tpu.memory_space<hbm>>) target(%arg8 : memref<32x768xf32, #tpu.memory_space<vmem>>) target_semaphore(%arg12 : memref<!tpu.dma_semaphore, #tpu.memory_space<semaphore_mem>>)
      %parallel_loop3A = arith.constant 0 : i32
      %parallel_loop3A_38 = arith.constant 32 : i32
      %parallel_loop3A_39 = arith.constant 1 : i32
      scf.for %parallel_loop3A_107 = %parallel_loop3A to %parallel_loop3A_38 step %parallel_loop3A_39  : i32 {
        %parallel_loop3A_108 = arith.index_cast %parallel_loop3A_107 : i32 to index
        %parallel_loop3A_109 = arith.constant 0 : index
        %parallel_loop3A_110 = tpu.vector_load %arg5[%parallel_loop3A_108, %parallel_loop3A_109] {strides = array<i32>} : memref<32x768xf32, #tpu.memory_space<vmem>>, vector<1x16xf32>,
        %parallel_loop3A_111 = vector.shape_cast %parallel_loop3A_110 : vector<1x16xf32> to vector<16xf32>
        %parallel_loop3A_112 = arith.index_cast %parallel_loop3A_107 : i32 to index
        %parallel_loop3A_113 = arith.constant 0 : index
        %parallel_loop3A_114 = tpu.vector_load %arg6[%parallel_loop3A_112, %parallel_loop3A_113] {strides = array<i32>} : memref<32x768xf32, #tpu.memory_space<vmem>>, vector<1x16xf32>,
        %parallel_loop3A_115 = vector.shape_cast %parallel_loop3A_114 : vector<1x16xf32> to vector<16xf32>
        %parallel_loop3A_116 = vector.shape_cast %parallel_loop3A_111 : vector<16xf32> to vector<1x16xf32>
        tpu.vector_store %arg6[%parallel_loop3A_112, %parallel_loop3A_113], %parallel_loop3A_116 {add = true, strides = array<i32>} : memref<32x768xf32, #tpu.memory_space<vmem>>, vector<1x16xf32>,
        %parallel_loop3A_117 = arith.index_cast %parallel_loop3A_107 : i32 to index
        %parallel_loop3A_118 = arith.constant 16 : index
        %parallel_loop3A_119 = tpu.vector_load %arg5[%parallel_loop3A_117, %parallel_loop3A_118] {strides = array<i32>} : memref<32x768xf32, #tpu.memory_space<vmem>>, vector<1x16xf32>,
        %parallel_loop3A_120 = vector.shape_cast %parallel_loop3A_119 : vector<1x16xf32> to vector<16xf32>
        %parallel_loop3A_121 = arith.index_cast %parallel_loop3A_107 : i32 to index
        %parallel_loop3A_122 = arith.constant 16 : index
        %parallel_loop3A_123 = tpu.vector_load %arg6[%parallel_loop3A_121, %parallel_loop3A_122] {strides = array<i32>} : memref<32x768xf32, #tpu.memory_space<vmem>>, vector<1x16xf32>,
        %parallel_loop3A_124 = vector.shape_cast %parallel_loop3A_123 : vector<1x16xf32> to vector<16xf32>
        %parallel_loop3A_125 = vector.shape_cast %parallel_loop3A_120 : vector<16xf32> to vector<1x16xf32>
        tpu.vector_store %arg6[%parallel_loop3A_121, %parallel_loop3A_122], %parallel_loop3A_125 {add = true, strides = array<i32>} : memref<32x768xf32, #tpu.memory_space<vmem>>, vector<1x16xf32>,
        %parallel_loop3A_126 = arith.index_cast %parallel_loop3A_107 : i32 to index
        %parallel_loop3A_127 = arith.constant 32 : index
        %parallel_loop3A_128 = tpu.vector_load %arg5[%parallel_loop3A_126, %parallel_loop3A_127] {strides = array<i32>} : memref<32x768xf32, #tpu.memory_space<vmem>>, vector<1x16xf32>,
        %parallel_loop3A_129 = vector.shape_cast %parallel_loop3A_128 : vector<1x16xf32> to vector<16xf32>
        %parallel_loop3A_130 = arith.index_cast %parallel_loop3A_107 : i32 to index
        %parallel_loop3A_131 = arith.constant 32 : index
        %parallel_loop3A_132 = tpu.vector_load %arg6[%parallel_loop3A_130, %parallel_loop3A_131] {strides = array<i32>} : memref<32x768xf32, #tpu.memory_space<vmem>>, vector<1x16xf32>,
        %parallel_loop3A_133 = vector.shape_cast %parallel_loop3A_132 : vector<1x16xf32> to vector<16xf32>
        %parallel_loop3A_134 = vector.shape_cast %parallel_loop3A_129 : vector<16xf32> to vector<1x16xf32>
        tpu.vector_store %arg6[%parallel_loop3A_130, %parallel_loop3A_131], %parallel_loop3A_134 {add = true, strides = array<i32>} : memref<32x768xf32, #tpu.memory_space<vmem>>, vector<1x16xf32>,
        %parallel_loop3A_135 = arith.index_cast %parallel_loop3A_107 : i32 to index
        %parallel_loop3A_136 = arith.constant 48 : index
        %parallel_loop3A_137 = tpu.vector_load %arg5[%parallel_loop3A_135, %parallel_loop3A_136] {strides = array<i32>} : memref<32x768xf32, #tpu.memory_space<vmem>>, vector<1x16xf32>,
        %parallel_loop3A_138 = vector.shape_cast %parallel_loop3A_137 : vector<1x16xf32> to vector<16xf32>
        %parallel_loop3A_139 = arith.index_cast %parallel_loop3A_107 : i32 to index
        %parallel_loop3A_140 = arith.constant 48 : index
        %parallel_loop3A_141 = tpu.vector_load %arg6[%parallel_loop3A_139, %parallel_loop3A_140] {strides = array<i32>} : memref<32x768xf32, #tpu.memory_space<vmem>>, vector<1x16xf32>,
        %parallel_loop3A_142 = vector.shape_cast %parallel_loop3A_141 : vector<1x16xf32> to vector<16xf32>
        %parallel_loop3A_143 = vector.shape_cast %parallel_loop3A_138 : vector<16xf32> to vector<1x16xf32>
        tpu.vector_store %arg6[%parallel_loop3A_139, %parallel_loop3A_140], %parallel_loop3A_143 {add = true, strides = array<i32>} : memref<32x768xf32, #tpu.memory_space<vmem>>, vector<1x16xf32>,
        %parallel_loop3A_144 = arith.index_cast %parallel_loop3A_107 : i32 to index
        %parallel_loop3A_145 = arith.constant 64 : index
        %parallel_loop3A_146 = tpu.vector_load %arg5[%parallel_loop3A_144, %parallel_loop3A_145] {strides = array<i32>} : memref<32x768xf32, #tpu.memory_space<vmem>>, vector<1x16xf32>,
        %parallel_loop3A_147 = vector.shape_cast %parallel_loop3A_146 : vector<1x16xf32> to vector<16xf32>
        %parallel_loop3A_148 = arith.index_cast %parallel_loop3A_107 : i32 to index
        %parallel_loop3A_149 = arith.constant 64 : index
        %parallel_loop3A_150 = tpu.vector_load %arg6[%parallel_loop3A_148, %parallel_loop3A_149] {strides = array<i32>} : memref<32x768xf32, #tpu.memory_space<vmem>>, vector<1x16xf32>,
        %parallel_loop3A_151 = vector.shape_cast %parallel_loop3A_150 : vector<1x16xf32> to vector<16xf32>
        %parallel_loop3A_152 = vector.shape_cast %parallel_loop3A_147 : vector<16xf32> to vector<1x16xf32>
        tpu.vector_store %arg6[%parallel_loop3A_148, %parallel_loop3A_149], %parallel_loop3A_152 {add = true, strides = array<i32>} : memref<32x768xf32, #tpu.memory_space<vmem>>, vector<1x16xf32>,
        %parallel_loop3A_153 = arith.index_cast %parallel_loop3A_107 : i32 to index
        %parallel_loop3A_154 = arith.constant 80 : index
        %parallel_loop3A_155 = tpu.vector_load %arg5[%parallel_loop3A_153, %parallel_loop3A_154] {strides = array<i32>} : memref<32x768xf32, #tpu.memory_space<vmem>>, vector<1x16xf32>,
        %parallel_loop3A_156 = vector.shape_cast %parallel_loop3A_155 : vector<1x16xf32> to vector<16xf32>
        %parallel_loop3A_157 = arith.index_cast %parallel_loop3A_107 : i32 to index
        %parallel_loop3A_158 = arith.constant 80 : index
        %parallel_loop3A_159 = tpu.vector_load %arg6[%parallel_loop3A_157, %parallel_loop3A_158] {strides = array<i32>} : memref<32x768xf32, #tpu.memory_space<vmem>>, vector<1x16xf32>,
        %parallel_loop3A_160 = vector.shape_cast %parallel_loop3A_159 : vector<1x16xf32> to vector<16xf32>
        %parallel_loop3A_161 = vector.shape_cast %parallel_loop3A_156 : vector<16xf32> to vector<1x16xf32>
        tpu.vector_store %arg6[%parallel_loop3A_157, %parallel_loop3A_158], %parallel_loop3A_161 {add = true, strides = array<i32>} : memref<32x768xf32, #tpu.memory_space<vmem>>, vector<1x16xf32>,
        %parallel_loop3A_162 = arith.index_cast %parallel_loop3A_107 : i32 to index
        %parallel_loop3A_163 = arith.constant 96 : index
        %parallel_loop3A_164 = tpu.vector_load %arg5[%parallel_loop3A_162, %parallel_loop3A_163] {strides = array<i32>} : memref<32x768xf32, #tpu.memory_space<vmem>>, vector<1x16xf32>,
        %parallel_loop3A_165 = vector.shape_cast %parallel_loop3A_164 : vector<1x16xf32> to vector<16xf32>
        %parallel_loop3A_166 = arith.index_cast %parallel_loop3A_107 : i32 to index
        %parallel_loop3A_167 = arith.constant 96 : index
        %parallel_loop3A_168 = tpu.vector_load %arg6[%parallel_loop3A_166, %parallel_loop3A_167] {strides = array<i32>} : memref<32x768xf32, #tpu.memory_space<vmem>>, vector<1x16xf32>,
        %parallel_loop3A_169 = vector.shape_cast %parallel_loop3A_168 : vector<1x16xf32> to vector<16xf32>
        %parallel_loop3A_170 = vector.shape_cast %parallel_loop3A_165 : vector<16xf32> to vector<1x16xf32>
        tpu.vector_store %arg6[%parallel_loop3A_166, %parallel_loop3A_167], %parallel_loop3A_170 {add = true, strides = array<i32>} : memref<32x768xf32, #tpu.memory_space<vmem>>, vector<1x16xf32>,
        %parallel_loop3A_171 = arith.index_cast %parallel_loop3A_107 : i32 to index
        %parallel_loop3A_172 = arith.constant 112 : index
        %parallel_loop3A_173 = tpu.vector_load %arg5[%parallel_loop3A_171, %parallel_loop3A_172] {strides = array<i32>} : memref<32x768xf32, #tpu.memory_space<vmem>>, vector<1x16xf32>,
        %parallel_loop3A_174 = vector.shape_cast %parallel_loop3A_173 : vector<1x16xf32> to vector<16xf32>
        %parallel_loop3A_175 = arith.index_cast %parallel_loop3A_107 : i32 to index
        %parallel_loop3A_176 = arith.constant 112 : index
        %parallel_loop3A_177 = tpu.vector_load %arg6[%parallel_loop3A_175, %parallel_loop3A_176] {strides = array<i32>} : memref<32x768xf32, #tpu.memory_space<vmem>>, vector<1x16xf32>,
        %parallel_loop3A_178 = vector.shape_cast %parallel_loop3A_177 : vector<1x16xf32> to vector<16xf32>
        %parallel_loop3A_179 = vector.shape_cast %parallel_loop3A_174 : vector<16xf32> to vector<1x16xf32>
        tpu.vector_store %arg6[%parallel_loop3A_175, %parallel_loop3A_176], %parallel_loop3A_179 {add = true, strides = array<i32>} : memref<32x768xf32, #tpu.memory_space<vmem>>, vector<1x16xf32>,
        %parallel_loop3A_180 = arith.index_cast %parallel_loop3A_107 : i32 to index
        %parallel_loop3A_181 = arith.constant 128 : index
        %parallel_loop3A_182 = tpu.vector_load %arg5[%parallel_loop3A_180, %parallel_loop3A_181] {strides = array<i32>} : memref<32x768xf32, #tpu.memory_space<vmem>>, vector<1x16xf32>,
        %parallel_loop3A_183 = vector.shape_cast %parallel_loop3A_182 : vector<1x16xf32> to vector<16xf32>
        %parallel_loop3A_184 = arith.index_cast %parallel_loop3A_107 : i32 to index
        %parallel_loop3A_185 = arith.constant 128 : index
        %parallel_loop3A_186 = tpu.vector_load %arg6[%parallel_loop3A_184, %parallel_loop3A_185] {strides = array<i32>} : memref<32x768xf32, #tpu.memory_space<vmem>>, vector<1x16xf32>,
        %parallel_loop3A_187 = vector.shape_cast %parallel_loop3A_186 : vector<1x16xf32> to vector<16xf32>
        %parallel_loop3A_188 = vector.shape_cast %parallel_loop3A_183 : vector<16xf32> to vector<1x16xf32>
        tpu.vector_store %arg6[%parallel_loop3A_184, %parallel_loop3A_185], %parallel_loop3A_188 {add = true, strides = array<i32>} : memref<32x768xf32, #tpu.memory_space<vmem>>, vector<1x16xf32>,
        %parallel_loop3A_189 = arith.index_cast %parallel_loop3A_107 : i32 to index
        %parallel_loop3A_190 = arith.constant 144 : index
        %parallel_loop3A_191 = tpu.vector_load %arg5[%parallel_loop3A_189, %parallel_loop3A_190] {strides = array<i32>} : memref<32x768xf32, #tpu.memory_space<vmem>>, vector<1x16xf32>,
        %parallel_loop3A_192 = vector.shape_cast %parallel_loop3A_191 : vector<1x16xf32> to vector<16xf32>
        %parallel_loop3A_193 = arith.index_cast %parallel_loop3A_107 : i32 to index
        %parallel_loop3A_194 = arith.constant 144 : index
        %parallel_loop3A_195 = tpu.vector_load %arg6[%parallel_loop3A_193, %parallel_loop3A_194] {strides = array<i32>} : memref<32x768xf32, #tpu.memory_space<vmem>>, vector<1x16xf32>,
        %parallel_loop3A_196 = vector.shape_cast %parallel_loop3A_195 : vector<1x16xf32> to vector<16xf32>
        %parallel_loop3A_197 = vector.shape_cast %parallel_loop3A_192 : vector<16xf32> to vector<1x16xf32>
        tpu.vector_store %arg6[%parallel_loop3A_193, %parallel_loop3A_194], %parallel_loop3A_197 {add = true, strides = array<i32>} : memref<32x768xf32, #tpu.memory_space<vmem>>, vector<1x16xf32>,
        %parallel_loop3A_198 = arith.index_cast %parallel_loop3A_107 : i32 to index
        %parallel_loop3A_199 = arith.constant 160 : index
        %parallel_loop3A_200 = tpu.vector_load %arg5[%parallel_loop3A_198, %parallel_loop3A_199] {strides = array<i32>} : memref<32x768xf32, #tpu.memory_space<vmem>>, vector<1x16xf32>,
        %parallel_loop3A_201 = vector.shape_cast %parallel_loop3A_200 : vector<1x16xf32> to vector<16xf32>
        %parallel_loop3A_202 = arith.index_cast %parallel_loop3A_107 : i32 to index
        %parallel_loop3A_203 = arith.constant 160 : index
        %parallel_loop3A_204 = tpu.vector_load %arg6[%parallel_loop3A_202, %parallel_loop3A_203] {strides = array<i32>} : memref<32x768xf32, #tpu.memory_space<vmem>>, vector<1x16xf32>,
        %parallel_loop3A_205 = vector.shape_cast %parallel_loop3A_204 : vector<1x16xf32> to vector<16xf32>
        %parallel_loop3A_206 = vector.shape_cast %parallel_loop3A_201 : vector<16xf32> to vector<1x16xf32>
        tpu.vector_store %arg6[%parallel_loop3A_202, %parallel_loop3A_203], %parallel_loop3A_206 {add = true, strides = array<i32>} : memref<32x768xf32, #tpu.memory_space<vmem>>, vector<1x16xf32>,
        %parallel_loop3A_207 = arith.index_cast %parallel_loop3A_107 : i32 to index
        %parallel_loop3A_208 = arith.constant 176 : index
        %parallel_loop3A_209 = tpu.vector_load %arg5[%parallel_loop3A_207, %parallel_loop3A_208] {strides = array<i32>} : memref<32x768xf32, #tpu.memory_space<vmem>>, vector<1x16xf32>,
        %parallel_loop3A_210 = vector.shape_cast %parallel_loop3A_209 : vector<1x16xf32> to vector<16xf32>
        %parallel_loop3A_211 = arith.index_cast %parallel_loop3A_107 : i32 to index
        %parallel_loop3A_212 = arith.constant 176 : index
        %parallel_loop3A_213 = tpu.vector_load %arg6[%parallel_loop3A_211, %parallel_loop3A_212] {strides = array<i32>} : memref<32x768xf32, #tpu.memory_space<vmem>>, vector<1x16xf32>,
        %parallel_loop3A_214 = vector.shape_cast %parallel_loop3A_213 : vector<1x16xf32> to vector<16xf32>
        %parallel_loop3A_215 = vector.shape_cast %parallel_loop3A_210 : vector<16xf32> to vector<1x16xf32>
        tpu.vector_store %arg6[%parallel_loop3A_211, %parallel_loop3A_212], %parallel_loop3A_215 {add = true, strides = array<i32>} : memref<32x768xf32, #tpu.memory_space<vmem>>, vector<1x16xf32>,
        %parallel_loop3A_216 = arith.index_cast %parallel_loop3A_107 : i32 to index
        %parallel_loop3A_217 = arith.constant 192 : index
        %parallel_loop3A_218 = tpu.vector_load %arg5[%parallel_loop3A_216, %parallel_loop3A_217] {strides = array<i32>} : memref<32x768xf32, #tpu.memory_space<vmem>>, vector<1x16xf32>,
        %parallel_loop3A_219 = vector.shape_cast %parallel_loop3A_218 : vector<1x16xf32> to vector<16xf32>
        %parallel_loop3A_220 = arith.index_cast %parallel_loop3A_107 : i32 to index
        %parallel_loop3A_221 = arith.constant 192 : index
        %parallel_loop3A_222 = tpu.vector_load %arg6[%parallel_loop3A_220, %parallel_loop3A_221] {strides = array<i32>} : memref<32x768xf32, #tpu.memory_space<vmem>>, vector<1x16xf32>,
        %parallel_loop3A_223 = vector.shape_cast %parallel_loop3A_222 : vector<1x16xf32> to vector<16xf32>
        %parallel_loop3A_224 = vector.shape_cast %parallel_loop3A_219 : vector<16xf32> to vector<1x16xf32>
        tpu.vector_store %arg6[%parallel_loop3A_220, %parallel_loop3A_221], %parallel_loop3A_224 {add = true, strides = array<i32>} : memref<32x768xf32, #tpu.memory_space<vmem>>, vector<1x16xf32>,
        %parallel_loop3A_225 = arith.index_cast %parallel_loop3A_107 : i32 to index
        %parallel_loop3A_226 = arith.constant 208 : index
        %parallel_loop3A_227 = tpu.vector_load %arg5[%parallel_loop3A_225, %parallel_loop3A_226] {strides = array<i32>} : memref<32x768xf32, #tpu.memory_space<vmem>>, vector<1x16xf32>,
        %parallel_loop3A_228 = vector.shape_cast %parallel_loop3A_227 : vector<1x16xf32> to vector<16xf32>
        %parallel_loop3A_229 = arith.index_cast %parallel_loop3A_107 : i32 to index
        %parallel_loop3A_230 = arith.constant 208 : index
        %parallel_loop3A_231 = tpu.vector_load %arg6[%parallel_loop3A_229, %parallel_loop3A_230] {strides = array<i32>} : memref<32x768xf32, #tpu.memory_space<vmem>>, vector<1x16xf32>,
        %parallel_loop3A_232 = vector.shape_cast %parallel_loop3A_231 : vector<1x16xf32> to vector<16xf32>
        %parallel_loop3A_233 = vector.shape_cast %parallel_loop3A_228 : vector<16xf32> to vector<1x16xf32>
        tpu.vector_store %arg6[%parallel_loop3A_229, %parallel_loop3A_230], %parallel_loop3A_233 {add = true, strides = array<i32>} : memref<32x768xf32, #tpu.memory_space<vmem>>, vector<1x16xf32>,
        %parallel_loop3A_234 = arith.index_cast %parallel_loop3A_107 : i32 to index
        %parallel_loop3A_235 = arith.constant 224 : index
        %parallel_loop3A_236 = tpu.vector_load %arg5[%parallel_loop3A_234, %parallel_loop3A_235] {strides = array<i32>} : memref<32x768xf32, #tpu.memory_space<vmem>>, vector<1x16xf32>,
        %parallel_loop3A_237 = vector.shape_cast %parallel_loop3A_236 : vector<1x16xf32> to vector<16xf32>
        %parallel_loop3A_238 = arith.index_cast %parallel_loop3A_107 : i32 to index
        %parallel_loop3A_239 = arith.constant 224 : index
        %parallel_loop3A_240 = tpu.vector_load %arg6[%parallel_loop3A_238, %parallel_loop3A_239] {strides = array<i32>} : memref<32x768xf32, #tpu.memory_space<vmem>>, vector<1x16xf32>,
        %parallel_loop3A_241 = vector.shape_cast %parallel_loop3A_240 : vector<1x16xf32> to vector<16xf32>
        %parallel_loop3A_242 = vector.shape_cast %parallel_loop3A_237 : vector<16xf32> to vector<1x16xf32>
        tpu.vector_store %arg6[%parallel_loop3A_238, %parallel_loop3A_239], %parallel_loop3A_242 {add = true, strides = array<i32>} : memref<32x768xf32, #tpu.memory_space<vmem>>, vector<1x16xf32>,
        %parallel_loop3A_243 = arith.index_cast %parallel_loop3A_107 : i32 to index
        %parallel_loop3A_244 = arith.constant 240 : index
        %parallel_loop3A_245 = tpu.vector_load %arg5[%parallel_loop3A_243, %parallel_loop3A_244] {strides = array<i32>} : memref<32x768xf32, #tpu.memory_space<vmem>>, vector<1x16xf32>,
        %parallel_loop3A_246 = vector.shape_cast %parallel_loop3A_245 : vector<1x16xf32> to vector<16xf32>
        %parallel_loop3A_247 = arith.index_cast %parallel_loop3A_107 : i32 to index
        %parallel_loop3A_248 = arith.constant 240 : index
        %parallel_loop3A_249 = tpu.vector_load %arg6[%parallel_loop3A_247, %parallel_loop3A_248] {strides = array<i32>} : memref<32x768xf32, #tpu.memory_space<vmem>>, vector<1x16xf32>,
        %parallel_loop3A_250 = vector.shape_cast %parallel_loop3A_249 : vector<1x16xf32> to vector<16xf32>
        %parallel_loop3A_251 = vector.shape_cast %parallel_loop3A_246 : vector<16xf32> to vector<1x16xf32>
        tpu.vector_store %arg6[%parallel_loop3A_247, %parallel_loop3A_248], %parallel_loop3A_251 {add = true, strides = array<i32>} : memref<32x768xf32, #tpu.memory_space<vmem>>, vector<1x16xf32>,
        %parallel_loop3A_252 = arith.index_cast %parallel_loop3A_107 : i32 to index
        %parallel_loop3A_253 = arith.constant 256 : index
        %parallel_loop3A_254 = tpu.vector_load %arg5[%parallel_loop3A_252, %parallel_loop3A_253] {strides = array<i32>} : memref<32x768xf32, #tpu.memory_space<vmem>>, vector<1x16xf32>,
        %parallel_loop3A_255 = vector.shape_cast %parallel_loop3A_254 : vector<1x16xf32> to vector<16xf32>
        %parallel_loop3A_256 = arith.index_cast %parallel_loop3A_107 : i32 to index
        %parallel_loop3A_257 = arith.constant 256 : index
        %parallel_loop3A_258 = tpu.vector_load %arg6[%parallel_loop3A_256, %parallel_loop3A_257] {strides = array<i32>} : memref<32x768xf32, #tpu.memory_space<vmem>>, vector<1x16xf32>,
        %parallel_loop3A_259 = vector.shape_cast %parallel_loop3A_258 : vector<1x16xf32> to vector<16xf32>
        %parallel_loop3A_260 = vector.shape_cast %parallel_loop3A_255 : vector<16xf32> to vector<1x16xf32>
        tpu.vector_store %arg6[%parallel_loop3A_256, %parallel_loop3A_257], %parallel_loop3A_260 {add = true, strides = array<i32>} : memref<32x768xf32, #tpu.memory_space<vmem>>, vector<1x16xf32>,
        %parallel_loop3A_261 = arith.index_cast %parallel_loop3A_107 : i32 to index
        %parallel_loop3A_262 = arith.constant 272 : index
        %parallel_loop3A_263 = tpu.vector_load %arg5[%parallel_loop3A_261, %parallel_loop3A_262] {strides = array<i32>} : memref<32x768xf32, #tpu.memory_space<vmem>>, vector<1x16xf32>,
        %parallel_loop3A_264 = vector.shape_cast %parallel_loop3A_263 : vector<1x16xf32> to vector<16xf32>
        %parallel_loop3A_265 = arith.index_cast %parallel_loop3A_107 : i32 to index
        %parallel_loop3A_266 = arith.constant 272 : index
        %parallel_loop3A_267 = tpu.vector_load %arg6[%parallel_loop3A_265, %parallel_loop3A_266] {strides = array<i32>} : memref<32x768xf32, #tpu.memory_space<vmem>>, vector<1x16xf32>,
        %parallel_loop3A_268 = vector.shape_cast %parallel_loop3A_267 : vector<1x16xf32> to vector<16xf32>
        %parallel_loop3A_269 = vector.shape_cast %parallel_loop3A_264 : vector<16xf32> to vector<1x16xf32>
        tpu.vector_store %arg6[%parallel_loop3A_265, %parallel_loop3A_266], %parallel_loop3A_269 {add = true, strides = array<i32>} : memref<32x768xf32, #tpu.memory_space<vmem>>, vector<1x16xf32>,
        %parallel_loop3A_270 = arith.index_cast %parallel_loop3A_107 : i32 to index
        %parallel_loop3A_271 = arith.constant 288 : index
        %parallel_loop3A_272 = tpu.vector_load %arg5[%parallel_loop3A_270, %parallel_loop3A_271] {strides = array<i32>} : memref<32x768xf32, #tpu.memory_space<vmem>>, vector<1x16xf32>,
        %parallel_loop3A_273 = vector.shape_cast %parallel_loop3A_272 : vector<1x16xf32> to vector<16xf32>
        %parallel_loop3A_274 = arith.index_cast %parallel_loop3A_107 : i32 to index
        %parallel_loop3A_275 = arith.constant 288 : index
        %parallel_loop3A_276 = tpu.vector_load %arg6[%parallel_loop3A_274, %parallel_loop3A_275] {strides = array<i32>} : memref<32x768xf32, #tpu.memory_space<vmem>>, vector<1x16xf32>,
        %parallel_loop3A_277 = vector.shape_cast %parallel_loop3A_276 : vector<1x16xf32> to vector<16xf32>
        %parallel_loop3A_278 = vector.shape_cast %parallel_loop3A_273 : vector<16xf32> to vector<1x16xf32>
        tpu.vector_store %arg6[%parallel_loop3A_274, %parallel_loop3A_275], %parallel_loop3A_278 {add = true, strides = array<i32>} : memref<32x768xf32, #tpu.memory_space<vmem>>, vector<1x16xf32>,
        %parallel_loop3A_279 = arith.index_cast %parallel_loop3A_107 : i32 to index
        %parallel_loop3A_280 = arith.constant 304 : index
        %parallel_loop3A_281 = tpu.vector_load %arg5[%parallel_loop3A_279, %parallel_loop3A_280] {strides = array<i32>} : memref<32x768xf32, #tpu.memory_space<vmem>>, vector<1x16xf32>,
        %parallel_loop3A_282 = vector.shape_cast %parallel_loop3A_281 : vector<1x16xf32> to vector<16xf32>
        %parallel_loop3A_283 = arith.index_cast %parallel_loop3A_107 : i32 to index
        %parallel_loop3A_284 = arith.constant 304 : index
        %parallel_loop3A_285 = tpu.vector_load %arg6[%parallel_loop3A_283, %parallel_loop3A_284] {strides = array<i32>} : memref<32x768xf32, #tpu.memory_space<vmem>>, vector<1x16xf32>,
        %parallel_loop3A_286 = vector.shape_cast %parallel_loop3A_285 : vector<1x16xf32> to vector<16xf32>
        %parallel_loop3A_287 = vector.shape_cast %parallel_loop3A_282 : vector<16xf32> to vector<1x16xf32>
        tpu.vector_store %arg6[%parallel_loop3A_283, %parallel_loop3A_284], %parallel_loop3A_287 {add = true, strides = array<i32>} : memref<32x768xf32, #tpu.memory_space<vmem>>, vector<1x16xf32>,
        %parallel_loop3A_288 = arith.index_cast %parallel_loop3A_107 : i32 to index
        %parallel_loop3A_289 = arith.constant 320 : index
        %parallel_loop3A_290 = tpu.vector_load %arg5[%parallel_loop3A_288, %parallel_loop3A_289] {strides = array<i32>} : memref<32x768xf32, #tpu.memory_space<vmem>>, vector<1x16xf32>,
        %parallel_loop3A_291 = vector.shape_cast %parallel_loop3A_290 : vector<1x16xf32> to vector<16xf32>
        %parallel_loop3A_292 = arith.index_cast %parallel_loop3A_107 : i32 to index
        %parallel_loop3A_293 = arith.constant 320 : index
        %parallel_loop3A_294 = tpu.vector_load %arg6[%parallel_loop3A_292, %parallel_loop3A_293] {strides = array<i32>} : memref<32x768xf32, #tpu.memory_space<vmem>>, vector<1x16xf32>,
        %parallel_loop3A_295 = vector.shape_cast %parallel_loop3A_294 : vector<1x16xf32> to vector<16xf32>
        %parallel_loop3A_296 = vector.shape_cast %parallel_loop3A_291 : vector<16xf32> to vector<1x16xf32>
        tpu.vector_store %arg6[%parallel_loop3A_292, %parallel_loop3A_293], %parallel_loop3A_296 {add = true, strides = array<i32>} : memref<32x768xf32, #tpu.memory_space<vmem>>, vector<1x16xf32>,
        %parallel_loop3A_297 = arith.index_cast %parallel_loop3A_107 : i32 to index
        %parallel_loop3A_298 = arith.constant 336 : index
        %parallel_loop3A_299 = tpu.vector_load %arg5[%parallel_loop3A_297, %parallel_loop3A_298] {strides = array<i32>} : memref<32x768xf32, #tpu.memory_space<vmem>>, vector<1x16xf32>,
        %parallel_loop3A_300 = vector.shape_cast %parallel_loop3A_299 : vector<1x16xf32> to vector<16xf32>
        %parallel_loop3A_301 = arith.index_cast %parallel_loop3A_107 : i32 to index
        %parallel_loop3A_302 = arith.constant 336 : index
        %parallel_loop3A_303 = tpu.vector_load %arg6[%parallel_loop3A_301, %parallel_loop3A_302] {strides = array<i32>} : memref<32x768xf32, #tpu.memory_space<vmem>>, vector<1x16xf32>,
        %parallel_loop3A_304 = vector.shape_cast %parallel_loop3A_303 : vector<1x16xf32> to vector<16xf32>
        %parallel_loop3A_305 = vector.shape_cast %parallel_loop3A_300 : vector<16xf32> to vector<1x16xf32>
        tpu.vector_store %arg6[%parallel_loop3A_301, %parallel_loop3A_302], %parallel_loop3A_305 {add = true, strides = array<i32>} : memref<32x768xf32, #tpu.memory_space<vmem>>, vector<1x16xf32>,
        %parallel_loop3A_306 = arith.index_cast %parallel_loop3A_107 : i32 to index
        %parallel_loop3A_307 = arith.constant 352 : index
        %parallel_loop3A_308 = tpu.vector_load %arg5[%parallel_loop3A_306, %parallel_loop3A_307] {strides = array<i32>} : memref<32x768xf32, #tpu.memory_space<vmem>>, vector<1x16xf32>,
        %parallel_loop3A_309 = vector.shape_cast %parallel_loop3A_308 : vector<1x16xf32> to vector<16xf32>
        %parallel_loop3A_310 = arith.index_cast %parallel_loop3A_107 : i32 to index
        %parallel_loop3A_311 = arith.constant 352 : index
        %parallel_loop3A_312 = tpu.vector_load %arg6[%parallel_loop3A_310, %parallel_loop3A_311] {strides = array<i32>} : memref<32x768xf32, #tpu.memory_space<vmem>>, vector<1x16xf32>,
        %parallel_loop3A_313 = vector.shape_cast %parallel_loop3A_312 : vector<1x16xf32> to vector<16xf32>
        %parallel_loop3A_314 = vector.shape_cast %parallel_loop3A_309 : vector<16xf32> to vector<1x16xf32>
        tpu.vector_store %arg6[%parallel_loop3A_310, %parallel_loop3A_311], %parallel_loop3A_314 {add = true, strides = array<i32>} : memref<32x768xf32, #tpu.memory_space<vmem>>, vector<1x16xf32>,
        %parallel_loop3A_315 = arith.index_cast %parallel_loop3A_107 : i32 to index
        %parallel_loop3A_316 = arith.constant 368 : index
        %parallel_loop3A_317 = tpu.vector_load %arg5[%parallel_loop3A_315, %parallel_loop3A_316] {strides = array<i32>} : memref<32x768xf32, #tpu.memory_space<vmem>>, vector<1x16xf32>,
        %parallel_loop3A_318 = vector.shape_cast %parallel_loop3A_317 : vector<1x16xf32> to vector<16xf32>
        %parallel_loop3A_319 = arith.index_cast %parallel_loop3A_107 : i32 to index
        %parallel_loop3A_320 = arith.constant 368 : index
        %parallel_loop3A_321 = tpu.vector_load %arg6[%parallel_loop3A_319, %parallel_loop3A_320] {strides = array<i32>} : memref<32x768xf32, #tpu.memory_space<vmem>>, vector<1x16xf32>,
        %parallel_loop3A_322 = vector.shape_cast %parallel_loop3A_321 : vector<1x16xf32> to vector<16xf32>
        %parallel_loop3A_323 = vector.shape_cast %parallel_loop3A_318 : vector<16xf32> to vector<1x16xf32>
        tpu.vector_store %arg6[%parallel_loop3A_319, %parallel_loop3A_320], %parallel_loop3A_323 {add = true, strides = array<i32>} : memref<32x768xf32, #tpu.memory_space<vmem>>, vector<1x16xf32>,
        %parallel_loop3A_324 = arith.index_cast %parallel_loop3A_107 : i32 to index
        %parallel_loop3A_325 = arith.constant 384 : index
        %parallel_loop3A_326 = tpu.vector_load %arg5[%parallel_loop3A_324, %parallel_loop3A_325] {strides = array<i32>} : memref<32x768xf32, #tpu.memory_space<vmem>>, vector<1x16xf32>,
        %parallel_loop3A_327 = vector.shape_cast %parallel_loop3A_326 : vector<1x16xf32> to vector<16xf32>
        %parallel_loop3A_328 = arith.index_cast %parallel_loop3A_107 : i32 to index
        %parallel_loop3A_329 = arith.constant 384 : index
        %parallel_loop3A_330 = tpu.vector_load %arg6[%parallel_loop3A_328, %parallel_loop3A_329] {strides = array<i32>} : memref<32x768xf32, #tpu.memory_space<vmem>>, vector<1x16xf32>,
        %parallel_loop3A_331 = vector.shape_cast %parallel_loop3A_330 : vector<1x16xf32> to vector<16xf32>
        %parallel_loop3A_332 = vector.shape_cast %parallel_loop3A_327 : vector<16xf32> to vector<1x16xf32>
        tpu.vector_store %arg6[%parallel_loop3A_328, %parallel_loop3A_329], %parallel_loop3A_332 {add = true, strides = array<i32>} : memref<32x768xf32, #tpu.memory_space<vmem>>, vector<1x16xf32>,
        %parallel_loop3A_333 = arith.index_cast %parallel_loop3A_107 : i32 to index
        %parallel_loop3A_334 = arith.constant 400 : index
        %parallel_loop3A_335 = tpu.vector_load %arg5[%parallel_loop3A_333, %parallel_loop3A_334] {strides = array<i32>} : memref<32x768xf32, #tpu.memory_space<vmem>>, vector<1x16xf32>,
        %parallel_loop3A_336 = vector.shape_cast %parallel_loop3A_335 : vector<1x16xf32> to vector<16xf32>
        %parallel_loop3A_337 = arith.index_cast %parallel_loop3A_107 : i32 to index
        %parallel_loop3A_338 = arith.constant 400 : index
        %parallel_loop3A_339 = tpu.vector_load %arg6[%parallel_loop3A_337, %parallel_loop3A_338] {strides = array<i32>} : memref<32x768xf32, #tpu.memory_space<vmem>>, vector<1x16xf32>,
        %parallel_loop3A_340 = vector.shape_cast %parallel_loop3A_339 : vector<1x16xf32> to vector<16xf32>
        %parallel_loop3A_341 = vector.shape_cast %parallel_loop3A_336 : vector<16xf32> to vector<1x16xf32>
        tpu.vector_store %arg6[%parallel_loop3A_337, %parallel_loop3A_338], %parallel_loop3A_341 {add = true, strides = array<i32>} : memref<32x768xf32, #tpu.memory_space<vmem>>, vector<1x16xf32>,
        %parallel_loop3A_342 = arith.index_cast %parallel_loop3A_107 : i32 to index
        %parallel_loop3A_343 = arith.constant 416 : index
        %parallel_loop3A_344 = tpu.vector_load %arg5[%parallel_loop3A_342, %parallel_loop3A_343] {strides = array<i32>} : memref<32x768xf32, #tpu.memory_space<vmem>>, vector<1x16xf32>,
        %parallel_loop3A_345 = vector.shape_cast %parallel_loop3A_344 : vector<1x16xf32> to vector<16xf32>
        %parallel_loop3A_346 = arith.index_cast %parallel_loop3A_107 : i32 to index
        %parallel_loop3A_347 = arith.constant 416 : index
        %parallel_loop3A_348 = tpu.vector_load %arg6[%parallel_loop3A_346, %parallel_loop3A_347] {strides = array<i32>} : memref<32x768xf32, #tpu.memory_space<vmem>>, vector<1x16xf32>,
        %parallel_loop3A_349 = vector.shape_cast %parallel_loop3A_348 : vector<1x16xf32> to vector<16xf32>
        %parallel_loop3A_350 = vector.shape_cast %parallel_loop3A_345 : vector<16xf32> to vector<1x16xf32>
        tpu.vector_store %arg6[%parallel_loop3A_346, %parallel_loop3A_347], %parallel_loop3A_350 {add = true, strides = array<i32>} : memref<32x768xf32, #tpu.memory_space<vmem>>, vector<1x16xf32>,
        %parallel_loop3A_351 = arith.index_cast %parallel_loop3A_107 : i32 to index
        %parallel_loop3A_352 = arith.constant 432 : index
        %parallel_loop3A_353 = tpu.vector_load %arg5[%parallel_loop3A_351, %parallel_loop3A_352] {strides = array<i32>} : memref<32x768xf32, #tpu.memory_space<vmem>>, vector<1x16xf32>,
        %parallel_loop3A_354 = vector.shape_cast %parallel_loop3A_353 : vector<1x16xf32> to vector<16xf32>
        %parallel_loop3A_355 = arith.index_cast %parallel_loop3A_107 : i32 to index
        %parallel_loop3A_356 = arith.constant 432 : index
        %parallel_loop3A_357 = tpu.vector_load %arg6[%parallel_loop3A_355, %parallel_loop3A_356] {strides = array<i32>} : memref<32x768xf32, #tpu.memory_space<vmem>>, vector<1x16xf32>,
        %parallel_loop3A_358 = vector.shape_cast %parallel_loop3A_357 : vector<1x16xf32> to vector<16xf32>
        %parallel_loop3A_359 = vector.shape_cast %parallel_loop3A_354 : vector<16xf32> to vector<1x16xf32>
        tpu.vector_store %arg6[%parallel_loop3A_355, %parallel_loop3A_356], %parallel_loop3A_359 {add = true, strides = array<i32>} : memref<32x768xf32, #tpu.memory_space<vmem>>, vector<1x16xf32>,
        %parallel_loop3A_360 = arith.index_cast %parallel_loop3A_107 : i32 to index
        %parallel_loop3A_361 = arith.constant 448 : index
        %parallel_loop3A_362 = tpu.vector_load %arg5[%parallel_loop3A_360, %parallel_loop3A_361] {strides = array<i32>} : memref<32x768xf32, #tpu.memory_space<vmem>>, vector<1x16xf32>,
        %parallel_loop3A_363 = vector.shape_cast %parallel_loop3A_362 : vector<1x16xf32> to vector<16xf32>
        %parallel_loop3A_364 = arith.index_cast %parallel_loop3A_107 : i32 to index
        %parallel_loop3A_365 = arith.constant 448 : index
        %parallel_loop3A_366 = tpu.vector_load %arg6[%parallel_loop3A_364, %parallel_loop3A_365] {strides = array<i32>} : memref<32x768xf32, #tpu.memory_space<vmem>>, vector<1x16xf32>,
        %parallel_loop3A_367 = vector.shape_cast %parallel_loop3A_366 : vector<1x16xf32> to vector<16xf32>
        %parallel_loop3A_368 = vector.shape_cast %parallel_loop3A_363 : vector<16xf32> to vector<1x16xf32>
        tpu.vector_store %arg6[%parallel_loop3A_364, %parallel_loop3A_365], %parallel_loop3A_368 {add = true, strides = array<i32>} : memref<32x768xf32, #tpu.memory_space<vmem>>, vector<1x16xf32>,
        %parallel_loop3A_369 = arith.index_cast %parallel_loop3A_107 : i32 to index
        %parallel_loop3A_370 = arith.constant 464 : index
        %parallel_loop3A_371 = tpu.vector_load %arg5[%parallel_loop3A_369, %parallel_loop3A_370] {strides = array<i32>} : memref<32x768xf32, #tpu.memory_space<vmem>>, vector<1x16xf32>,
        %parallel_loop3A_372 = vector.shape_cast %parallel_loop3A_371 : vector<1x16xf32> to vector<16xf32>
        %parallel_loop3A_373 = arith.index_cast %parallel_loop3A_107 : i32 to index
        %parallel_loop3A_374 = arith.constant 464 : index
        %parallel_loop3A_375 = tpu.vector_load %arg6[%parallel_loop3A_373, %parallel_loop3A_374] {strides = array<i32>} : memref<32x768xf32, #tpu.memory_space<vmem>>, vector<1x16xf32>,
        %parallel_loop3A_376 = vector.shape_cast %parallel_loop3A_375 : vector<1x16xf32> to vector<16xf32>
        %parallel_loop3A_377 = vector.shape_cast %parallel_loop3A_372 : vector<16xf32> to vector<1x16xf32>
        tpu.vector_store %arg6[%parallel_loop3A_373, %parallel_loop3A_374], %parallel_loop3A_377 {add = true, strides = array<i32>} : memref<32x768xf32, #tpu.memory_space<vmem>>, vector<1x16xf32>,
        %parallel_loop3A_378 = arith.index_cast %parallel_loop3A_107 : i32 to index
        %parallel_loop3A_379 = arith.constant 480 : index
        %parallel_loop3A_380 = tpu.vector_load %arg5[%parallel_loop3A_378, %parallel_loop3A_379] {strides = array<i32>} : memref<32x768xf32, #tpu.memory_space<vmem>>, vector<1x16xf32>,
        %parallel_loop3A_381 = vector.shape_cast %parallel_loop3A_380 : vector<1x16xf32> to vector<16xf32>
        %parallel_loop3A_382 = arith.index_cast %parallel_loop3A_107 : i32 to index
        %parallel_loop3A_383 = arith.constant 480 : index
        %parallel_loop3A_384 = tpu.vector_load %arg6[%parallel_loop3A_382, %parallel_loop3A_383] {strides = array<i32>} : memref<32x768xf32, #tpu.memory_space<vmem>>, vector<1x16xf32>,
        %parallel_loop3A_385 = vector.shape_cast %parallel_loop3A_384 : vector<1x16xf32> to vector<16xf32>
        %parallel_loop3A_386 = vector.shape_cast %parallel_loop3A_381 : vector<16xf32> to vector<1x16xf32>
        tpu.vector_store %arg6[%parallel_loop3A_382, %parallel_loop3A_383], %parallel_loop3A_386 {add = true, strides = array<i32>} : memref<32x768xf32, #tpu.memory_space<vmem>>, vector<1x16xf32>,
        %parallel_loop3A_387 = arith.index_cast %parallel_loop3A_107 : i32 to index
        %parallel_loop3A_388 = arith.constant 496 : index
        %parallel_loop3A_389 = tpu.vector_load %arg5[%parallel_loop3A_387, %parallel_loop3A_388] {strides = array<i32>} : memref<32x768xf32, #tpu.memory_space<vmem>>, vector<1x16xf32>,
        %parallel_loop3A_390 = vector.shape_cast %parallel_loop3A_389 : vector<1x16xf32> to vector<16xf32>
        %parallel_loop3A_391 = arith.index_cast %parallel_loop3A_107 : i32 to index
        %parallel_loop3A_392 = arith.constant 496 : index
        %parallel_loop3A_393 = tpu.vector_load %arg6[%parallel_loop3A_391, %parallel_loop3A_392] {strides = array<i32>} : memref<32x768xf32, #tpu.memory_space<vmem>>, vector<1x16xf32>,
        %parallel_loop3A_394 = vector.shape_cast %parallel_loop3A_393 : vector<1x16xf32> to vector<16xf32>
        %parallel_loop3A_395 = vector.shape_cast %parallel_loop3A_390 : vector<16xf32> to vector<1x16xf32>
        tpu.vector_store %arg6[%parallel_loop3A_391, %parallel_loop3A_392], %parallel_loop3A_395 {add = true, strides = array<i32>} : memref<32x768xf32, #tpu.memory_space<vmem>>, vector<1x16xf32>,
        %parallel_loop3A_396 = arith.index_cast %parallel_loop3A_107 : i32 to index
        %parallel_loop3A_397 = arith.constant 512 : index
        %parallel_loop3A_398 = tpu.vector_load %arg5[%parallel_loop3A_396, %parallel_loop3A_397] {strides = array<i32>} : memref<32x768xf32, #tpu.memory_space<vmem>>, vector<1x16xf32>,
        %parallel_loop3A_399 = vector.shape_cast %parallel_loop3A_398 : vector<1x16xf32> to vector<16xf32>
        %parallel_loop3A_400 = arith.index_cast %parallel_loop3A_107 : i32 to index
        %parallel_loop3A_401 = arith.constant 512 : index
        %parallel_loop3A_402 = tpu.vector_load %arg6[%parallel_loop3A_400, %parallel_loop3A_401] {strides = array<i32>} : memref<32x768xf32, #tpu.memory_space<vmem>>, vector<1x16xf32>,
        %parallel_loop3A_403 = vector.shape_cast %parallel_loop3A_402 : vector<1x16xf32> to vector<16xf32>
        %parallel_loop3A_404 = vector.shape_cast %parallel_loop3A_399 : vector<16xf32> to vector<1x16xf32>
        tpu.vector_store %arg6[%parallel_loop3A_400, %parallel_loop3A_401], %parallel_loop3A_404 {add = true, strides = array<i32>} : memref<32x768xf32, #tpu.memory_space<vmem>>, vector<1x16xf32>,
        %parallel_loop3A_405 = arith.index_cast %parallel_loop3A_107 : i32 to index
        %parallel_loop3A_406 = arith.constant 528 : index
        %parallel_loop3A_407 = tpu.vector_load %arg5[%parallel_loop3A_405, %parallel_loop3A_406] {strides = array<i32>} : memref<32x768xf32, #tpu.memory_space<vmem>>, vector<1x16xf32>,
        %parallel_loop3A_408 = vector.shape_cast %parallel_loop3A_407 : vector<1x16xf32> to vector<16xf32>
        %parallel_loop3A_409 = arith.index_cast %parallel_loop3A_107 : i32 to index
        %parallel_loop3A_410 = arith.constant 528 : index
        %parallel_loop3A_411 = tpu.vector_load %arg6[%parallel_loop3A_409, %parallel_loop3A_410] {strides = array<i32>} : memref<32x768xf32, #tpu.memory_space<vmem>>, vector<1x16xf32>,
        %parallel_loop3A_412 = vector.shape_cast %parallel_loop3A_411 : vector<1x16xf32> to vector<16xf32>
        %parallel_loop3A_413 = vector.shape_cast %parallel_loop3A_408 : vector<16xf32> to vector<1x16xf32>
        tpu.vector_store %arg6[%parallel_loop3A_409, %parallel_loop3A_410], %parallel_loop3A_413 {add = true, strides = array<i32>} : memref<32x768xf32, #tpu.memory_space<vmem>>, vector<1x16xf32>,
        %parallel_loop3A_414 = arith.index_cast %parallel_loop3A_107 : i32 to index
        %parallel_loop3A_415 = arith.constant 544 : index
        %parallel_loop3A_416 = tpu.vector_load %arg5[%parallel_loop3A_414, %parallel_loop3A_415] {strides = array<i32>} : memref<32x768xf32, #tpu.memory_space<vmem>>, vector<1x16xf32>,
        %parallel_loop3A_417 = vector.shape_cast %parallel_loop3A_416 : vector<1x16xf32> to vector<16xf32>
        %parallel_loop3A_418 = arith.index_cast %parallel_loop3A_107 : i32 to index
        %parallel_loop3A_419 = arith.constant 544 : index
        %parallel_loop3A_420 = tpu.vector_load %arg6[%parallel_loop3A_418, %parallel_loop3A_419] {strides = array<i32>} : memref<32x768xf32, #tpu.memory_space<vmem>>, vector<1x16xf32>,
        %parallel_loop3A_421 = vector.shape_cast %parallel_loop3A_420 : vector<1x16xf32> to vector<16xf32>
        %parallel_loop3A_422 = vector.shape_cast %parallel_loop3A_417 : vector<16xf32> to vector<1x16xf32>
        tpu.vector_store %arg6[%parallel_loop3A_418, %parallel_loop3A_419], %parallel_loop3A_422 {add = true, strides = array<i32>} : memref<32x768xf32, #tpu.memory_space<vmem>>, vector<1x16xf32>,
        %parallel_loop3A_423 = arith.index_cast %parallel_loop3A_107 : i32 to index
        %parallel_loop3A_424 = arith.constant 560 : index
        %parallel_loop3A_425 = tpu.vector_load %arg5[%parallel_loop3A_423, %parallel_loop3A_424] {strides = array<i32>} : memref<32x768xf32, #tpu.memory_space<vmem>>, vector<1x16xf32>,
        %parallel_loop3A_426 = vector.shape_cast %parallel_loop3A_425 : vector<1x16xf32> to vector<16xf32>
        %parallel_loop3A_427 = arith.index_cast %parallel_loop3A_107 : i32 to index
        %parallel_loop3A_428 = arith.constant 560 : index
        %parallel_loop3A_429 = tpu.vector_load %arg6[%parallel_loop3A_427, %parallel_loop3A_428] {strides = array<i32>} : memref<32x768xf32, #tpu.memory_space<vmem>>, vector<1x16xf32>,
        %parallel_loop3A_430 = vector.shape_cast %parallel_loop3A_429 : vector<1x16xf32> to vector<16xf32>
        %parallel_loop3A_431 = vector.shape_cast %parallel_loop3A_426 : vector<16xf32> to vector<1x16xf32>
        tpu.vector_store %arg6[%parallel_loop3A_427, %parallel_loop3A_428], %parallel_loop3A_431 {add = true, strides = array<i32>} : memref<32x768xf32, #tpu.memory_space<vmem>>, vector<1x16xf32>,
        %parallel_loop3A_432 = arith.index_cast %parallel_loop3A_107 : i32 to index
        %parallel_loop3A_433 = arith.constant 576 : index
        %parallel_loop3A_434 = tpu.vector_load %arg5[%parallel_loop3A_432, %parallel_loop3A_433] {strides = array<i32>} : memref<32x768xf32, #tpu.memory_space<vmem>>, vector<1x16xf32>,
        %parallel_loop3A_435 = vector.shape_cast %parallel_loop3A_434 : vector<1x16xf32> to vector<16xf32>
        %parallel_loop3A_436 = arith.index_cast %parallel_loop3A_107 : i32 to index
        %parallel_loop3A_437 = arith.constant 576 : index
        %parallel_loop3A_438 = tpu.vector_load %arg6[%parallel_loop3A_436, %parallel_loop3A_437] {strides = array<i32>} : memref<32x768xf32, #tpu.memory_space<vmem>>, vector<1x16xf32>,
        %parallel_loop3A_439 = vector.shape_cast %parallel_loop3A_438 : vector<1x16xf32> to vector<16xf32>
        %parallel_loop3A_440 = vector.shape_cast %parallel_loop3A_435 : vector<16xf32> to vector<1x16xf32>
        tpu.vector_store %arg6[%parallel_loop3A_436, %parallel_loop3A_437], %parallel_loop3A_440 {add = true, strides = array<i32>} : memref<32x768xf32, #tpu.memory_space<vmem>>, vector<1x16xf32>,
        %parallel_loop3A_441 = arith.index_cast %parallel_loop3A_107 : i32 to index
        %parallel_loop3A_442 = arith.constant 592 : index
        %parallel_loop3A_443 = tpu.vector_load %arg5[%parallel_loop3A_441, %parallel_loop3A_442] {strides = array<i32>} : memref<32x768xf32, #tpu.memory_space<vmem>>, vector<1x16xf32>,
        %parallel_loop3A_444 = vector.shape_cast %parallel_loop3A_443 : vector<1x16xf32> to vector<16xf32>
        %parallel_loop3A_445 = arith.index_cast %parallel_loop3A_107 : i32 to index
        %parallel_loop3A_446 = arith.constant 592 : index
        %parallel_loop3A_447 = tpu.vector_load %arg6[%parallel_loop3A_445, %parallel_loop3A_446] {strides = array<i32>} : memref<32x768xf32, #tpu.memory_space<vmem>>, vector<1x16xf32>,
        %parallel_loop3A_448 = vector.shape_cast %parallel_loop3A_447 : vector<1x16xf32> to vector<16xf32>
        %parallel_loop3A_449 = vector.shape_cast %parallel_loop3A_444 : vector<16xf32> to vector<1x16xf32>
        tpu.vector_store %arg6[%parallel_loop3A_445, %parallel_loop3A_446], %parallel_loop3A_449 {add = true, strides = array<i32>} : memref<32x768xf32, #tpu.memory_space<vmem>>, vector<1x16xf32>,
        %parallel_loop3A_450 = arith.index_cast %parallel_loop3A_107 : i32 to index
        %parallel_loop3A_451 = arith.constant 608 : index
        %parallel_loop3A_452 = tpu.vector_load %arg5[%parallel_loop3A_450, %parallel_loop3A_451] {strides = array<i32>} : memref<32x768xf32, #tpu.memory_space<vmem>>, vector<1x16xf32>,
        %parallel_loop3A_453 = vector.shape_cast %parallel_loop3A_452 : vector<1x16xf32> to vector<16xf32>
        %parallel_loop3A_454 = arith.index_cast %parallel_loop3A_107 : i32 to index
        %parallel_loop3A_455 = arith.constant 608 : index
        %parallel_loop3A_456 = tpu.vector_load %arg6[%parallel_loop3A_454, %parallel_loop3A_455] {strides = array<i32>} : memref<32x768xf32, #tpu.memory_space<vmem>>, vector<1x16xf32>,
        %parallel_loop3A_457 = vector.shape_cast %parallel_loop3A_456 : vector<1x16xf32> to vector<16xf32>
        %parallel_loop3A_458 = vector.shape_cast %parallel_loop3A_453 : vector<16xf32> to vector<1x16xf32>
        tpu.vector_store %arg6[%parallel_loop3A_454, %parallel_loop3A_455], %parallel_loop3A_458 {add = true, strides = array<i32>} : memref<32x768xf32, #tpu.memory_space<vmem>>, vector<1x16xf32>,
        %parallel_loop3A_459 = arith.index_cast %parallel_loop3A_107 : i32 to index
        %parallel_loop3A_460 = arith.constant 624 : index
        %parallel_loop3A_461 = tpu.vector_load %arg5[%parallel_loop3A_459, %parallel_loop3A_460] {strides = array<i32>} : memref<32x768xf32, #tpu.memory_space<vmem>>, vector<1x16xf32>,
        %parallel_loop3A_462 = vector.shape_cast %parallel_loop3A_461 : vector<1x16xf32> to vector<16xf32>
        %parallel_loop3A_463 = arith.index_cast %parallel_loop3A_107 : i32 to index
        %parallel_loop3A_464 = arith.constant 624 : index
        %parallel_loop3A_465 = tpu.vector_load %arg6[%parallel_loop3A_463, %parallel_loop3A_464] {strides = array<i32>} : memref<32x768xf32, #tpu.memory_space<vmem>>, vector<1x16xf32>,
        %parallel_loop3A_466 = vector.shape_cast %parallel_loop3A_465 : vector<1x16xf32> to vector<16xf32>
        %parallel_loop3A_467 = vector.shape_cast %parallel_loop3A_462 : vector<16xf32> to vector<1x16xf32>
        tpu.vector_store %arg6[%parallel_loop3A_463, %parallel_loop3A_464], %parallel_loop3A_467 {add = true, strides = array<i32>} : memref<32x768xf32, #tpu.memory_space<vmem>>, vector<1x16xf32>,
        %parallel_loop3A_468 = arith.index_cast %parallel_loop3A_107 : i32 to index
        %parallel_loop3A_469 = arith.constant 640 : index
        %parallel_loop3A_470 = tpu.vector_load %arg5[%parallel_loop3A_468, %parallel_loop3A_469] {strides = array<i32>} : memref<32x768xf32, #tpu.memory_space<vmem>>, vector<1x16xf32>,
        %parallel_loop3A_471 = vector.shape_cast %parallel_loop3A_470 : vector<1x16xf32> to vector<16xf32>
        %parallel_loop3A_472 = arith.index_cast %parallel_loop3A_107 : i32 to index
        %parallel_loop3A_473 = arith.constant 640 : index
        %parallel_loop3A_474 = tpu.vector_load %arg6[%parallel_loop3A_472, %parallel_loop3A_473] {strides = array<i32>} : memref<32x768xf32, #tpu.memory_space<vmem>>, vector<1x16xf32>,
        %parallel_loop3A_475 = vector.shape_cast %parallel_loop3A_474 : vector<1x16xf32> to vector<16xf32>
        %parallel_loop3A_476 = vector.shape_cast %parallel_loop3A_471 : vector<16xf32> to vector<1x16xf32>
        tpu.vector_store %arg6[%parallel_loop3A_472, %parallel_loop3A_473], %parallel_loop3A_476 {add = true, strides = array<i32>} : memref<32x768xf32, #tpu.memory_space<vmem>>, vector<1x16xf32>,
        %parallel_loop3A_477 = arith.index_cast %parallel_loop3A_107 : i32 to index
        %parallel_loop3A_478 = arith.constant 656 : index
        %parallel_loop3A_479 = tpu.vector_load %arg5[%parallel_loop3A_477, %parallel_loop3A_478] {strides = array<i32>} : memref<32x768xf32, #tpu.memory_space<vmem>>, vector<1x16xf32>,
        %parallel_loop3A_480 = vector.shape_cast %parallel_loop3A_479 : vector<1x16xf32> to vector<16xf32>
        %parallel_loop3A_481 = arith.index_cast %parallel_loop3A_107 : i32 to index
        %parallel_loop3A_482 = arith.constant 656 : index
        %parallel_loop3A_483 = tpu.vector_load %arg6[%parallel_loop3A_481, %parallel_loop3A_482] {strides = array<i32>} : memref<32x768xf32, #tpu.memory_space<vmem>>, vector<1x16xf32>,
        %parallel_loop3A_484 = vector.shape_cast %parallel_loop3A_483 : vector<1x16xf32> to vector<16xf32>
        %parallel_loop3A_485 = vector.shape_cast %parallel_loop3A_480 : vector<16xf32> to vector<1x16xf32>
        tpu.vector_store %arg6[%parallel_loop3A_481, %parallel_loop3A_482], %parallel_loop3A_485 {add = true, strides = array<i32>} : memref<32x768xf32, #tpu.memory_space<vmem>>, vector<1x16xf32>,
        %parallel_loop3A_486 = arith.index_cast %parallel_loop3A_107 : i32 to index
        %parallel_loop3A_487 = arith.constant 672 : index
        %parallel_loop3A_488 = tpu.vector_load %arg5[%parallel_loop3A_486, %parallel_loop3A_487] {strides = array<i32>} : memref<32x768xf32, #tpu.memory_space<vmem>>, vector<1x16xf32>,
        %parallel_loop3A_489 = vector.shape_cast %parallel_loop3A_488 : vector<1x16xf32> to vector<16xf32>
        %parallel_loop3A_490 = arith.index_cast %parallel_loop3A_107 : i32 to index
        %parallel_loop3A_491 = arith.constant 672 : index
        %parallel_loop3A_492 = tpu.vector_load %arg6[%parallel_loop3A_490, %parallel_loop3A_491] {strides = array<i32>} : memref<32x768xf32, #tpu.memory_space<vmem>>, vector<1x16xf32>,
        %parallel_loop3A_493 = vector.shape_cast %parallel_loop3A_492 : vector<1x16xf32> to vector<16xf32>
        %parallel_loop3A_494 = vector.shape_cast %parallel_loop3A_489 : vector<16xf32> to vector<1x16xf32>
        tpu.vector_store %arg6[%parallel_loop3A_490, %parallel_loop3A_491], %parallel_loop3A_494 {add = true, strides = array<i32>} : memref<32x768xf32, #tpu.memory_space<vmem>>, vector<1x16xf32>,
        %parallel_loop3A_495 = arith.index_cast %parallel_loop3A_107 : i32 to index
        %parallel_loop3A_496 = arith.constant 688 : index
        %parallel_loop3A_497 = tpu.vector_load %arg5[%parallel_loop3A_495, %parallel_loop3A_496] {strides = array<i32>} : memref<32x768xf32, #tpu.memory_space<vmem>>, vector<1x16xf32>,
        %parallel_loop3A_498 = vector.shape_cast %parallel_loop3A_497 : vector<1x16xf32> to vector<16xf32>
        %parallel_loop3A_499 = arith.index_cast %parallel_loop3A_107 : i32 to index
        %parallel_loop3A_500 = arith.constant 688 : index
        %parallel_loop3A_501 = tpu.vector_load %arg6[%parallel_loop3A_499, %parallel_loop3A_500] {strides = array<i32>} : memref<32x768xf32, #tpu.memory_space<vmem>>, vector<1x16xf32>,
        %parallel_loop3A_502 = vector.shape_cast %parallel_loop3A_501 : vector<1x16xf32> to vector<16xf32>
        %parallel_loop3A_503 = vector.shape_cast %parallel_loop3A_498 : vector<16xf32> to vector<1x16xf32>
        tpu.vector_store %arg6[%parallel_loop3A_499, %parallel_loop3A_500], %parallel_loop3A_503 {add = true, strides = array<i32>} : memref<32x768xf32, #tpu.memory_space<vmem>>, vector<1x16xf32>,
        %parallel_loop3A_504 = arith.index_cast %parallel_loop3A_107 : i32 to index
        %parallel_loop3A_505 = arith.constant 704 : index
        %parallel_loop3A_506 = tpu.vector_load %arg5[%parallel_loop3A_504, %parallel_loop3A_505] {strides = array<i32>} : memref<32x768xf32, #tpu.memory_space<vmem>>, vector<1x16xf32>,
        %parallel_loop3A_507 = vector.shape_cast %parallel_loop3A_506 : vector<1x16xf32> to vector<16xf32>
        %parallel_loop3A_508 = arith.index_cast %parallel_loop3A_107 : i32 to index
        %parallel_loop3A_509 = arith.constant 704 : index
        %parallel_loop3A_510 = tpu.vector_load %arg6[%parallel_loop3A_508, %parallel_loop3A_509] {strides = array<i32>} : memref<32x768xf32, #tpu.memory_space<vmem>>, vector<1x16xf32>,
        %parallel_loop3A_511 = vector.shape_cast %parallel_loop3A_510 : vector<1x16xf32> to vector<16xf32>
        %parallel_loop3A_512 = vector.shape_cast %parallel_loop3A_507 : vector<16xf32> to vector<1x16xf32>
        tpu.vector_store %arg6[%parallel_loop3A_508, %parallel_loop3A_509], %parallel_loop3A_512 {add = true, strides = array<i32>} : memref<32x768xf32, #tpu.memory_space<vmem>>, vector<1x16xf32>,
        %parallel_loop3A_513 = arith.index_cast %parallel_loop3A_107 : i32 to index
        %parallel_loop3A_514 = arith.constant 720 : index
        %parallel_loop3A_515 = tpu.vector_load %arg5[%parallel_loop3A_513, %parallel_loop3A_514] {strides = array<i32>} : memref<32x768xf32, #tpu.memory_space<vmem>>, vector<1x16xf32>,
        %parallel_loop3A_516 = vector.shape_cast %parallel_loop3A_515 : vector<1x16xf32> to vector<16xf32>
        %parallel_loop3A_517 = arith.index_cast %parallel_loop3A_107 : i32 to index
        %parallel_loop3A_518 = arith.constant 720 : index
        %parallel_loop3A_519 = tpu.vector_load %arg6[%parallel_loop3A_517, %parallel_loop3A_518] {strides = array<i32>} : memref<32x768xf32, #tpu.memory_space<vmem>>, vector<1x16xf32>,
        %parallel_loop3A_520 = vector.shape_cast %parallel_loop3A_519 : vector<1x16xf32> to vector<16xf32>
        %parallel_loop3A_521 = vector.shape_cast %parallel_loop3A_516 : vector<16xf32> to vector<1x16xf32>
        tpu.vector_store %arg6[%parallel_loop3A_517, %parallel_loop3A_518], %parallel_loop3A_521 {add = true, strides = array<i32>} : memref<32x768xf32, #tpu.memory_space<vmem>>, vector<1x16xf32>,
        %parallel_loop3A_522 = arith.index_cast %parallel_loop3A_107 : i32 to index
        %parallel_loop3A_523 = arith.constant 736 : index
        %parallel_loop3A_524 = tpu.vector_load %arg5[%parallel_loop3A_522, %parallel_loop3A_523] {strides = array<i32>} : memref<32x768xf32, #tpu.memory_space<vmem>>, vector<1x16xf32>,
        %parallel_loop3A_525 = vector.shape_cast %parallel_loop3A_524 : vector<1x16xf32> to vector<16xf32>
        %parallel_loop3A_526 = arith.index_cast %parallel_loop3A_107 : i32 to index
        %parallel_loop3A_527 = arith.constant 736 : index
        %parallel_loop3A_528 = tpu.vector_load %arg6[%parallel_loop3A_526, %parallel_loop3A_527] {strides = array<i32>} : memref<32x768xf32, #tpu.memory_space<vmem>>, vector<1x16xf32>,
        %parallel_loop3A_529 = vector.shape_cast %parallel_loop3A_528 : vector<1x16xf32> to vector<16xf32>
        %parallel_loop3A_530 = vector.shape_cast %parallel_loop3A_525 : vector<16xf32> to vector<1x16xf32>
        tpu.vector_store %arg6[%parallel_loop3A_526, %parallel_loop3A_527], %parallel_loop3A_530 {add = true, strides = array<i32>} : memref<32x768xf32, #tpu.memory_space<vmem>>, vector<1x16xf32>,
        %parallel_loop3A_531 = arith.index_cast %parallel_loop3A_107 : i32 to index
        %parallel_loop3A_532 = arith.constant 752 : index
        %parallel_loop3A_533 = tpu.vector_load %arg5[%parallel_loop3A_531, %parallel_loop3A_532] {strides = array<i32>} : memref<32x768xf32, #tpu.memory_space<vmem>>, vector<1x16xf32>,
        %parallel_loop3A_534 = vector.shape_cast %parallel_loop3A_533 : vector<1x16xf32> to vector<16xf32>
        %parallel_loop3A_535 = arith.index_cast %parallel_loop3A_107 : i32 to index
        %parallel_loop3A_536 = arith.constant 752 : index
        %parallel_loop3A_537 = tpu.vector_load %arg6[%parallel_loop3A_535, %parallel_loop3A_536] {strides = array<i32>} : memref<32x768xf32, #tpu.memory_space<vmem>>, vector<1x16xf32>,
        %parallel_loop3A_538 = vector.shape_cast %parallel_loop3A_537 : vector<1x16xf32> to vector<16xf32>
        %parallel_loop3A_539 = vector.shape_cast %parallel_loop3A_534 : vector<16xf32> to vector<1x16xf32>
        tpu.vector_store %arg6[%parallel_loop3A_535, %parallel_loop3A_536], %parallel_loop3A_539 {add = true, strides = array<i32>} : memref<32x768xf32, #tpu.memory_space<vmem>>, vector<1x16xf32>,
      } {sc.loop_unroll_factor = 1 : i64, sc.parallel_access}
      %add3A_40 = arith.constant 0 : i32
      %add3A_41 = arith.addi %add3A_40, %add3A_11 : i32
      %dma_start3A_42 = arith.constant 0 : i32
      %dma_start3A_43 = tpu.memref_slice %arg4[%add3A_41, %dma_start3A_42] : memref<32768x768xf32, #tpu.memory_space<hbm>> -> memref<32x768xf32, #tpu.memory_space<hbm>>
      %dma_start3A_44 = arith.constant 0 : i32
      %dma_start3A_45 = tpu.memref_slice %arg4[%add3A_41, %dma_start3A_44] : memref<32768x768xf32, #tpu.memory_space<hbm>> -> memref<32x768xf32, #tpu.memory_space<hbm>>
      tpu.enqueue_dma source(%arg6 : memref<32x768xf32, #tpu.memory_space<vmem>>) target(%dma_start3A_45 : memref<32x768xf32, #tpu.memory_space<hbm>>) target_semaphore(%arg13 : memref<!tpu.dma_semaphore, #tpu.memory_space<semaphore_mem>>)
      %dma_wait3A_46 = arith.constant 0 : i32
      %dma_wait3A_47 = tpu.memref_slice %arg2[%add3A_20, %dma_wait3A_46] : memref<32768x768xf32, #tpu.memory_space<hbm>> -> memref<32x768xf32, #tpu.memory_space<hbm>>
      %dma_wait3A_48 = arith.constant 0 : i32
      %dma_wait3A_49 = tpu.memref_slice %arg2[%add3A_20, %dma_wait3A_48] : memref<32768x768xf32, #tpu.memory_space<hbm>> -> memref<32x768xf32, #tpu.memory_space<hbm>>
      tpu.wait_dma2 semaphore(%arg11 : memref<!tpu.dma_semaphore, #tpu.memory_space<semaphore_mem>>) src(%dma_wait3A_49 : memref<32x768xf32, #tpu.memory_space<hbm>>) dst(%arg7 : memref<32x768xf32, #tpu.memory_space<vmem>>)
      %dma_wait3A_50 = arith.constant 0 : i32
      %dma_wait3A_51 = tpu.memref_slice %arg4[%add3A_41, %dma_wait3A_50] : memref<32768x768xf32, #tpu.memory_space<hbm>> -> memref<32x768xf32, #tpu.memory_space<hbm>>
      %dma_wait3A_52 = arith.constant 0 : i32
      %dma_wait3A_53 = tpu.memref_slice %arg4[%add3A_41, %dma_wait3A_52] : memref<32768x768xf32, #tpu.memory_space<hbm>> -> memref<32x768xf32, #tpu.memory_space<hbm>>
      tpu.wait_dma2 semaphore(%arg13 : memref<!tpu.dma_semaphore, #tpu.memory_space<semaphore_mem>>) src(%arg6 : memref<32x768xf32, #tpu.memory_space<vmem>>) dst(%dma_wait3A_53 : memref<32x768xf32, #tpu.memory_space<hbm>>)
      %add3A_54 = arith.constant 24576 : i32
      %add3A_55 = arith.addi %add3A_54, %add3A_11 : i32
      %dma_start3A_56 = arith.constant 0 : i32
      %dma_start3A_57 = tpu.memref_slice %arg2[%add3A_55, %dma_start3A_56] : memref<32768x768xf32, #tpu.memory_space<hbm>> -> memref<32x768xf32, #tpu.memory_space<hbm>>
      %dma_start3A_58 = arith.constant 0 : i32
      %dma_start3A_59 = tpu.memref_slice %arg2[%add3A_55, %dma_start3A_58] : memref<32768x768xf32, #tpu.memory_space<hbm>> -> memref<32x768xf32, #tpu.memory_space<hbm>>
      tpu.enqueue_dma source(%dma_start3A_59 : memref<32x768xf32, #tpu.memory_space<hbm>>) target(%arg6 : memref<32x768xf32, #tpu.memory_space<vmem>>) target_semaphore(%arg10 : memref<!tpu.dma_semaphore, #tpu.memory_space<semaphore_mem>>)
      %parallel_loop3A_60 = arith.constant 0 : i32
      %parallel_loop3A_61 = arith.constant 32 : i32
      %parallel_loop3A_62 = arith.constant 1 : i32
      scf.for %parallel_loop3A_107 = %parallel_loop3A_60 to %parallel_loop3A_61 step %parallel_loop3A_62  : i32 {
        %parallel_loop3A_108 = arith.index_cast %parallel_loop3A_107 : i32 to index
        %parallel_loop3A_109 = arith.constant 0 : index
        %parallel_loop3A_110 = tpu.vector_load %arg5[%parallel_loop3A_108, %parallel_loop3A_109] {strides = array<i32>} : memref<32x768xf32, #tpu.memory_space<vmem>>, vector<1x16xf32>,
        %parallel_loop3A_111 = vector.shape_cast %parallel_loop3A_110 : vector<1x16xf32> to vector<16xf32>
        %parallel_loop3A_112 = arith.index_cast %parallel_loop3A_107 : i32 to index
        %parallel_loop3A_113 = arith.constant 0 : index
        %parallel_loop3A_114 = tpu.vector_load %arg7[%parallel_loop3A_112, %parallel_loop3A_113] {strides = array<i32>} : memref<32x768xf32, #tpu.memory_space<vmem>>, vector<1x16xf32>,
        %parallel_loop3A_115 = vector.shape_cast %parallel_loop3A_114 : vector<1x16xf32> to vector<16xf32>
        %parallel_loop3A_116 = vector.shape_cast %parallel_loop3A_111 : vector<16xf32> to vector<1x16xf32>
        tpu.vector_store %arg7[%parallel_loop3A_112, %parallel_loop3A_113], %parallel_loop3A_116 {add = true, strides = array<i32>} : memref<32x768xf32, #tpu.memory_space<vmem>>, vector<1x16xf32>,
        %parallel_loop3A_117 = arith.index_cast %parallel_loop3A_107 : i32 to index
        %parallel_loop3A_118 = arith.constant 16 : index
        %parallel_loop3A_119 = tpu.vector_load %arg5[%parallel_loop3A_117, %parallel_loop3A_118] {strides = array<i32>} : memref<32x768xf32, #tpu.memory_space<vmem>>, vector<1x16xf32>,
        %parallel_loop3A_120 = vector.shape_cast %parallel_loop3A_119 : vector<1x16xf32> to vector<16xf32>
        %parallel_loop3A_121 = arith.index_cast %parallel_loop3A_107 : i32 to index
        %parallel_loop3A_122 = arith.constant 16 : index
        %parallel_loop3A_123 = tpu.vector_load %arg7[%parallel_loop3A_121, %parallel_loop3A_122] {strides = array<i32>} : memref<32x768xf32, #tpu.memory_space<vmem>>, vector<1x16xf32>,
        %parallel_loop3A_124 = vector.shape_cast %parallel_loop3A_123 : vector<1x16xf32> to vector<16xf32>
        %parallel_loop3A_125 = vector.shape_cast %parallel_loop3A_120 : vector<16xf32> to vector<1x16xf32>
        tpu.vector_store %arg7[%parallel_loop3A_121, %parallel_loop3A_122], %parallel_loop3A_125 {add = true, strides = array<i32>} : memref<32x768xf32, #tpu.memory_space<vmem>>, vector<1x16xf32>,
        %parallel_loop3A_126 = arith.index_cast %parallel_loop3A_107 : i32 to index
        %parallel_loop3A_127 = arith.constant 32 : index
        %parallel_loop3A_128 = tpu.vector_load %arg5[%parallel_loop3A_126, %parallel_loop3A_127] {strides = array<i32>} : memref<32x768xf32, #tpu.memory_space<vmem>>, vector<1x16xf32>,
        %parallel_loop3A_129 = vector.shape_cast %parallel_loop3A_128 : vector<1x16xf32> to vector<16xf32>
        %parallel_loop3A_130 = arith.index_cast %parallel_loop3A_107 : i32 to index
        %parallel_loop3A_131 = arith.constant 32 : index
        %parallel_loop3A_132 = tpu.vector_load %arg7[%parallel_loop3A_130, %parallel_loop3A_131] {strides = array<i32>} : memref<32x768xf32, #tpu.memory_space<vmem>>, vector<1x16xf32>,
        %parallel_loop3A_133 = vector.shape_cast %parallel_loop3A_132 : vector<1x16xf32> to vector<16xf32>
        %parallel_loop3A_134 = vector.shape_cast %parallel_loop3A_129 : vector<16xf32> to vector<1x16xf32>
        tpu.vector_store %arg7[%parallel_loop3A_130, %parallel_loop3A_131], %parallel_loop3A_134 {add = true, strides = array<i32>} : memref<32x768xf32, #tpu.memory_space<vmem>>, vector<1x16xf32>,
        %parallel_loop3A_135 = arith.index_cast %parallel_loop3A_107 : i32 to index
        %parallel_loop3A_136 = arith.constant 48 : index
        %parallel_loop3A_137 = tpu.vector_load %arg5[%parallel_loop3A_135, %parallel_loop3A_136] {strides = array<i32>} : memref<32x768xf32, #tpu.memory_space<vmem>>, vector<1x16xf32>,
        %parallel_loop3A_138 = vector.shape_cast %parallel_loop3A_137 : vector<1x16xf32> to vector<16xf32>
        %parallel_loop3A_139 = arith.index_cast %parallel_loop3A_107 : i32 to index
        %parallel_loop3A_140 = arith.constant 48 : index
        %parallel_loop3A_141 = tpu.vector_load %arg7[%parallel_loop3A_139, %parallel_loop3A_140] {strides = array<i32>} : memref<32x768xf32, #tpu.memory_space<vmem>>, vector<1x16xf32>,
        %parallel_loop3A_142 = vector.shape_cast %parallel_loop3A_141 : vector<1x16xf32> to vector<16xf32>
        %parallel_loop3A_143 = vector.shape_cast %parallel_loop3A_138 : vector<16xf32> to vector<1x16xf32>
        tpu.vector_store %arg7[%parallel_loop3A_139, %parallel_loop3A_140], %parallel_loop3A_143 {add = true, strides = array<i32>} : memref<32x768xf32, #tpu.memory_space<vmem>>, vector<1x16xf32>,
        %parallel_loop3A_144 = arith.index_cast %parallel_loop3A_107 : i32 to index
        %parallel_loop3A_145 = arith.constant 64 : index
        %parallel_loop3A_146 = tpu.vector_load %arg5[%parallel_loop3A_144, %parallel_loop3A_145] {strides = array<i32>} : memref<32x768xf32, #tpu.memory_space<vmem>>, vector<1x16xf32>,
        %parallel_loop3A_147 = vector.shape_cast %parallel_loop3A_146 : vector<1x16xf32> to vector<16xf32>
        %parallel_loop3A_148 = arith.index_cast %parallel_loop3A_107 : i32 to index
        %parallel_loop3A_149 = arith.constant 64 : index
        %parallel_loop3A_150 = tpu.vector_load %arg7[%parallel_loop3A_148, %parallel_loop3A_149] {strides = array<i32>} : memref<32x768xf32, #tpu.memory_space<vmem>>, vector<1x16xf32>,
        %parallel_loop3A_151 = vector.shape_cast %parallel_loop3A_150 : vector<1x16xf32> to vector<16xf32>
        %parallel_loop3A_152 = vector.shape_cast %parallel_loop3A_147 : vector<16xf32> to vector<1x16xf32>
        tpu.vector_store %arg7[%parallel_loop3A_148, %parallel_loop3A_149], %parallel_loop3A_152 {add = true, strides = array<i32>} : memref<32x768xf32, #tpu.memory_space<vmem>>, vector<1x16xf32>,
        %parallel_loop3A_153 = arith.index_cast %parallel_loop3A_107 : i32 to index
        %parallel_loop3A_154 = arith.constant 80 : index
        %parallel_loop3A_155 = tpu.vector_load %arg5[%parallel_loop3A_153, %parallel_loop3A_154] {strides = array<i32>} : memref<32x768xf32, #tpu.memory_space<vmem>>, vector<1x16xf32>,
        %parallel_loop3A_156 = vector.shape_cast %parallel_loop3A_155 : vector<1x16xf32> to vector<16xf32>
        %parallel_loop3A_157 = arith.index_cast %parallel_loop3A_107 : i32 to index
        %parallel_loop3A_158 = arith.constant 80 : index
        %parallel_loop3A_159 = tpu.vector_load %arg7[%parallel_loop3A_157, %parallel_loop3A_158] {strides = array<i32>} : memref<32x768xf32, #tpu.memory_space<vmem>>, vector<1x16xf32>,
        %parallel_loop3A_160 = vector.shape_cast %parallel_loop3A_159 : vector<1x16xf32> to vector<16xf32>
        %parallel_loop3A_161 = vector.shape_cast %parallel_loop3A_156 : vector<16xf32> to vector<1x16xf32>
        tpu.vector_store %arg7[%parallel_loop3A_157, %parallel_loop3A_158], %parallel_loop3A_161 {add = true, strides = array<i32>} : memref<32x768xf32, #tpu.memory_space<vmem>>, vector<1x16xf32>,
        %parallel_loop3A_162 = arith.index_cast %parallel_loop3A_107 : i32 to index
        %parallel_loop3A_163 = arith.constant 96 : index
        %parallel_loop3A_164 = tpu.vector_load %arg5[%parallel_loop3A_162, %parallel_loop3A_163] {strides = array<i32>} : memref<32x768xf32, #tpu.memory_space<vmem>>, vector<1x16xf32>,
        %parallel_loop3A_165 = vector.shape_cast %parallel_loop3A_164 : vector<1x16xf32> to vector<16xf32>
        %parallel_loop3A_166 = arith.index_cast %parallel_loop3A_107 : i32 to index
        %parallel_loop3A_167 = arith.constant 96 : index
        %parallel_loop3A_168 = tpu.vector_load %arg7[%parallel_loop3A_166, %parallel_loop3A_167] {strides = array<i32>} : memref<32x768xf32, #tpu.memory_space<vmem>>, vector<1x16xf32>,
        %parallel_loop3A_169 = vector.shape_cast %parallel_loop3A_168 : vector<1x16xf32> to vector<16xf32>
        %parallel_loop3A_170 = vector.shape_cast %parallel_loop3A_165 : vector<16xf32> to vector<1x16xf32>
        tpu.vector_store %arg7[%parallel_loop3A_166, %parallel_loop3A_167], %parallel_loop3A_170 {add = true, strides = array<i32>} : memref<32x768xf32, #tpu.memory_space<vmem>>, vector<1x16xf32>,
        %parallel_loop3A_171 = arith.index_cast %parallel_loop3A_107 : i32 to index
        %parallel_loop3A_172 = arith.constant 112 : index
        %parallel_loop3A_173 = tpu.vector_load %arg5[%parallel_loop3A_171, %parallel_loop3A_172] {strides = array<i32>} : memref<32x768xf32, #tpu.memory_space<vmem>>, vector<1x16xf32>,
        %parallel_loop3A_174 = vector.shape_cast %parallel_loop3A_173 : vector<1x16xf32> to vector<16xf32>
        %parallel_loop3A_175 = arith.index_cast %parallel_loop3A_107 : i32 to index
        %parallel_loop3A_176 = arith.constant 112 : index
        %parallel_loop3A_177 = tpu.vector_load %arg7[%parallel_loop3A_175, %parallel_loop3A_176] {strides = array<i32>} : memref<32x768xf32, #tpu.memory_space<vmem>>, vector<1x16xf32>,
        %parallel_loop3A_178 = vector.shape_cast %parallel_loop3A_177 : vector<1x16xf32> to vector<16xf32>
        %parallel_loop3A_179 = vector.shape_cast %parallel_loop3A_174 : vector<16xf32> to vector<1x16xf32>
        tpu.vector_store %arg7[%parallel_loop3A_175, %parallel_loop3A_176], %parallel_loop3A_179 {add = true, strides = array<i32>} : memref<32x768xf32, #tpu.memory_space<vmem>>, vector<1x16xf32>,
        %parallel_loop3A_180 = arith.index_cast %parallel_loop3A_107 : i32 to index
        %parallel_loop3A_181 = arith.constant 128 : index
        %parallel_loop3A_182 = tpu.vector_load %arg5[%parallel_loop3A_180, %parallel_loop3A_181] {strides = array<i32>} : memref<32x768xf32, #tpu.memory_space<vmem>>, vector<1x16xf32>,
        %parallel_loop3A_183 = vector.shape_cast %parallel_loop3A_182 : vector<1x16xf32> to vector<16xf32>
        %parallel_loop3A_184 = arith.index_cast %parallel_loop3A_107 : i32 to index
        %parallel_loop3A_185 = arith.constant 128 : index
        %parallel_loop3A_186 = tpu.vector_load %arg7[%parallel_loop3A_184, %parallel_loop3A_185] {strides = array<i32>} : memref<32x768xf32, #tpu.memory_space<vmem>>, vector<1x16xf32>,
        %parallel_loop3A_187 = vector.shape_cast %parallel_loop3A_186 : vector<1x16xf32> to vector<16xf32>
        %parallel_loop3A_188 = vector.shape_cast %parallel_loop3A_183 : vector<16xf32> to vector<1x16xf32>
        tpu.vector_store %arg7[%parallel_loop3A_184, %parallel_loop3A_185], %parallel_loop3A_188 {add = true, strides = array<i32>} : memref<32x768xf32, #tpu.memory_space<vmem>>, vector<1x16xf32>,
        %parallel_loop3A_189 = arith.index_cast %parallel_loop3A_107 : i32 to index
        %parallel_loop3A_190 = arith.constant 144 : index
        %parallel_loop3A_191 = tpu.vector_load %arg5[%parallel_loop3A_189, %parallel_loop3A_190] {strides = array<i32>} : memref<32x768xf32, #tpu.memory_space<vmem>>, vector<1x16xf32>,
        %parallel_loop3A_192 = vector.shape_cast %parallel_loop3A_191 : vector<1x16xf32> to vector<16xf32>
        %parallel_loop3A_193 = arith.index_cast %parallel_loop3A_107 : i32 to index
        %parallel_loop3A_194 = arith.constant 144 : index
        %parallel_loop3A_195 = tpu.vector_load %arg7[%parallel_loop3A_193, %parallel_loop3A_194] {strides = array<i32>} : memref<32x768xf32, #tpu.memory_space<vmem>>, vector<1x16xf32>,
        %parallel_loop3A_196 = vector.shape_cast %parallel_loop3A_195 : vector<1x16xf32> to vector<16xf32>
        %parallel_loop3A_197 = vector.shape_cast %parallel_loop3A_192 : vector<16xf32> to vector<1x16xf32>
        tpu.vector_store %arg7[%parallel_loop3A_193, %parallel_loop3A_194], %parallel_loop3A_197 {add = true, strides = array<i32>} : memref<32x768xf32, #tpu.memory_space<vmem>>, vector<1x16xf32>,
        %parallel_loop3A_198 = arith.index_cast %parallel_loop3A_107 : i32 to index
        %parallel_loop3A_199 = arith.constant 160 : index
        %parallel_loop3A_200 = tpu.vector_load %arg5[%parallel_loop3A_198, %parallel_loop3A_199] {strides = array<i32>} : memref<32x768xf32, #tpu.memory_space<vmem>>, vector<1x16xf32>,
        %parallel_loop3A_201 = vector.shape_cast %parallel_loop3A_200 : vector<1x16xf32> to vector<16xf32>
        %parallel_loop3A_202 = arith.index_cast %parallel_loop3A_107 : i32 to index
        %parallel_loop3A_203 = arith.constant 160 : index
        %parallel_loop3A_204 = tpu.vector_load %arg7[%parallel_loop3A_202, %parallel_loop3A_203] {strides = array<i32>} : memref<32x768xf32, #tpu.memory_space<vmem>>, vector<1x16xf32>,
        %parallel_loop3A_205 = vector.shape_cast %parallel_loop3A_204 : vector<1x16xf32> to vector<16xf32>
        %parallel_loop3A_206 = vector.shape_cast %parallel_loop3A_201 : vector<16xf32> to vector<1x16xf32>
        tpu.vector_store %arg7[%parallel_loop3A_202, %parallel_loop3A_203], %parallel_loop3A_206 {add = true, strides = array<i32>} : memref<32x768xf32, #tpu.memory_space<vmem>>, vector<1x16xf32>,
        %parallel_loop3A_207 = arith.index_cast %parallel_loop3A_107 : i32 to index
        %parallel_loop3A_208 = arith.constant 176 : index
        %parallel_loop3A_209 = tpu.vector_load %arg5[%parallel_loop3A_207, %parallel_loop3A_208] {strides = array<i32>} : memref<32x768xf32, #tpu.memory_space<vmem>>, vector<1x16xf32>,
        %parallel_loop3A_210 = vector.shape_cast %parallel_loop3A_209 : vector<1x16xf32> to vector<16xf32>
        %parallel_loop3A_211 = arith.index_cast %parallel_loop3A_107 : i32 to index
        %parallel_loop3A_212 = arith.constant 176 : index
        %parallel_loop3A_213 = tpu.vector_load %arg7[%parallel_loop3A_211, %parallel_loop3A_212] {strides = array<i32>} : memref<32x768xf32, #tpu.memory_space<vmem>>, vector<1x16xf32>,
        %parallel_loop3A_214 = vector.shape_cast %parallel_loop3A_213 : vector<1x16xf32> to vector<16xf32>
        %parallel_loop3A_215 = vector.shape_cast %parallel_loop3A_210 : vector<16xf32> to vector<1x16xf32>
        tpu.vector_store %arg7[%parallel_loop3A_211, %parallel_loop3A_212], %parallel_loop3A_215 {add = true, strides = array<i32>} : memref<32x768xf32, #tpu.memory_space<vmem>>, vector<1x16xf32>,
        %parallel_loop3A_216 = arith.index_cast %parallel_loop3A_107 : i32 to index
        %parallel_loop3A_217 = arith.constant 192 : index
        %parallel_loop3A_218 = tpu.vector_load %arg5[%parallel_loop3A_216, %parallel_loop3A_217] {strides = array<i32>} : memref<32x768xf32, #tpu.memory_space<vmem>>, vector<1x16xf32>,
        %parallel_loop3A_219 = vector.shape_cast %parallel_loop3A_218 : vector<1x16xf32> to vector<16xf32>
        %parallel_loop3A_220 = arith.index_cast %parallel_loop3A_107 : i32 to index
        %parallel_loop3A_221 = arith.constant 192 : index
        %parallel_loop3A_222 = tpu.vector_load %arg7[%parallel_loop3A_220, %parallel_loop3A_221] {strides = array<i32>} : memref<32x768xf32, #tpu.memory_space<vmem>>, vector<1x16xf32>,
        %parallel_loop3A_223 = vector.shape_cast %parallel_loop3A_222 : vector<1x16xf32> to vector<16xf32>
        %parallel_loop3A_224 = vector.shape_cast %parallel_loop3A_219 : vector<16xf32> to vector<1x16xf32>
        tpu.vector_store %arg7[%parallel_loop3A_220, %parallel_loop3A_221], %parallel_loop3A_224 {add = true, strides = array<i32>} : memref<32x768xf32, #tpu.memory_space<vmem>>, vector<1x16xf32>,
        %parallel_loop3A_225 = arith.index_cast %parallel_loop3A_107 : i32 to index
        %parallel_loop3A_226 = arith.constant 208 : index
        %parallel_loop3A_227 = tpu.vector_load %arg5[%parallel_loop3A_225, %parallel_loop3A_226] {strides = array<i32>} : memref<32x768xf32, #tpu.memory_space<vmem>>, vector<1x16xf32>,
        %parallel_loop3A_228 = vector.shape_cast %parallel_loop3A_227 : vector<1x16xf32> to vector<16xf32>
        %parallel_loop3A_229 = arith.index_cast %parallel_loop3A_107 : i32 to index
        %parallel_loop3A_230 = arith.constant 208 : index
        %parallel_loop3A_231 = tpu.vector_load %arg7[%parallel_loop3A_229, %parallel_loop3A_230] {strides = array<i32>} : memref<32x768xf32, #tpu.memory_space<vmem>>, vector<1x16xf32>,
        %parallel_loop3A_232 = vector.shape_cast %parallel_loop3A_231 : vector<1x16xf32> to vector<16xf32>
        %parallel_loop3A_233 = vector.shape_cast %parallel_loop3A_228 : vector<16xf32> to vector<1x16xf32>
        tpu.vector_store %arg7[%parallel_loop3A_229, %parallel_loop3A_230], %parallel_loop3A_233 {add = true, strides = array<i32>} : memref<32x768xf32, #tpu.memory_space<vmem>>, vector<1x16xf32>,
        %parallel_loop3A_234 = arith.index_cast %parallel_loop3A_107 : i32 to index
        %parallel_loop3A_235 = arith.constant 224 : index
        %parallel_loop3A_236 = tpu.vector_load %arg5[%parallel_loop3A_234, %parallel_loop3A_235] {strides = array<i32>} : memref<32x768xf32, #tpu.memory_space<vmem>>, vector<1x16xf32>,
        %parallel_loop3A_237 = vector.shape_cast %parallel_loop3A_236 : vector<1x16xf32> to vector<16xf32>
        %parallel_loop3A_238 = arith.index_cast %parallel_loop3A_107 : i32 to index
        %parallel_loop3A_239 = arith.constant 224 : index
        %parallel_loop3A_240 = tpu.vector_load %arg7[%parallel_loop3A_238, %parallel_loop3A_239] {strides = array<i32>} : memref<32x768xf32, #tpu.memory_space<vmem>>, vector<1x16xf32>,
        %parallel_loop3A_241 = vector.shape_cast %parallel_loop3A_240 : vector<1x16xf32> to vector<16xf32>
        %parallel_loop3A_242 = vector.shape_cast %parallel_loop3A_237 : vector<16xf32> to vector<1x16xf32>
        tpu.vector_store %arg7[%parallel_loop3A_238, %parallel_loop3A_239], %parallel_loop3A_242 {add = true, strides = array<i32>} : memref<32x768xf32, #tpu.memory_space<vmem>>, vector<1x16xf32>,
        %parallel_loop3A_243 = arith.index_cast %parallel_loop3A_107 : i32 to index
        %parallel_loop3A_244 = arith.constant 240 : index
        %parallel_loop3A_245 = tpu.vector_load %arg5[%parallel_loop3A_243, %parallel_loop3A_244] {strides = array<i32>} : memref<32x768xf32, #tpu.memory_space<vmem>>, vector<1x16xf32>,
        %parallel_loop3A_246 = vector.shape_cast %parallel_loop3A_245 : vector<1x16xf32> to vector<16xf32>
        %parallel_loop3A_247 = arith.index_cast %parallel_loop3A_107 : i32 to index
        %parallel_loop3A_248 = arith.constant 240 : index
        %parallel_loop3A_249 = tpu.vector_load %arg7[%parallel_loop3A_247, %parallel_loop3A_248] {strides = array<i32>} : memref<32x768xf32, #tpu.memory_space<vmem>>, vector<1x16xf32>,
        %parallel_loop3A_250 = vector.shape_cast %parallel_loop3A_249 : vector<1x16xf32> to vector<16xf32>
        %parallel_loop3A_251 = vector.shape_cast %parallel_loop3A_246 : vector<16xf32> to vector<1x16xf32>
        tpu.vector_store %arg7[%parallel_loop3A_247, %parallel_loop3A_248], %parallel_loop3A_251 {add = true, strides = array<i32>} : memref<32x768xf32, #tpu.memory_space<vmem>>, vector<1x16xf32>,
        %parallel_loop3A_252 = arith.index_cast %parallel_loop3A_107 : i32 to index
        %parallel_loop3A_253 = arith.constant 256 : index
        %parallel_loop3A_254 = tpu.vector_load %arg5[%parallel_loop3A_252, %parallel_loop3A_253] {strides = array<i32>} : memref<32x768xf32, #tpu.memory_space<vmem>>, vector<1x16xf32>,
        %parallel_loop3A_255 = vector.shape_cast %parallel_loop3A_254 : vector<1x16xf32> to vector<16xf32>
        %parallel_loop3A_256 = arith.index_cast %parallel_loop3A_107 : i32 to index
        %parallel_loop3A_257 = arith.constant 256 : index
        %parallel_loop3A_258 = tpu.vector_load %arg7[%parallel_loop3A_256, %parallel_loop3A_257] {strides = array<i32>} : memref<32x768xf32, #tpu.memory_space<vmem>>, vector<1x16xf32>,
        %parallel_loop3A_259 = vector.shape_cast %parallel_loop3A_258 : vector<1x16xf32> to vector<16xf32>
        %parallel_loop3A_260 = vector.shape_cast %parallel_loop3A_255 : vector<16xf32> to vector<1x16xf32>
        tpu.vector_store %arg7[%parallel_loop3A_256, %parallel_loop3A_257], %parallel_loop3A_260 {add = true, strides = array<i32>} : memref<32x768xf32, #tpu.memory_space<vmem>>, vector<1x16xf32>,
        %parallel_loop3A_261 = arith.index_cast %parallel_loop3A_107 : i32 to index
        %parallel_loop3A_262 = arith.constant 272 : index
        %parallel_loop3A_263 = tpu.vector_load %arg5[%parallel_loop3A_261, %parallel_loop3A_262] {strides = array<i32>} : memref<32x768xf32, #tpu.memory_space<vmem>>, vector<1x16xf32>,
        %parallel_loop3A_264 = vector.shape_cast %parallel_loop3A_263 : vector<1x16xf32> to vector<16xf32>
        %parallel_loop3A_265 = arith.index_cast %parallel_loop3A_107 : i32 to index
        %parallel_loop3A_266 = arith.constant 272 : index
        %parallel_loop3A_267 = tpu.vector_load %arg7[%parallel_loop3A_265, %parallel_loop3A_266] {strides = array<i32>} : memref<32x768xf32, #tpu.memory_space<vmem>>, vector<1x16xf32>,
        %parallel_loop3A_268 = vector.shape_cast %parallel_loop3A_267 : vector<1x16xf32> to vector<16xf32>
        %parallel_loop3A_269 = vector.shape_cast %parallel_loop3A_264 : vector<16xf32> to vector<1x16xf32>
        tpu.vector_store %arg7[%parallel_loop3A_265, %parallel_loop3A_266], %parallel_loop3A_269 {add = true, strides = array<i32>} : memref<32x768xf32, #tpu.memory_space<vmem>>, vector<1x16xf32>,
        %parallel_loop3A_270 = arith.index_cast %parallel_loop3A_107 : i32 to index
        %parallel_loop3A_271 = arith.constant 288 : index
        %parallel_loop3A_272 = tpu.vector_load %arg5[%parallel_loop3A_270, %parallel_loop3A_271] {strides = array<i32>} : memref<32x768xf32, #tpu.memory_space<vmem>>, vector<1x16xf32>,
        %parallel_loop3A_273 = vector.shape_cast %parallel_loop3A_272 : vector<1x16xf32> to vector<16xf32>
        %parallel_loop3A_274 = arith.index_cast %parallel_loop3A_107 : i32 to index
        %parallel_loop3A_275 = arith.constant 288 : index
        %parallel_loop3A_276 = tpu.vector_load %arg7[%parallel_loop3A_274, %parallel_loop3A_275] {strides = array<i32>} : memref<32x768xf32, #tpu.memory_space<vmem>>, vector<1x16xf32>,
        %parallel_loop3A_277 = vector.shape_cast %parallel_loop3A_276 : vector<1x16xf32> to vector<16xf32>
        %parallel_loop3A_278 = vector.shape_cast %parallel_loop3A_273 : vector<16xf32> to vector<1x16xf32>
        tpu.vector_store %arg7[%parallel_loop3A_274, %parallel_loop3A_275], %parallel_loop3A_278 {add = true, strides = array<i32>} : memref<32x768xf32, #tpu.memory_space<vmem>>, vector<1x16xf32>,
        %parallel_loop3A_279 = arith.index_cast %parallel_loop3A_107 : i32 to index
        %parallel_loop3A_280 = arith.constant 304 : index
        %parallel_loop3A_281 = tpu.vector_load %arg5[%parallel_loop3A_279, %parallel_loop3A_280] {strides = array<i32>} : memref<32x768xf32, #tpu.memory_space<vmem>>, vector<1x16xf32>,
        %parallel_loop3A_282 = vector.shape_cast %parallel_loop3A_281 : vector<1x16xf32> to vector<16xf32>
        %parallel_loop3A_283 = arith.index_cast %parallel_loop3A_107 : i32 to index
        %parallel_loop3A_284 = arith.constant 304 : index
        %parallel_loop3A_285 = tpu.vector_load %arg7[%parallel_loop3A_283, %parallel_loop3A_284] {strides = array<i32>} : memref<32x768xf32, #tpu.memory_space<vmem>>, vector<1x16xf32>,
        %parallel_loop3A_286 = vector.shape_cast %parallel_loop3A_285 : vector<1x16xf32> to vector<16xf32>
        %parallel_loop3A_287 = vector.shape_cast %parallel_loop3A_282 : vector<16xf32> to vector<1x16xf32>
        tpu.vector_store %arg7[%parallel_loop3A_283, %parallel_loop3A_284], %parallel_loop3A_287 {add = true, strides = array<i32>} : memref<32x768xf32, #tpu.memory_space<vmem>>, vector<1x16xf32>,
        %parallel_loop3A_288 = arith.index_cast %parallel_loop3A_107 : i32 to index
        %parallel_loop3A_289 = arith.constant 320 : index
        %parallel_loop3A_290 = tpu.vector_load %arg5[%parallel_loop3A_288, %parallel_loop3A_289] {strides = array<i32>} : memref<32x768xf32, #tpu.memory_space<vmem>>, vector<1x16xf32>,
        %parallel_loop3A_291 = vector.shape_cast %parallel_loop3A_290 : vector<1x16xf32> to vector<16xf32>
        %parallel_loop3A_292 = arith.index_cast %parallel_loop3A_107 : i32 to index
        %parallel_loop3A_293 = arith.constant 320 : index
        %parallel_loop3A_294 = tpu.vector_load %arg7[%parallel_loop3A_292, %parallel_loop3A_293] {strides = array<i32>} : memref<32x768xf32, #tpu.memory_space<vmem>>, vector<1x16xf32>,
        %parallel_loop3A_295 = vector.shape_cast %parallel_loop3A_294 : vector<1x16xf32> to vector<16xf32>
        %parallel_loop3A_296 = vector.shape_cast %parallel_loop3A_291 : vector<16xf32> to vector<1x16xf32>
        tpu.vector_store %arg7[%parallel_loop3A_292, %parallel_loop3A_293], %parallel_loop3A_296 {add = true, strides = array<i32>} : memref<32x768xf32, #tpu.memory_space<vmem>>, vector<1x16xf32>,
        %parallel_loop3A_297 = arith.index_cast %parallel_loop3A_107 : i32 to index
        %parallel_loop3A_298 = arith.constant 336 : index
        %parallel_loop3A_299 = tpu.vector_load %arg5[%parallel_loop3A_297, %parallel_loop3A_298] {strides = array<i32>} : memref<32x768xf32, #tpu.memory_space<vmem>>, vector<1x16xf32>,
        %parallel_loop3A_300 = vector.shape_cast %parallel_loop3A_299 : vector<1x16xf32> to vector<16xf32>
        %parallel_loop3A_301 = arith.index_cast %parallel_loop3A_107 : i32 to index
        %parallel_loop3A_302 = arith.constant 336 : index
        %parallel_loop3A_303 = tpu.vector_load %arg7[%parallel_loop3A_301, %parallel_loop3A_302] {strides = array<i32>} : memref<32x768xf32, #tpu.memory_space<vmem>>, vector<1x16xf32>,
        %parallel_loop3A_304 = vector.shape_cast %parallel_loop3A_303 : vector<1x16xf32> to vector<16xf32>
        %parallel_loop3A_305 = vector.shape_cast %parallel_loop3A_300 : vector<16xf32> to vector<1x16xf32>
        tpu.vector_store %arg7[%parallel_loop3A_301, %parallel_loop3A_302], %parallel_loop3A_305 {add = true, strides = array<i32>} : memref<32x768xf32, #tpu.memory_space<vmem>>, vector<1x16xf32>,
        %parallel_loop3A_306 = arith.index_cast %parallel_loop3A_107 : i32 to index
        %parallel_loop3A_307 = arith.constant 352 : index
        %parallel_loop3A_308 = tpu.vector_load %arg5[%parallel_loop3A_306, %parallel_loop3A_307] {strides = array<i32>} : memref<32x768xf32, #tpu.memory_space<vmem>>, vector<1x16xf32>,
        %parallel_loop3A_309 = vector.shape_cast %parallel_loop3A_308 : vector<1x16xf32> to vector<16xf32>
        %parallel_loop3A_310 = arith.index_cast %parallel_loop3A_107 : i32 to index
        %parallel_loop3A_311 = arith.constant 352 : index
        %parallel_loop3A_312 = tpu.vector_load %arg7[%parallel_loop3A_310, %parallel_loop3A_311] {strides = array<i32>} : memref<32x768xf32, #tpu.memory_space<vmem>>, vector<1x16xf32>,
        %parallel_loop3A_313 = vector.shape_cast %parallel_loop3A_312 : vector<1x16xf32> to vector<16xf32>
        %parallel_loop3A_314 = vector.shape_cast %parallel_loop3A_309 : vector<16xf32> to vector<1x16xf32>
        tpu.vector_store %arg7[%parallel_loop3A_310, %parallel_loop3A_311], %parallel_loop3A_314 {add = true, strides = array<i32>} : memref<32x768xf32, #tpu.memory_space<vmem>>, vector<1x16xf32>,
        %parallel_loop3A_315 = arith.index_cast %parallel_loop3A_107 : i32 to index
        %parallel_loop3A_316 = arith.constant 368 : index
        %parallel_loop3A_317 = tpu.vector_load %arg5[%parallel_loop3A_315, %parallel_loop3A_316] {strides = array<i32>} : memref<32x768xf32, #tpu.memory_space<vmem>>, vector<1x16xf32>,
        %parallel_loop3A_318 = vector.shape_cast %parallel_loop3A_317 : vector<1x16xf32> to vector<16xf32>
        %parallel_loop3A_319 = arith.index_cast %parallel_loop3A_107 : i32 to index
        %parallel_loop3A_320 = arith.constant 368 : index
        %parallel_loop3A_321 = tpu.vector_load %arg7[%parallel_loop3A_319, %parallel_loop3A_320] {strides = array<i32>} : memref<32x768xf32, #tpu.memory_space<vmem>>, vector<1x16xf32>,
        %parallel_loop3A_322 = vector.shape_cast %parallel_loop3A_321 : vector<1x16xf32> to vector<16xf32>
        %parallel_loop3A_323 = vector.shape_cast %parallel_loop3A_318 : vector<16xf32> to vector<1x16xf32>
        tpu.vector_store %arg7[%parallel_loop3A_319, %parallel_loop3A_320], %parallel_loop3A_323 {add = true, strides = array<i32>} : memref<32x768xf32, #tpu.memory_space<vmem>>, vector<1x16xf32>,
        %parallel_loop3A_324 = arith.index_cast %parallel_loop3A_107 : i32 to index
        %parallel_loop3A_325 = arith.constant 384 : index
        %parallel_loop3A_326 = tpu.vector_load %arg5[%parallel_loop3A_324, %parallel_loop3A_325] {strides = array<i32>} : memref<32x768xf32, #tpu.memory_space<vmem>>, vector<1x16xf32>,
        %parallel_loop3A_327 = vector.shape_cast %parallel_loop3A_326 : vector<1x16xf32> to vector<16xf32>
        %parallel_loop3A_328 = arith.index_cast %parallel_loop3A_107 : i32 to index
        %parallel_loop3A_329 = arith.constant 384 : index
        %parallel_loop3A_330 = tpu.vector_load %arg7[%parallel_loop3A_328, %parallel_loop3A_329] {strides = array<i32>} : memref<32x768xf32, #tpu.memory_space<vmem>>, vector<1x16xf32>,
        %parallel_loop3A_331 = vector.shape_cast %parallel_loop3A_330 : vector<1x16xf32> to vector<16xf32>
        %parallel_loop3A_332 = vector.shape_cast %parallel_loop3A_327 : vector<16xf32> to vector<1x16xf32>
        tpu.vector_store %arg7[%parallel_loop3A_328, %parallel_loop3A_329], %parallel_loop3A_332 {add = true, strides = array<i32>} : memref<32x768xf32, #tpu.memory_space<vmem>>, vector<1x16xf32>,
        %parallel_loop3A_333 = arith.index_cast %parallel_loop3A_107 : i32 to index
        %parallel_loop3A_334 = arith.constant 400 : index
        %parallel_loop3A_335 = tpu.vector_load %arg5[%parallel_loop3A_333, %parallel_loop3A_334] {strides = array<i32>} : memref<32x768xf32, #tpu.memory_space<vmem>>, vector<1x16xf32>,
        %parallel_loop3A_336 = vector.shape_cast %parallel_loop3A_335 : vector<1x16xf32> to vector<16xf32>
        %parallel_loop3A_337 = arith.index_cast %parallel_loop3A_107 : i32 to index
        %parallel_loop3A_338 = arith.constant 400 : index
        %parallel_loop3A_339 = tpu.vector_load %arg7[%parallel_loop3A_337, %parallel_loop3A_338] {strides = array<i32>} : memref<32x768xf32, #tpu.memory_space<vmem>>, vector<1x16xf32>,
        %parallel_loop3A_340 = vector.shape_cast %parallel_loop3A_339 : vector<1x16xf32> to vector<16xf32>
        %parallel_loop3A_341 = vector.shape_cast %parallel_loop3A_336 : vector<16xf32> to vector<1x16xf32>
        tpu.vector_store %arg7[%parallel_loop3A_337, %parallel_loop3A_338], %parallel_loop3A_341 {add = true, strides = array<i32>} : memref<32x768xf32, #tpu.memory_space<vmem>>, vector<1x16xf32>,
        %parallel_loop3A_342 = arith.index_cast %parallel_loop3A_107 : i32 to index
        %parallel_loop3A_343 = arith.constant 416 : index
        %parallel_loop3A_344 = tpu.vector_load %arg5[%parallel_loop3A_342, %parallel_loop3A_343] {strides = array<i32>} : memref<32x768xf32, #tpu.memory_space<vmem>>, vector<1x16xf32>,
        %parallel_loop3A_345 = vector.shape_cast %parallel_loop3A_344 : vector<1x16xf32> to vector<16xf32>
        %parallel_loop3A_346 = arith.index_cast %parallel_loop3A_107 : i32 to index
        %parallel_loop3A_347 = arith.constant 416 : index
        %parallel_loop3A_348 = tpu.vector_load %arg7[%parallel_loop3A_346, %parallel_loop3A_347] {strides = array<i32>} : memref<32x768xf32, #tpu.memory_space<vmem>>, vector<1x16xf32>,
        %parallel_loop3A_349 = vector.shape_cast %parallel_loop3A_348 : vector<1x16xf32> to vector<16xf32>
        %parallel_loop3A_350 = vector.shape_cast %parallel_loop3A_345 : vector<16xf32> to vector<1x16xf32>
        tpu.vector_store %arg7[%parallel_loop3A_346, %parallel_loop3A_347], %parallel_loop3A_350 {add = true, strides = array<i32>} : memref<32x768xf32, #tpu.memory_space<vmem>>, vector<1x16xf32>,
        %parallel_loop3A_351 = arith.index_cast %parallel_loop3A_107 : i32 to index
        %parallel_loop3A_352 = arith.constant 432 : index
        %parallel_loop3A_353 = tpu.vector_load %arg5[%parallel_loop3A_351, %parallel_loop3A_352] {strides = array<i32>} : memref<32x768xf32, #tpu.memory_space<vmem>>, vector<1x16xf32>,
        %parallel_loop3A_354 = vector.shape_cast %parallel_loop3A_353 : vector<1x16xf32> to vector<16xf32>
        %parallel_loop3A_355 = arith.index_cast %parallel_loop3A_107 : i32 to index
        %parallel_loop3A_356 = arith.constant 432 : index
        %parallel_loop3A_357 = tpu.vector_load %arg7[%parallel_loop3A_355, %parallel_loop3A_356] {strides = array<i32>} : memref<32x768xf32, #tpu.memory_space<vmem>>, vector<1x16xf32>,
        %parallel_loop3A_358 = vector.shape_cast %parallel_loop3A_357 : vector<1x16xf32> to vector<16xf32>
        %parallel_loop3A_359 = vector.shape_cast %parallel_loop3A_354 : vector<16xf32> to vector<1x16xf32>
        tpu.vector_store %arg7[%parallel_loop3A_355, %parallel_loop3A_356], %parallel_loop3A_359 {add = true, strides = array<i32>} : memref<32x768xf32, #tpu.memory_space<vmem>>, vector<1x16xf32>,
        %parallel_loop3A_360 = arith.index_cast %parallel_loop3A_107 : i32 to index
        %parallel_loop3A_361 = arith.constant 448 : index
        %parallel_loop3A_362 = tpu.vector_load %arg5[%parallel_loop3A_360, %parallel_loop3A_361] {strides = array<i32>} : memref<32x768xf32, #tpu.memory_space<vmem>>, vector<1x16xf32>,
        %parallel_loop3A_363 = vector.shape_cast %parallel_loop3A_362 : vector<1x16xf32> to vector<16xf32>
        %parallel_loop3A_364 = arith.index_cast %parallel_loop3A_107 : i32 to index
        %parallel_loop3A_365 = arith.constant 448 : index
        %parallel_loop3A_366 = tpu.vector_load %arg7[%parallel_loop3A_364, %parallel_loop3A_365] {strides = array<i32>} : memref<32x768xf32, #tpu.memory_space<vmem>>, vector<1x16xf32>,
        %parallel_loop3A_367 = vector.shape_cast %parallel_loop3A_366 : vector<1x16xf32> to vector<16xf32>
        %parallel_loop3A_368 = vector.shape_cast %parallel_loop3A_363 : vector<16xf32> to vector<1x16xf32>
        tpu.vector_store %arg7[%parallel_loop3A_364, %parallel_loop3A_365], %parallel_loop3A_368 {add = true, strides = array<i32>} : memref<32x768xf32, #tpu.memory_space<vmem>>, vector<1x16xf32>,
        %parallel_loop3A_369 = arith.index_cast %parallel_loop3A_107 : i32 to index
        %parallel_loop3A_370 = arith.constant 464 : index
        %parallel_loop3A_371 = tpu.vector_load %arg5[%parallel_loop3A_369, %parallel_loop3A_370] {strides = array<i32>} : memref<32x768xf32, #tpu.memory_space<vmem>>, vector<1x16xf32>,
        %parallel_loop3A_372 = vector.shape_cast %parallel_loop3A_371 : vector<1x16xf32> to vector<16xf32>
        %parallel_loop3A_373 = arith.index_cast %parallel_loop3A_107 : i32 to index
        %parallel_loop3A_374 = arith.constant 464 : index
        %parallel_loop3A_375 = tpu.vector_load %arg7[%parallel_loop3A_373, %parallel_loop3A_374] {strides = array<i32>} : memref<32x768xf32, #tpu.memory_space<vmem>>, vector<1x16xf32>,
        %parallel_loop3A_376 = vector.shape_cast %parallel_loop3A_375 : vector<1x16xf32> to vector<16xf32>
        %parallel_loop3A_377 = vector.shape_cast %parallel_loop3A_372 : vector<16xf32> to vector<1x16xf32>
        tpu.vector_store %arg7[%parallel_loop3A_373, %parallel_loop3A_374], %parallel_loop3A_377 {add = true, strides = array<i32>} : memref<32x768xf32, #tpu.memory_space<vmem>>, vector<1x16xf32>,
        %parallel_loop3A_378 = arith.index_cast %parallel_loop3A_107 : i32 to index
        %parallel_loop3A_379 = arith.constant 480 : index
        %parallel_loop3A_380 = tpu.vector_load %arg5[%parallel_loop3A_378, %parallel_loop3A_379] {strides = array<i32>} : memref<32x768xf32, #tpu.memory_space<vmem>>, vector<1x16xf32>,
        %parallel_loop3A_381 = vector.shape_cast %parallel_loop3A_380 : vector<1x16xf32> to vector<16xf32>
        %parallel_loop3A_382 = arith.index_cast %parallel_loop3A_107 : i32 to index
        %parallel_loop3A_383 = arith.constant 480 : index
        %parallel_loop3A_384 = tpu.vector_load %arg7[%parallel_loop3A_382, %parallel_loop3A_383] {strides = array<i32>} : memref<32x768xf32, #tpu.memory_space<vmem>>, vector<1x16xf32>,
        %parallel_loop3A_385 = vector.shape_cast %parallel_loop3A_384 : vector<1x16xf32> to vector<16xf32>
        %parallel_loop3A_386 = vector.shape_cast %parallel_loop3A_381 : vector<16xf32> to vector<1x16xf32>
        tpu.vector_store %arg7[%parallel_loop3A_382, %parallel_loop3A_383], %parallel_loop3A_386 {add = true, strides = array<i32>} : memref<32x768xf32, #tpu.memory_space<vmem>>, vector<1x16xf32>,
        %parallel_loop3A_387 = arith.index_cast %parallel_loop3A_107 : i32 to index
        %parallel_loop3A_388 = arith.constant 496 : index
        %parallel_loop3A_389 = tpu.vector_load %arg5[%parallel_loop3A_387, %parallel_loop3A_388] {strides = array<i32>} : memref<32x768xf32, #tpu.memory_space<vmem>>, vector<1x16xf32>,
        %parallel_loop3A_390 = vector.shape_cast %parallel_loop3A_389 : vector<1x16xf32> to vector<16xf32>
        %parallel_loop3A_391 = arith.index_cast %parallel_loop3A_107 : i32 to index
        %parallel_loop3A_392 = arith.constant 496 : index
        %parallel_loop3A_393 = tpu.vector_load %arg7[%parallel_loop3A_391, %parallel_loop3A_392] {strides = array<i32>} : memref<32x768xf32, #tpu.memory_space<vmem>>, vector<1x16xf32>,
        %parallel_loop3A_394 = vector.shape_cast %parallel_loop3A_393 : vector<1x16xf32> to vector<16xf32>
        %parallel_loop3A_395 = vector.shape_cast %parallel_loop3A_390 : vector<16xf32> to vector<1x16xf32>
        tpu.vector_store %arg7[%parallel_loop3A_391, %parallel_loop3A_392], %parallel_loop3A_395 {add = true, strides = array<i32>} : memref<32x768xf32, #tpu.memory_space<vmem>>, vector<1x16xf32>,
        %parallel_loop3A_396 = arith.index_cast %parallel_loop3A_107 : i32 to index
        %parallel_loop3A_397 = arith.constant 512 : index
        %parallel_loop3A_398 = tpu.vector_load %arg5[%parallel_loop3A_396, %parallel_loop3A_397] {strides = array<i32>} : memref<32x768xf32, #tpu.memory_space<vmem>>, vector<1x16xf32>,
        %parallel_loop3A_399 = vector.shape_cast %parallel_loop3A_398 : vector<1x16xf32> to vector<16xf32>
        %parallel_loop3A_400 = arith.index_cast %parallel_loop3A_107 : i32 to index
        %parallel_loop3A_401 = arith.constant 512 : index
        %parallel_loop3A_402 = tpu.vector_load %arg7[%parallel_loop3A_400, %parallel_loop3A_401] {strides = array<i32>} : memref<32x768xf32, #tpu.memory_space<vmem>>, vector<1x16xf32>,
        %parallel_loop3A_403 = vector.shape_cast %parallel_loop3A_402 : vector<1x16xf32> to vector<16xf32>
        %parallel_loop3A_404 = vector.shape_cast %parallel_loop3A_399 : vector<16xf32> to vector<1x16xf32>
        tpu.vector_store %arg7[%parallel_loop3A_400, %parallel_loop3A_401], %parallel_loop3A_404 {add = true, strides = array<i32>} : memref<32x768xf32, #tpu.memory_space<vmem>>, vector<1x16xf32>,
        %parallel_loop3A_405 = arith.index_cast %parallel_loop3A_107 : i32 to index
        %parallel_loop3A_406 = arith.constant 528 : index
        %parallel_loop3A_407 = tpu.vector_load %arg5[%parallel_loop3A_405, %parallel_loop3A_406] {strides = array<i32>} : memref<32x768xf32, #tpu.memory_space<vmem>>, vector<1x16xf32>,
        %parallel_loop3A_408 = vector.shape_cast %parallel_loop3A_407 : vector<1x16xf32> to vector<16xf32>
        %parallel_loop3A_409 = arith.index_cast %parallel_loop3A_107 : i32 to index
        %parallel_loop3A_410 = arith.constant 528 : index
        %parallel_loop3A_411 = tpu.vector_load %arg7[%parallel_loop3A_409, %parallel_loop3A_410] {strides = array<i32>} : memref<32x768xf32, #tpu.memory_space<vmem>>, vector<1x16xf32>,
        %parallel_loop3A_412 = vector.shape_cast %parallel_loop3A_411 : vector<1x16xf32> to vector<16xf32>
        %parallel_loop3A_413 = vector.shape_cast %parallel_loop3A_408 : vector<16xf32> to vector<1x16xf32>
        tpu.vector_store %arg7[%parallel_loop3A_409, %parallel_loop3A_410], %parallel_loop3A_413 {add = true, strides = array<i32>} : memref<32x768xf32, #tpu.memory_space<vmem>>, vector<1x16xf32>,
        %parallel_loop3A_414 = arith.index_cast %parallel_loop3A_107 : i32 to index
        %parallel_loop3A_415 = arith.constant 544 : index
        %parallel_loop3A_416 = tpu.vector_load %arg5[%parallel_loop3A_414, %parallel_loop3A_415] {strides = array<i32>} : memref<32x768xf32, #tpu.memory_space<vmem>>, vector<1x16xf32>,
        %parallel_loop3A_417 = vector.shape_cast %parallel_loop3A_416 : vector<1x16xf32> to vector<16xf32>
        %parallel_loop3A_418 = arith.index_cast %parallel_loop3A_107 : i32 to index
        %parallel_loop3A_419 = arith.constant 544 : index
        %parallel_loop3A_420 = tpu.vector_load %arg7[%parallel_loop3A_418, %parallel_loop3A_419] {strides = array<i32>} : memref<32x768xf32, #tpu.memory_space<vmem>>, vector<1x16xf32>,
        %parallel_loop3A_421 = vector.shape_cast %parallel_loop3A_420 : vector<1x16xf32> to vector<16xf32>
        %parallel_loop3A_422 = vector.shape_cast %parallel_loop3A_417 : vector<16xf32> to vector<1x16xf32>
        tpu.vector_store %arg7[%parallel_loop3A_418, %parallel_loop3A_419], %parallel_loop3A_422 {add = true, strides = array<i32>} : memref<32x768xf32, #tpu.memory_space<vmem>>, vector<1x16xf32>,
        %parallel_loop3A_423 = arith.index_cast %parallel_loop3A_107 : i32 to index
        %parallel_loop3A_424 = arith.constant 560 : index
        %parallel_loop3A_425 = tpu.vector_load %arg5[%parallel_loop3A_423, %parallel_loop3A_424] {strides = array<i32>} : memref<32x768xf32, #tpu.memory_space<vmem>>, vector<1x16xf32>,
        %parallel_loop3A_426 = vector.shape_cast %parallel_loop3A_425 : vector<1x16xf32> to vector<16xf32>
        %parallel_loop3A_427 = arith.index_cast %parallel_loop3A_107 : i32 to index
        %parallel_loop3A_428 = arith.constant 560 : index
        %parallel_loop3A_429 = tpu.vector_load %arg7[%parallel_loop3A_427, %parallel_loop3A_428] {strides = array<i32>} : memref<32x768xf32, #tpu.memory_space<vmem>>, vector<1x16xf32>,
        %parallel_loop3A_430 = vector.shape_cast %parallel_loop3A_429 : vector<1x16xf32> to vector<16xf32>
        %parallel_loop3A_431 = vector.shape_cast %parallel_loop3A_426 : vector<16xf32> to vector<1x16xf32>
        tpu.vector_store %arg7[%parallel_loop3A_427, %parallel_loop3A_428], %parallel_loop3A_431 {add = true, strides = array<i32>} : memref<32x768xf32, #tpu.memory_space<vmem>>, vector<1x16xf32>,
        %parallel_loop3A_432 = arith.index_cast %parallel_loop3A_107 : i32 to index
        %parallel_loop3A_433 = arith.constant 576 : index
        %parallel_loop3A_434 = tpu.vector_load %arg5[%parallel_loop3A_432, %parallel_loop3A_433] {strides = array<i32>} : memref<32x768xf32, #tpu.memory_space<vmem>>, vector<1x16xf32>,
        %parallel_loop3A_435 = vector.shape_cast %parallel_loop3A_434 : vector<1x16xf32> to vector<16xf32>
        %parallel_loop3A_436 = arith.index_cast %parallel_loop3A_107 : i32 to index
        %parallel_loop3A_437 = arith.constant 576 : index
        %parallel_loop3A_438 = tpu.vector_load %arg7[%parallel_loop3A_436, %parallel_loop3A_437] {strides = array<i32>} : memref<32x768xf32, #tpu.memory_space<vmem>>, vector<1x16xf32>,
        %parallel_loop3A_439 = vector.shape_cast %parallel_loop3A_438 : vector<1x16xf32> to vector<16xf32>
        %parallel_loop3A_440 = vector.shape_cast %parallel_loop3A_435 : vector<16xf32> to vector<1x16xf32>
        tpu.vector_store %arg7[%parallel_loop3A_436, %parallel_loop3A_437], %parallel_loop3A_440 {add = true, strides = array<i32>} : memref<32x768xf32, #tpu.memory_space<vmem>>, vector<1x16xf32>,
        %parallel_loop3A_441 = arith.index_cast %parallel_loop3A_107 : i32 to index
        %parallel_loop3A_442 = arith.constant 592 : index
        %parallel_loop3A_443 = tpu.vector_load %arg5[%parallel_loop3A_441, %parallel_loop3A_442] {strides = array<i32>} : memref<32x768xf32, #tpu.memory_space<vmem>>, vector<1x16xf32>,
        %parallel_loop3A_444 = vector.shape_cast %parallel_loop3A_443 : vector<1x16xf32> to vector<16xf32>
        %parallel_loop3A_445 = arith.index_cast %parallel_loop3A_107 : i32 to index
        %parallel_loop3A_446 = arith.constant 592 : index
        %parallel_loop3A_447 = tpu.vector_load %arg7[%parallel_loop3A_445, %parallel_loop3A_446] {strides = array<i32>} : memref<32x768xf32, #tpu.memory_space<vmem>>, vector<1x16xf32>,
        %parallel_loop3A_448 = vector.shape_cast %parallel_loop3A_447 : vector<1x16xf32> to vector<16xf32>
        %parallel_loop3A_449 = vector.shape_cast %parallel_loop3A_444 : vector<16xf32> to vector<1x16xf32>
        tpu.vector_store %arg7[%parallel_loop3A_445, %parallel_loop3A_446], %parallel_loop3A_449 {add = true, strides = array<i32>} : memref<32x768xf32, #tpu.memory_space<vmem>>, vector<1x16xf32>,
        %parallel_loop3A_450 = arith.index_cast %parallel_loop3A_107 : i32 to index
        %parallel_loop3A_451 = arith.constant 608 : index
        %parallel_loop3A_452 = tpu.vector_load %arg5[%parallel_loop3A_450, %parallel_loop3A_451] {strides = array<i32>} : memref<32x768xf32, #tpu.memory_space<vmem>>, vector<1x16xf32>,
        %parallel_loop3A_453 = vector.shape_cast %parallel_loop3A_452 : vector<1x16xf32> to vector<16xf32>
        %parallel_loop3A_454 = arith.index_cast %parallel_loop3A_107 : i32 to index
        %parallel_loop3A_455 = arith.constant 608 : index
        %parallel_loop3A_456 = tpu.vector_load %arg7[%parallel_loop3A_454, %parallel_loop3A_455] {strides = array<i32>} : memref<32x768xf32, #tpu.memory_space<vmem>>, vector<1x16xf32>,
        %parallel_loop3A_457 = vector.shape_cast %parallel_loop3A_456 : vector<1x16xf32> to vector<16xf32>
        %parallel_loop3A_458 = vector.shape_cast %parallel_loop3A_453 : vector<16xf32> to vector<1x16xf32>
        tpu.vector_store %arg7[%parallel_loop3A_454, %parallel_loop3A_455], %parallel_loop3A_458 {add = true, strides = array<i32>} : memref<32x768xf32, #tpu.memory_space<vmem>>, vector<1x16xf32>,
        %parallel_loop3A_459 = arith.index_cast %parallel_loop3A_107 : i32 to index
        %parallel_loop3A_460 = arith.constant 624 : index
        %parallel_loop3A_461 = tpu.vector_load %arg5[%parallel_loop3A_459, %parallel_loop3A_460] {strides = array<i32>} : memref<32x768xf32, #tpu.memory_space<vmem>>, vector<1x16xf32>,
        %parallel_loop3A_462 = vector.shape_cast %parallel_loop3A_461 : vector<1x16xf32> to vector<16xf32>
        %parallel_loop3A_463 = arith.index_cast %parallel_loop3A_107 : i32 to index
        %parallel_loop3A_464 = arith.constant 624 : index
        %parallel_loop3A_465 = tpu.vector_load %arg7[%parallel_loop3A_463, %parallel_loop3A_464] {strides = array<i32>} : memref<32x768xf32, #tpu.memory_space<vmem>>, vector<1x16xf32>,
        %parallel_loop3A_466 = vector.shape_cast %parallel_loop3A_465 : vector<1x16xf32> to vector<16xf32>
        %parallel_loop3A_467 = vector.shape_cast %parallel_loop3A_462 : vector<16xf32> to vector<1x16xf32>
        tpu.vector_store %arg7[%parallel_loop3A_463, %parallel_loop3A_464], %parallel_loop3A_467 {add = true, strides = array<i32>} : memref<32x768xf32, #tpu.memory_space<vmem>>, vector<1x16xf32>,
        %parallel_loop3A_468 = arith.index_cast %parallel_loop3A_107 : i32 to index
        %parallel_loop3A_469 = arith.constant 640 : index
        %parallel_loop3A_470 = tpu.vector_load %arg5[%parallel_loop3A_468, %parallel_loop3A_469] {strides = array<i32>} : memref<32x768xf32, #tpu.memory_space<vmem>>, vector<1x16xf32>,
        %parallel_loop3A_471 = vector.shape_cast %parallel_loop3A_470 : vector<1x16xf32> to vector<16xf32>
        %parallel_loop3A_472 = arith.index_cast %parallel_loop3A_107 : i32 to index
        %parallel_loop3A_473 = arith.constant 640 : index
        %parallel_loop3A_474 = tpu.vector_load %arg7[%parallel_loop3A_472, %parallel_loop3A_473] {strides = array<i32>} : memref<32x768xf32, #tpu.memory_space<vmem>>, vector<1x16xf32>,
        %parallel_loop3A_475 = vector.shape_cast %parallel_loop3A_474 : vector<1x16xf32> to vector<16xf32>
        %parallel_loop3A_476 = vector.shape_cast %parallel_loop3A_471 : vector<16xf32> to vector<1x16xf32>
        tpu.vector_store %arg7[%parallel_loop3A_472, %parallel_loop3A_473], %parallel_loop3A_476 {add = true, strides = array<i32>} : memref<32x768xf32, #tpu.memory_space<vmem>>, vector<1x16xf32>,
        %parallel_loop3A_477 = arith.index_cast %parallel_loop3A_107 : i32 to index
        %parallel_loop3A_478 = arith.constant 656 : index
        %parallel_loop3A_479 = tpu.vector_load %arg5[%parallel_loop3A_477, %parallel_loop3A_478] {strides = array<i32>} : memref<32x768xf32, #tpu.memory_space<vmem>>, vector<1x16xf32>,
        %parallel_loop3A_480 = vector.shape_cast %parallel_loop3A_479 : vector<1x16xf32> to vector<16xf32>
        %parallel_loop3A_481 = arith.index_cast %parallel_loop3A_107 : i32 to index
        %parallel_loop3A_482 = arith.constant 656 : index
        %parallel_loop3A_483 = tpu.vector_load %arg7[%parallel_loop3A_481, %parallel_loop3A_482] {strides = array<i32>} : memref<32x768xf32, #tpu.memory_space<vmem>>, vector<1x16xf32>,
        %parallel_loop3A_484 = vector.shape_cast %parallel_loop3A_483 : vector<1x16xf32> to vector<16xf32>
        %parallel_loop3A_485 = vector.shape_cast %parallel_loop3A_480 : vector<16xf32> to vector<1x16xf32>
        tpu.vector_store %arg7[%parallel_loop3A_481, %parallel_loop3A_482], %parallel_loop3A_485 {add = true, strides = array<i32>} : memref<32x768xf32, #tpu.memory_space<vmem>>, vector<1x16xf32>,
        %parallel_loop3A_486 = arith.index_cast %parallel_loop3A_107 : i32 to index
        %parallel_loop3A_487 = arith.constant 672 : index
        %parallel_loop3A_488 = tpu.vector_load %arg5[%parallel_loop3A_486, %parallel_loop3A_487] {strides = array<i32>} : memref<32x768xf32, #tpu.memory_space<vmem>>, vector<1x16xf32>,
        %parallel_loop3A_489 = vector.shape_cast %parallel_loop3A_488 : vector<1x16xf32> to vector<16xf32>
        %parallel_loop3A_490 = arith.index_cast %parallel_loop3A_107 : i32 to index
        %parallel_loop3A_491 = arith.constant 672 : index
        %parallel_loop3A_492 = tpu.vector_load %arg7[%parallel_loop3A_490, %parallel_loop3A_491] {strides = array<i32>} : memref<32x768xf32, #tpu.memory_space<vmem>>, vector<1x16xf32>,
        %parallel_loop3A_493 = vector.shape_cast %parallel_loop3A_492 : vector<1x16xf32> to vector<16xf32>
        %parallel_loop3A_494 = vector.shape_cast %parallel_loop3A_489 : vector<16xf32> to vector<1x16xf32>
        tpu.vector_store %arg7[%parallel_loop3A_490, %parallel_loop3A_491], %parallel_loop3A_494 {add = true, strides = array<i32>} : memref<32x768xf32, #tpu.memory_space<vmem>>, vector<1x16xf32>,
        %parallel_loop3A_495 = arith.index_cast %parallel_loop3A_107 : i32 to index
        %parallel_loop3A_496 = arith.constant 688 : index
        %parallel_loop3A_497 = tpu.vector_load %arg5[%parallel_loop3A_495, %parallel_loop3A_496] {strides = array<i32>} : memref<32x768xf32, #tpu.memory_space<vmem>>, vector<1x16xf32>,
        %parallel_loop3A_498 = vector.shape_cast %parallel_loop3A_497 : vector<1x16xf32> to vector<16xf32>
        %parallel_loop3A_499 = arith.index_cast %parallel_loop3A_107 : i32 to index
        %parallel_loop3A_500 = arith.constant 688 : index
        %parallel_loop3A_501 = tpu.vector_load %arg7[%parallel_loop3A_499, %parallel_loop3A_500] {strides = array<i32>} : memref<32x768xf32, #tpu.memory_space<vmem>>, vector<1x16xf32>,
        %parallel_loop3A_502 = vector.shape_cast %parallel_loop3A_501 : vector<1x16xf32> to vector<16xf32>
        %parallel_loop3A_503 = vector.shape_cast %parallel_loop3A_498 : vector<16xf32> to vector<1x16xf32>
        tpu.vector_store %arg7[%parallel_loop3A_499, %parallel_loop3A_500], %parallel_loop3A_503 {add = true, strides = array<i32>} : memref<32x768xf32, #tpu.memory_space<vmem>>, vector<1x16xf32>,
        %parallel_loop3A_504 = arith.index_cast %parallel_loop3A_107 : i32 to index
        %parallel_loop3A_505 = arith.constant 704 : index
        %parallel_loop3A_506 = tpu.vector_load %arg5[%parallel_loop3A_504, %parallel_loop3A_505] {strides = array<i32>} : memref<32x768xf32, #tpu.memory_space<vmem>>, vector<1x16xf32>,
        %parallel_loop3A_507 = vector.shape_cast %parallel_loop3A_506 : vector<1x16xf32> to vector<16xf32>
        %parallel_loop3A_508 = arith.index_cast %parallel_loop3A_107 : i32 to index
        %parallel_loop3A_509 = arith.constant 704 : index
        %parallel_loop3A_510 = tpu.vector_load %arg7[%parallel_loop3A_508, %parallel_loop3A_509] {strides = array<i32>} : memref<32x768xf32, #tpu.memory_space<vmem>>, vector<1x16xf32>,
        %parallel_loop3A_511 = vector.shape_cast %parallel_loop3A_510 : vector<1x16xf32> to vector<16xf32>
        %parallel_loop3A_512 = vector.shape_cast %parallel_loop3A_507 : vector<16xf32> to vector<1x16xf32>
        tpu.vector_store %arg7[%parallel_loop3A_508, %parallel_loop3A_509], %parallel_loop3A_512 {add = true, strides = array<i32>} : memref<32x768xf32, #tpu.memory_space<vmem>>, vector<1x16xf32>,
        %parallel_loop3A_513 = arith.index_cast %parallel_loop3A_107 : i32 to index
        %parallel_loop3A_514 = arith.constant 720 : index
        %parallel_loop3A_515 = tpu.vector_load %arg5[%parallel_loop3A_513, %parallel_loop3A_514] {strides = array<i32>} : memref<32x768xf32, #tpu.memory_space<vmem>>, vector<1x16xf32>,
        %parallel_loop3A_516 = vector.shape_cast %parallel_loop3A_515 : vector<1x16xf32> to vector<16xf32>
        %parallel_loop3A_517 = arith.index_cast %parallel_loop3A_107 : i32 to index
        %parallel_loop3A_518 = arith.constant 720 : index
        %parallel_loop3A_519 = tpu.vector_load %arg7[%parallel_loop3A_517, %parallel_loop3A_518] {strides = array<i32>} : memref<32x768xf32, #tpu.memory_space<vmem>>, vector<1x16xf32>,
        %parallel_loop3A_520 = vector.shape_cast %parallel_loop3A_519 : vector<1x16xf32> to vector<16xf32>
        %parallel_loop3A_521 = vector.shape_cast %parallel_loop3A_516 : vector<16xf32> to vector<1x16xf32>
        tpu.vector_store %arg7[%parallel_loop3A_517, %parallel_loop3A_518], %parallel_loop3A_521 {add = true, strides = array<i32>} : memref<32x768xf32, #tpu.memory_space<vmem>>, vector<1x16xf32>,
        %parallel_loop3A_522 = arith.index_cast %parallel_loop3A_107 : i32 to index
        %parallel_loop3A_523 = arith.constant 736 : index
        %parallel_loop3A_524 = tpu.vector_load %arg5[%parallel_loop3A_522, %parallel_loop3A_523] {strides = array<i32>} : memref<32x768xf32, #tpu.memory_space<vmem>>, vector<1x16xf32>,
        %parallel_loop3A_525 = vector.shape_cast %parallel_loop3A_524 : vector<1x16xf32> to vector<16xf32>
        %parallel_loop3A_526 = arith.index_cast %parallel_loop3A_107 : i32 to index
        %parallel_loop3A_527 = arith.constant 736 : index
        %parallel_loop3A_528 = tpu.vector_load %arg7[%parallel_loop3A_526, %parallel_loop3A_527] {strides = array<i32>} : memref<32x768xf32, #tpu.memory_space<vmem>>, vector<1x16xf32>,
        %parallel_loop3A_529 = vector.shape_cast %parallel_loop3A_528 : vector<1x16xf32> to vector<16xf32>
        %parallel_loop3A_530 = vector.shape_cast %parallel_loop3A_525 : vector<16xf32> to vector<1x16xf32>
        tpu.vector_store %arg7[%parallel_loop3A_526, %parallel_loop3A_527], %parallel_loop3A_530 {add = true, strides = array<i32>} : memref<32x768xf32, #tpu.memory_space<vmem>>, vector<1x16xf32>,
        %parallel_loop3A_531 = arith.index_cast %parallel_loop3A_107 : i32 to index
        %parallel_loop3A_532 = arith.constant 752 : index
        %parallel_loop3A_533 = tpu.vector_load %arg5[%parallel_loop3A_531, %parallel_loop3A_532] {strides = array<i32>} : memref<32x768xf32, #tpu.memory_space<vmem>>, vector<1x16xf32>,
        %parallel_loop3A_534 = vector.shape_cast %parallel_loop3A_533 : vector<1x16xf32> to vector<16xf32>
        %parallel_loop3A_535 = arith.index_cast %parallel_loop3A_107 : i32 to index
        %parallel_loop3A_536 = arith.constant 752 : index
        %parallel_loop3A_537 = tpu.vector_load %arg7[%parallel_loop3A_535, %parallel_loop3A_536] {strides = array<i32>} : memref<32x768xf32, #tpu.memory_space<vmem>>, vector<1x16xf32>,
        %parallel_loop3A_538 = vector.shape_cast %parallel_loop3A_537 : vector<1x16xf32> to vector<16xf32>
        %parallel_loop3A_539 = vector.shape_cast %parallel_loop3A_534 : vector<16xf32> to vector<1x16xf32>
        tpu.vector_store %arg7[%parallel_loop3A_535, %parallel_loop3A_536], %parallel_loop3A_539 {add = true, strides = array<i32>} : memref<32x768xf32, #tpu.memory_space<vmem>>, vector<1x16xf32>,
      } {sc.loop_unroll_factor = 1 : i64, sc.parallel_access}
      %add3A_63 = arith.constant 8192 : i32
      %add3A_64 = arith.addi %add3A_63, %add3A_11 : i32
      %dma_start3A_65 = arith.constant 0 : i32
      %dma_start3A_66 = tpu.memref_slice %arg4[%add3A_64, %dma_start3A_65] : memref<32768x768xf32, #tpu.memory_space<hbm>> -> memref<32x768xf32, #tpu.memory_space<hbm>>
      %dma_start3A_67 = arith.constant 0 : i32
      %dma_start3A_68 = tpu.memref_slice %arg4[%add3A_64, %dma_start3A_67] : memref<32768x768xf32, #tpu.memory_space<hbm>> -> memref<32x768xf32, #tpu.memory_space<hbm>>
      tpu.enqueue_dma source(%arg7 : memref<32x768xf32, #tpu.memory_space<vmem>>) target(%dma_start3A_68 : memref<32x768xf32, #tpu.memory_space<hbm>>) target_semaphore(%arg14 : memref<!tpu.dma_semaphore, #tpu.memory_space<semaphore_mem>>)
      %dma_wait3A_69 = arith.constant 0 : i32
      %dma_wait3A_70 = tpu.memref_slice %arg2[%add3A_33, %dma_wait3A_69] : memref<32768x768xf32, #tpu.memory_space<hbm>> -> memref<32x768xf32, #tpu.memory_space<hbm>>
      %dma_wait3A_71 = arith.constant 0 : i32
      %dma_wait3A_72 = tpu.memref_slice %arg2[%add3A_33, %dma_wait3A_71] : memref<32768x768xf32, #tpu.memory_space<hbm>> -> memref<32x768xf32, #tpu.memory_space<hbm>>
      tpu.wait_dma2 semaphore(%arg12 : memref<!tpu.dma_semaphore, #tpu.memory_space<semaphore_mem>>) src(%dma_wait3A_72 : memref<32x768xf32, #tpu.memory_space<hbm>>) dst(%arg8 : memref<32x768xf32, #tpu.memory_space<vmem>>)
      %parallel_loop3A_73 = arith.constant 0 : i32
      %parallel_loop3A_74 = arith.constant 32 : i32
      %parallel_loop3A_75 = arith.constant 1 : i32
      scf.for %parallel_loop3A_107 = %parallel_loop3A_73 to %parallel_loop3A_74 step %parallel_loop3A_75  : i32 {
        %parallel_loop3A_108 = arith.index_cast %parallel_loop3A_107 : i32 to index
        %parallel_loop3A_109 = arith.constant 0 : index
        %parallel_loop3A_110 = tpu.vector_load %arg5[%parallel_loop3A_108, %parallel_loop3A_109] {strides = array<i32>} : memref<32x768xf32, #tpu.memory_space<vmem>>, vector<1x16xf32>,
        %parallel_loop3A_111 = vector.shape_cast %parallel_loop3A_110 : vector<1x16xf32> to vector<16xf32>
        %parallel_loop3A_112 = arith.index_cast %parallel_loop3A_107 : i32 to index
        %parallel_loop3A_113 = arith.constant 0 : index
        %parallel_loop3A_114 = tpu.vector_load %arg8[%parallel_loop3A_112, %parallel_loop3A_113] {strides = array<i32>} : memref<32x768xf32, #tpu.memory_space<vmem>>, vector<1x16xf32>,
        %parallel_loop3A_115 = vector.shape_cast %parallel_loop3A_114 : vector<1x16xf32> to vector<16xf32>
        %parallel_loop3A_116 = vector.shape_cast %parallel_loop3A_111 : vector<16xf32> to vector<1x16xf32>
        tpu.vector_store %arg8[%parallel_loop3A_112, %parallel_loop3A_113], %parallel_loop3A_116 {add = true, strides = array<i32>} : memref<32x768xf32, #tpu.memory_space<vmem>>, vector<1x16xf32>,
        %parallel_loop3A_117 = arith.index_cast %parallel_loop3A_107 : i32 to index
        %parallel_loop3A_118 = arith.constant 16 : index
        %parallel_loop3A_119 = tpu.vector_load %arg5[%parallel_loop3A_117, %parallel_loop3A_118] {strides = array<i32>} : memref<32x768xf32, #tpu.memory_space<vmem>>, vector<1x16xf32>,
        %parallel_loop3A_120 = vector.shape_cast %parallel_loop3A_119 : vector<1x16xf32> to vector<16xf32>
        %parallel_loop3A_121 = arith.index_cast %parallel_loop3A_107 : i32 to index
        %parallel_loop3A_122 = arith.constant 16 : index
        %parallel_loop3A_123 = tpu.vector_load %arg8[%parallel_loop3A_121, %parallel_loop3A_122] {strides = array<i32>} : memref<32x768xf32, #tpu.memory_space<vmem>>, vector<1x16xf32>,
        %parallel_loop3A_124 = vector.shape_cast %parallel_loop3A_123 : vector<1x16xf32> to vector<16xf32>
        %parallel_loop3A_125 = vector.shape_cast %parallel_loop3A_120 : vector<16xf32> to vector<1x16xf32>
        tpu.vector_store %arg8[%parallel_loop3A_121, %parallel_loop3A_122], %parallel_loop3A_125 {add = true, strides = array<i32>} : memref<32x768xf32, #tpu.memory_space<vmem>>, vector<1x16xf32>,
        %parallel_loop3A_126 = arith.index_cast %parallel_loop3A_107 : i32 to index
        %parallel_loop3A_127 = arith.constant 32 : index
        %parallel_loop3A_128 = tpu.vector_load %arg5[%parallel_loop3A_126, %parallel_loop3A_127] {strides = array<i32>} : memref<32x768xf32, #tpu.memory_space<vmem>>, vector<1x16xf32>,
        %parallel_loop3A_129 = vector.shape_cast %parallel_loop3A_128 : vector<1x16xf32> to vector<16xf32>
        %parallel_loop3A_130 = arith.index_cast %parallel_loop3A_107 : i32 to index
        %parallel_loop3A_131 = arith.constant 32 : index
        %parallel_loop3A_132 = tpu.vector_load %arg8[%parallel_loop3A_130, %parallel_loop3A_131] {strides = array<i32>} : memref<32x768xf32, #tpu.memory_space<vmem>>, vector<1x16xf32>,
        %parallel_loop3A_133 = vector.shape_cast %parallel_loop3A_132 : vector<1x16xf32> to vector<16xf32>
        %parallel_loop3A_134 = vector.shape_cast %parallel_loop3A_129 : vector<16xf32> to vector<1x16xf32>
        tpu.vector_store %arg8[%parallel_loop3A_130, %parallel_loop3A_131], %parallel_loop3A_134 {add = true, strides = array<i32>} : memref<32x768xf32, #tpu.memory_space<vmem>>, vector<1x16xf32>,
        %parallel_loop3A_135 = arith.index_cast %parallel_loop3A_107 : i32 to index
        %parallel_loop3A_136 = arith.constant 48 : index
        %parallel_loop3A_137 = tpu.vector_load %arg5[%parallel_loop3A_135, %parallel_loop3A_136] {strides = array<i32>} : memref<32x768xf32, #tpu.memory_space<vmem>>, vector<1x16xf32>,
        %parallel_loop3A_138 = vector.shape_cast %parallel_loop3A_137 : vector<1x16xf32> to vector<16xf32>
        %parallel_loop3A_139 = arith.index_cast %parallel_loop3A_107 : i32 to index
        %parallel_loop3A_140 = arith.constant 48 : index
        %parallel_loop3A_141 = tpu.vector_load %arg8[%parallel_loop3A_139, %parallel_loop3A_140] {strides = array<i32>} : memref<32x768xf32, #tpu.memory_space<vmem>>, vector<1x16xf32>,
        %parallel_loop3A_142 = vector.shape_cast %parallel_loop3A_141 : vector<1x16xf32> to vector<16xf32>
        %parallel_loop3A_143 = vector.shape_cast %parallel_loop3A_138 : vector<16xf32> to vector<1x16xf32>
        tpu.vector_store %arg8[%parallel_loop3A_139, %parallel_loop3A_140], %parallel_loop3A_143 {add = true, strides = array<i32>} : memref<32x768xf32, #tpu.memory_space<vmem>>, vector<1x16xf32>,
        %parallel_loop3A_144 = arith.index_cast %parallel_loop3A_107 : i32 to index
        %parallel_loop3A_145 = arith.constant 64 : index
        %parallel_loop3A_146 = tpu.vector_load %arg5[%parallel_loop3A_144, %parallel_loop3A_145] {strides = array<i32>} : memref<32x768xf32, #tpu.memory_space<vmem>>, vector<1x16xf32>,
        %parallel_loop3A_147 = vector.shape_cast %parallel_loop3A_146 : vector<1x16xf32> to vector<16xf32>
        %parallel_loop3A_148 = arith.index_cast %parallel_loop3A_107 : i32 to index
        %parallel_loop3A_149 = arith.constant 64 : index
        %parallel_loop3A_150 = tpu.vector_load %arg8[%parallel_loop3A_148, %parallel_loop3A_149] {strides = array<i32>} : memref<32x768xf32, #tpu.memory_space<vmem>>, vector<1x16xf32>,
        %parallel_loop3A_151 = vector.shape_cast %parallel_loop3A_150 : vector<1x16xf32> to vector<16xf32>
        %parallel_loop3A_152 = vector.shape_cast %parallel_loop3A_147 : vector<16xf32> to vector<1x16xf32>
        tpu.vector_store %arg8[%parallel_loop3A_148, %parallel_loop3A_149], %parallel_loop3A_152 {add = true, strides = array<i32>} : memref<32x768xf32, #tpu.memory_space<vmem>>, vector<1x16xf32>,
        %parallel_loop3A_153 = arith.index_cast %parallel_loop3A_107 : i32 to index
        %parallel_loop3A_154 = arith.constant 80 : index
        %parallel_loop3A_155 = tpu.vector_load %arg5[%parallel_loop3A_153, %parallel_loop3A_154] {strides = array<i32>} : memref<32x768xf32, #tpu.memory_space<vmem>>, vector<1x16xf32>,
        %parallel_loop3A_156 = vector.shape_cast %parallel_loop3A_155 : vector<1x16xf32> to vector<16xf32>
        %parallel_loop3A_157 = arith.index_cast %parallel_loop3A_107 : i32 to index
        %parallel_loop3A_158 = arith.constant 80 : index
        %parallel_loop3A_159 = tpu.vector_load %arg8[%parallel_loop3A_157, %parallel_loop3A_158] {strides = array<i32>} : memref<32x768xf32, #tpu.memory_space<vmem>>, vector<1x16xf32>,
        %parallel_loop3A_160 = vector.shape_cast %parallel_loop3A_159 : vector<1x16xf32> to vector<16xf32>
        %parallel_loop3A_161 = vector.shape_cast %parallel_loop3A_156 : vector<16xf32> to vector<1x16xf32>
        tpu.vector_store %arg8[%parallel_loop3A_157, %parallel_loop3A_158], %parallel_loop3A_161 {add = true, strides = array<i32>} : memref<32x768xf32, #tpu.memory_space<vmem>>, vector<1x16xf32>,
        %parallel_loop3A_162 = arith.index_cast %parallel_loop3A_107 : i32 to index
        %parallel_loop3A_163 = arith.constant 96 : index
        %parallel_loop3A_164 = tpu.vector_load %arg5[%parallel_loop3A_162, %parallel_loop3A_163] {strides = array<i32>} : memref<32x768xf32, #tpu.memory_space<vmem>>, vector<1x16xf32>,
        %parallel_loop3A_165 = vector.shape_cast %parallel_loop3A_164 : vector<1x16xf32> to vector<16xf32>
        %parallel_loop3A_166 = arith.index_cast %parallel_loop3A_107 : i32 to index
        %parallel_loop3A_167 = arith.constant 96 : index
        %parallel_loop3A_168 = tpu.vector_load %arg8[%parallel_loop3A_166, %parallel_loop3A_167] {strides = array<i32>} : memref<32x768xf32, #tpu.memory_space<vmem>>, vector<1x16xf32>,
        %parallel_loop3A_169 = vector.shape_cast %parallel_loop3A_168 : vector<1x16xf32> to vector<16xf32>
        %parallel_loop3A_170 = vector.shape_cast %parallel_loop3A_165 : vector<16xf32> to vector<1x16xf32>
        tpu.vector_store %arg8[%parallel_loop3A_166, %parallel_loop3A_167], %parallel_loop3A_170 {add = true, strides = array<i32>} : memref<32x768xf32, #tpu.memory_space<vmem>>, vector<1x16xf32>,
        %parallel_loop3A_171 = arith.index_cast %parallel_loop3A_107 : i32 to index
        %parallel_loop3A_172 = arith.constant 112 : index
        %parallel_loop3A_173 = tpu.vector_load %arg5[%parallel_loop3A_171, %parallel_loop3A_172] {strides = array<i32>} : memref<32x768xf32, #tpu.memory_space<vmem>>, vector<1x16xf32>,
        %parallel_loop3A_174 = vector.shape_cast %parallel_loop3A_173 : vector<1x16xf32> to vector<16xf32>
        %parallel_loop3A_175 = arith.index_cast %parallel_loop3A_107 : i32 to index
        %parallel_loop3A_176 = arith.constant 112 : index
        %parallel_loop3A_177 = tpu.vector_load %arg8[%parallel_loop3A_175, %parallel_loop3A_176] {strides = array<i32>} : memref<32x768xf32, #tpu.memory_space<vmem>>, vector<1x16xf32>,
        %parallel_loop3A_178 = vector.shape_cast %parallel_loop3A_177 : vector<1x16xf32> to vector<16xf32>
        %parallel_loop3A_179 = vector.shape_cast %parallel_loop3A_174 : vector<16xf32> to vector<1x16xf32>
        tpu.vector_store %arg8[%parallel_loop3A_175, %parallel_loop3A_176], %parallel_loop3A_179 {add = true, strides = array<i32>} : memref<32x768xf32, #tpu.memory_space<vmem>>, vector<1x16xf32>,
        %parallel_loop3A_180 = arith.index_cast %parallel_loop3A_107 : i32 to index
        %parallel_loop3A_181 = arith.constant 128 : index
        %parallel_loop3A_182 = tpu.vector_load %arg5[%parallel_loop3A_180, %parallel_loop3A_181] {strides = array<i32>} : memref<32x768xf32, #tpu.memory_space<vmem>>, vector<1x16xf32>,
        %parallel_loop3A_183 = vector.shape_cast %parallel_loop3A_182 : vector<1x16xf32> to vector<16xf32>
        %parallel_loop3A_184 = arith.index_cast %parallel_loop3A_107 : i32 to index
        %parallel_loop3A_185 = arith.constant 128 : index
        %parallel_loop3A_186 = tpu.vector_load %arg8[%parallel_loop3A_184, %parallel_loop3A_185] {strides = array<i32>} : memref<32x768xf32, #tpu.memory_space<vmem>>, vector<1x16xf32>,
        %parallel_loop3A_187 = vector.shape_cast %parallel_loop3A_186 : vector<1x16xf32> to vector<16xf32>
        %parallel_loop3A_188 = vector.shape_cast %parallel_loop3A_183 : vector<16xf32> to vector<1x16xf32>
        tpu.vector_store %arg8[%parallel_loop3A_184, %parallel_loop3A_185], %parallel_loop3A_188 {add = true, strides = array<i32>} : memref<32x768xf32, #tpu.memory_space<vmem>>, vector<1x16xf32>,
        %parallel_loop3A_189 = arith.index_cast %parallel_loop3A_107 : i32 to index
        %parallel_loop3A_190 = arith.constant 144 : index
        %parallel_loop3A_191 = tpu.vector_load %arg5[%parallel_loop3A_189, %parallel_loop3A_190] {strides = array<i32>} : memref<32x768xf32, #tpu.memory_space<vmem>>, vector<1x16xf32>,
        %parallel_loop3A_192 = vector.shape_cast %parallel_loop3A_191 : vector<1x16xf32> to vector<16xf32>
        %parallel_loop3A_193 = arith.index_cast %parallel_loop3A_107 : i32 to index
        %parallel_loop3A_194 = arith.constant 144 : index
        %parallel_loop3A_195 = tpu.vector_load %arg8[%parallel_loop3A_193, %parallel_loop3A_194] {strides = array<i32>} : memref<32x768xf32, #tpu.memory_space<vmem>>, vector<1x16xf32>,
        %parallel_loop3A_196 = vector.shape_cast %parallel_loop3A_195 : vector<1x16xf32> to vector<16xf32>
        %parallel_loop3A_197 = vector.shape_cast %parallel_loop3A_192 : vector<16xf32> to vector<1x16xf32>
        tpu.vector_store %arg8[%parallel_loop3A_193, %parallel_loop3A_194], %parallel_loop3A_197 {add = true, strides = array<i32>} : memref<32x768xf32, #tpu.memory_space<vmem>>, vector<1x16xf32>,
        %parallel_loop3A_198 = arith.index_cast %parallel_loop3A_107 : i32 to index
        %parallel_loop3A_199 = arith.constant 160 : index
        %parallel_loop3A_200 = tpu.vector_load %arg5[%parallel_loop3A_198, %parallel_loop3A_199] {strides = array<i32>} : memref<32x768xf32, #tpu.memory_space<vmem>>, vector<1x16xf32>,
        %parallel_loop3A_201 = vector.shape_cast %parallel_loop3A_200 : vector<1x16xf32> to vector<16xf32>
        %parallel_loop3A_202 = arith.index_cast %parallel_loop3A_107 : i32 to index
        %parallel_loop3A_203 = arith.constant 160 : index
        %parallel_loop3A_204 = tpu.vector_load %arg8[%parallel_loop3A_202, %parallel_loop3A_203] {strides = array<i32>} : memref<32x768xf32, #tpu.memory_space<vmem>>, vector<1x16xf32>,
        %parallel_loop3A_205 = vector.shape_cast %parallel_loop3A_204 : vector<1x16xf32> to vector<16xf32>
        %parallel_loop3A_206 = vector.shape_cast %parallel_loop3A_201 : vector<16xf32> to vector<1x16xf32>
        tpu.vector_store %arg8[%parallel_loop3A_202, %parallel_loop3A_203], %parallel_loop3A_206 {add = true, strides = array<i32>} : memref<32x768xf32, #tpu.memory_space<vmem>>, vector<1x16xf32>,
        %parallel_loop3A_207 = arith.index_cast %parallel_loop3A_107 : i32 to index
        %parallel_loop3A_208 = arith.constant 176 : index
        %parallel_loop3A_209 = tpu.vector_load %arg5[%parallel_loop3A_207, %parallel_loop3A_208] {strides = array<i32>} : memref<32x768xf32, #tpu.memory_space<vmem>>, vector<1x16xf32>,
        %parallel_loop3A_210 = vector.shape_cast %parallel_loop3A_209 : vector<1x16xf32> to vector<16xf32>
        %parallel_loop3A_211 = arith.index_cast %parallel_loop3A_107 : i32 to index
        %parallel_loop3A_212 = arith.constant 176 : index
        %parallel_loop3A_213 = tpu.vector_load %arg8[%parallel_loop3A_211, %parallel_loop3A_212] {strides = array<i32>} : memref<32x768xf32, #tpu.memory_space<vmem>>, vector<1x16xf32>,
        %parallel_loop3A_214 = vector.shape_cast %parallel_loop3A_213 : vector<1x16xf32> to vector<16xf32>
        %parallel_loop3A_215 = vector.shape_cast %parallel_loop3A_210 : vector<16xf32> to vector<1x16xf32>
        tpu.vector_store %arg8[%parallel_loop3A_211, %parallel_loop3A_212], %parallel_loop3A_215 {add = true, strides = array<i32>} : memref<32x768xf32, #tpu.memory_space<vmem>>, vector<1x16xf32>,
        %parallel_loop3A_216 = arith.index_cast %parallel_loop3A_107 : i32 to index
        %parallel_loop3A_217 = arith.constant 192 : index
        %parallel_loop3A_218 = tpu.vector_load %arg5[%parallel_loop3A_216, %parallel_loop3A_217] {strides = array<i32>} : memref<32x768xf32, #tpu.memory_space<vmem>>, vector<1x16xf32>,
        %parallel_loop3A_219 = vector.shape_cast %parallel_loop3A_218 : vector<1x16xf32> to vector<16xf32>
        %parallel_loop3A_220 = arith.index_cast %parallel_loop3A_107 : i32 to index
        %parallel_loop3A_221 = arith.constant 192 : index
        %parallel_loop3A_222 = tpu.vector_load %arg8[%parallel_loop3A_220, %parallel_loop3A_221] {strides = array<i32>} : memref<32x768xf32, #tpu.memory_space<vmem>>, vector<1x16xf32>,
        %parallel_loop3A_223 = vector.shape_cast %parallel_loop3A_222 : vector<1x16xf32> to vector<16xf32>
        %parallel_loop3A_224 = vector.shape_cast %parallel_loop3A_219 : vector<16xf32> to vector<1x16xf32>
        tpu.vector_store %arg8[%parallel_loop3A_220, %parallel_loop3A_221], %parallel_loop3A_224 {add = true, strides = array<i32>} : memref<32x768xf32, #tpu.memory_space<vmem>>, vector<1x16xf32>,
        %parallel_loop3A_225 = arith.index_cast %parallel_loop3A_107 : i32 to index
        %parallel_loop3A_226 = arith.constant 208 : index
        %parallel_loop3A_227 = tpu.vector_load %arg5[%parallel_loop3A_225, %parallel_loop3A_226] {strides = array<i32>} : memref<32x768xf32, #tpu.memory_space<vmem>>, vector<1x16xf32>,
        %parallel_loop3A_228 = vector.shape_cast %parallel_loop3A_227 : vector<1x16xf32> to vector<16xf32>
        %parallel_loop3A_229 = arith.index_cast %parallel_loop3A_107 : i32 to index
        %parallel_loop3A_230 = arith.constant 208 : index
        %parallel_loop3A_231 = tpu.vector_load %arg8[%parallel_loop3A_229, %parallel_loop3A_230] {strides = array<i32>} : memref<32x768xf32, #tpu.memory_space<vmem>>, vector<1x16xf32>,
        %parallel_loop3A_232 = vector.shape_cast %parallel_loop3A_231 : vector<1x16xf32> to vector<16xf32>
        %parallel_loop3A_233 = vector.shape_cast %parallel_loop3A_228 : vector<16xf32> to vector<1x16xf32>
        tpu.vector_store %arg8[%parallel_loop3A_229, %parallel_loop3A_230], %parallel_loop3A_233 {add = true, strides = array<i32>} : memref<32x768xf32, #tpu.memory_space<vmem>>, vector<1x16xf32>,
        %parallel_loop3A_234 = arith.index_cast %parallel_loop3A_107 : i32 to index
        %parallel_loop3A_235 = arith.constant 224 : index
        %parallel_loop3A_236 = tpu.vector_load %arg5[%parallel_loop3A_234, %parallel_loop3A_235] {strides = array<i32>} : memref<32x768xf32, #tpu.memory_space<vmem>>, vector<1x16xf32>,
        %parallel_loop3A_237 = vector.shape_cast %parallel_loop3A_236 : vector<1x16xf32> to vector<16xf32>
        %parallel_loop3A_238 = arith.index_cast %parallel_loop3A_107 : i32 to index
        %parallel_loop3A_239 = arith.constant 224 : index
        %parallel_loop3A_240 = tpu.vector_load %arg8[%parallel_loop3A_238, %parallel_loop3A_239] {strides = array<i32>} : memref<32x768xf32, #tpu.memory_space<vmem>>, vector<1x16xf32>,
        %parallel_loop3A_241 = vector.shape_cast %parallel_loop3A_240 : vector<1x16xf32> to vector<16xf32>
        %parallel_loop3A_242 = vector.shape_cast %parallel_loop3A_237 : vector<16xf32> to vector<1x16xf32>
        tpu.vector_store %arg8[%parallel_loop3A_238, %parallel_loop3A_239], %parallel_loop3A_242 {add = true, strides = array<i32>} : memref<32x768xf32, #tpu.memory_space<vmem>>, vector<1x16xf32>,
        %parallel_loop3A_243 = arith.index_cast %parallel_loop3A_107 : i32 to index
        %parallel_loop3A_244 = arith.constant 240 : index
        %parallel_loop3A_245 = tpu.vector_load %arg5[%parallel_loop3A_243, %parallel_loop3A_244] {strides = array<i32>} : memref<32x768xf32, #tpu.memory_space<vmem>>, vector<1x16xf32>,
        %parallel_loop3A_246 = vector.shape_cast %parallel_loop3A_245 : vector<1x16xf32> to vector<16xf32>
        %parallel_loop3A_247 = arith.index_cast %parallel_loop3A_107 : i32 to index
        %parallel_loop3A_248 = arith.constant 240 : index
        %parallel_loop3A_249 = tpu.vector_load %arg8[%parallel_loop3A_247, %parallel_loop3A_248] {strides = array<i32>} : memref<32x768xf32, #tpu.memory_space<vmem>>, vector<1x16xf32>,
        %parallel_loop3A_250 = vector.shape_cast %parallel_loop3A_249 : vector<1x16xf32> to vector<16xf32>
        %parallel_loop3A_251 = vector.shape_cast %parallel_loop3A_246 : vector<16xf32> to vector<1x16xf32>
        tpu.vector_store %arg8[%parallel_loop3A_247, %parallel_loop3A_248], %parallel_loop3A_251 {add = true, strides = array<i32>} : memref<32x768xf32, #tpu.memory_space<vmem>>, vector<1x16xf32>,
        %parallel_loop3A_252 = arith.index_cast %parallel_loop3A_107 : i32 to index
        %parallel_loop3A_253 = arith.constant 256 : index
        %parallel_loop3A_254 = tpu.vector_load %arg5[%parallel_loop3A_252, %parallel_loop3A_253] {strides = array<i32>} : memref<32x768xf32, #tpu.memory_space<vmem>>, vector<1x16xf32>,
        %parallel_loop3A_255 = vector.shape_cast %parallel_loop3A_254 : vector<1x16xf32> to vector<16xf32>
        %parallel_loop3A_256 = arith.index_cast %parallel_loop3A_107 : i32 to index
        %parallel_loop3A_257 = arith.constant 256 : index
        %parallel_loop3A_258 = tpu.vector_load %arg8[%parallel_loop3A_256, %parallel_loop3A_257] {strides = array<i32>} : memref<32x768xf32, #tpu.memory_space<vmem>>, vector<1x16xf32>,
        %parallel_loop3A_259 = vector.shape_cast %parallel_loop3A_258 : vector<1x16xf32> to vector<16xf32>
        %parallel_loop3A_260 = vector.shape_cast %parallel_loop3A_255 : vector<16xf32> to vector<1x16xf32>
        tpu.vector_store %arg8[%parallel_loop3A_256, %parallel_loop3A_257], %parallel_loop3A_260 {add = true, strides = array<i32>} : memref<32x768xf32, #tpu.memory_space<vmem>>, vector<1x16xf32>,
        %parallel_loop3A_261 = arith.index_cast %parallel_loop3A_107 : i32 to index
        %parallel_loop3A_262 = arith.constant 272 : index
        %parallel_loop3A_263 = tpu.vector_load %arg5[%parallel_loop3A_261, %parallel_loop3A_262] {strides = array<i32>} : memref<32x768xf32, #tpu.memory_space<vmem>>, vector<1x16xf32>,
        %parallel_loop3A_264 = vector.shape_cast %parallel_loop3A_263 : vector<1x16xf32> to vector<16xf32>
        %parallel_loop3A_265 = arith.index_cast %parallel_loop3A_107 : i32 to index
        %parallel_loop3A_266 = arith.constant 272 : index
        %parallel_loop3A_267 = tpu.vector_load %arg8[%parallel_loop3A_265, %parallel_loop3A_266] {strides = array<i32>} : memref<32x768xf32, #tpu.memory_space<vmem>>, vector<1x16xf32>,
        %parallel_loop3A_268 = vector.shape_cast %parallel_loop3A_267 : vector<1x16xf32> to vector<16xf32>
        %parallel_loop3A_269 = vector.shape_cast %parallel_loop3A_264 : vector<16xf32> to vector<1x16xf32>
        tpu.vector_store %arg8[%parallel_loop3A_265, %parallel_loop3A_266], %parallel_loop3A_269 {add = true, strides = array<i32>} : memref<32x768xf32, #tpu.memory_space<vmem>>, vector<1x16xf32>,
        %parallel_loop3A_270 = arith.index_cast %parallel_loop3A_107 : i32 to index
        %parallel_loop3A_271 = arith.constant 288 : index
        %parallel_loop3A_272 = tpu.vector_load %arg5[%parallel_loop3A_270, %parallel_loop3A_271] {strides = array<i32>} : memref<32x768xf32, #tpu.memory_space<vmem>>, vector<1x16xf32>,
        %parallel_loop3A_273 = vector.shape_cast %parallel_loop3A_272 : vector<1x16xf32> to vector<16xf32>
        %parallel_loop3A_274 = arith.index_cast %parallel_loop3A_107 : i32 to index
        %parallel_loop3A_275 = arith.constant 288 : index
        %parallel_loop3A_276 = tpu.vector_load %arg8[%parallel_loop3A_274, %parallel_loop3A_275] {strides = array<i32>} : memref<32x768xf32, #tpu.memory_space<vmem>>, vector<1x16xf32>,
        %parallel_loop3A_277 = vector.shape_cast %parallel_loop3A_276 : vector<1x16xf32> to vector<16xf32>
        %parallel_loop3A_278 = vector.shape_cast %parallel_loop3A_273 : vector<16xf32> to vector<1x16xf32>
        tpu.vector_store %arg8[%parallel_loop3A_274, %parallel_loop3A_275], %parallel_loop3A_278 {add = true, strides = array<i32>} : memref<32x768xf32, #tpu.memory_space<vmem>>, vector<1x16xf32>,
        %parallel_loop3A_279 = arith.index_cast %parallel_loop3A_107 : i32 to index
        %parallel_loop3A_280 = arith.constant 304 : index
        %parallel_loop3A_281 = tpu.vector_load %arg5[%parallel_loop3A_279, %parallel_loop3A_280] {strides = array<i32>} : memref<32x768xf32, #tpu.memory_space<vmem>>, vector<1x16xf32>,
        %parallel_loop3A_282 = vector.shape_cast %parallel_loop3A_281 : vector<1x16xf32> to vector<16xf32>
        %parallel_loop3A_283 = arith.index_cast %parallel_loop3A_107 : i32 to index
        %parallel_loop3A_284 = arith.constant 304 : index
        %parallel_loop3A_285 = tpu.vector_load %arg8[%parallel_loop3A_283, %parallel_loop3A_284] {strides = array<i32>} : memref<32x768xf32, #tpu.memory_space<vmem>>, vector<1x16xf32>,
        %parallel_loop3A_286 = vector.shape_cast %parallel_loop3A_285 : vector<1x16xf32> to vector<16xf32>
        %parallel_loop3A_287 = vector.shape_cast %parallel_loop3A_282 : vector<16xf32> to vector<1x16xf32>
        tpu.vector_store %arg8[%parallel_loop3A_283, %parallel_loop3A_284], %parallel_loop3A_287 {add = true, strides = array<i32>} : memref<32x768xf32, #tpu.memory_space<vmem>>, vector<1x16xf32>,
        %parallel_loop3A_288 = arith.index_cast %parallel_loop3A_107 : i32 to index
        %parallel_loop3A_289 = arith.constant 320 : index
        %parallel_loop3A_290 = tpu.vector_load %arg5[%parallel_loop3A_288, %parallel_loop3A_289] {strides = array<i32>} : memref<32x768xf32, #tpu.memory_space<vmem>>, vector<1x16xf32>,
        %parallel_loop3A_291 = vector.shape_cast %parallel_loop3A_290 : vector<1x16xf32> to vector<16xf32>
        %parallel_loop3A_292 = arith.index_cast %parallel_loop3A_107 : i32 to index
        %parallel_loop3A_293 = arith.constant 320 : index
        %parallel_loop3A_294 = tpu.vector_load %arg8[%parallel_loop3A_292, %parallel_loop3A_293] {strides = array<i32>} : memref<32x768xf32, #tpu.memory_space<vmem>>, vector<1x16xf32>,
        %parallel_loop3A_295 = vector.shape_cast %parallel_loop3A_294 : vector<1x16xf32> to vector<16xf32>
        %parallel_loop3A_296 = vector.shape_cast %parallel_loop3A_291 : vector<16xf32> to vector<1x16xf32>
        tpu.vector_store %arg8[%parallel_loop3A_292, %parallel_loop3A_293], %parallel_loop3A_296 {add = true, strides = array<i32>} : memref<32x768xf32, #tpu.memory_space<vmem>>, vector<1x16xf32>,
        %parallel_loop3A_297 = arith.index_cast %parallel_loop3A_107 : i32 to index
        %parallel_loop3A_298 = arith.constant 336 : index
        %parallel_loop3A_299 = tpu.vector_load %arg5[%parallel_loop3A_297, %parallel_loop3A_298] {strides = array<i32>} : memref<32x768xf32, #tpu.memory_space<vmem>>, vector<1x16xf32>,
        %parallel_loop3A_300 = vector.shape_cast %parallel_loop3A_299 : vector<1x16xf32> to vector<16xf32>
        %parallel_loop3A_301 = arith.index_cast %parallel_loop3A_107 : i32 to index
        %parallel_loop3A_302 = arith.constant 336 : index
        %parallel_loop3A_303 = tpu.vector_load %arg8[%parallel_loop3A_301, %parallel_loop3A_302] {strides = array<i32>} : memref<32x768xf32, #tpu.memory_space<vmem>>, vector<1x16xf32>,
        %parallel_loop3A_304 = vector.shape_cast %parallel_loop3A_303 : vector<1x16xf32> to vector<16xf32>
        %parallel_loop3A_305 = vector.shape_cast %parallel_loop3A_300 : vector<16xf32> to vector<1x16xf32>
        tpu.vector_store %arg8[%parallel_loop3A_301, %parallel_loop3A_302], %parallel_loop3A_305 {add = true, strides = array<i32>} : memref<32x768xf32, #tpu.memory_space<vmem>>, vector<1x16xf32>,
        %parallel_loop3A_306 = arith.index_cast %parallel_loop3A_107 : i32 to index
        %parallel_loop3A_307 = arith.constant 352 : index
        %parallel_loop3A_308 = tpu.vector_load %arg5[%parallel_loop3A_306, %parallel_loop3A_307] {strides = array<i32>} : memref<32x768xf32, #tpu.memory_space<vmem>>, vector<1x16xf32>,
        %parallel_loop3A_309 = vector.shape_cast %parallel_loop3A_308 : vector<1x16xf32> to vector<16xf32>
        %parallel_loop3A_310 = arith.index_cast %parallel_loop3A_107 : i32 to index
        %parallel_loop3A_311 = arith.constant 352 : index
        %parallel_loop3A_312 = tpu.vector_load %arg8[%parallel_loop3A_310, %parallel_loop3A_311] {strides = array<i32>} : memref<32x768xf32, #tpu.memory_space<vmem>>, vector<1x16xf32>,
        %parallel_loop3A_313 = vector.shape_cast %parallel_loop3A_312 : vector<1x16xf32> to vector<16xf32>
        %parallel_loop3A_314 = vector.shape_cast %parallel_loop3A_309 : vector<16xf32> to vector<1x16xf32>
        tpu.vector_store %arg8[%parallel_loop3A_310, %parallel_loop3A_311], %parallel_loop3A_314 {add = true, strides = array<i32>} : memref<32x768xf32, #tpu.memory_space<vmem>>, vector<1x16xf32>,
        %parallel_loop3A_315 = arith.index_cast %parallel_loop3A_107 : i32 to index
        %parallel_loop3A_316 = arith.constant 368 : index
        %parallel_loop3A_317 = tpu.vector_load %arg5[%parallel_loop3A_315, %parallel_loop3A_316] {strides = array<i32>} : memref<32x768xf32, #tpu.memory_space<vmem>>, vector<1x16xf32>,
        %parallel_loop3A_318 = vector.shape_cast %parallel_loop3A_317 : vector<1x16xf32> to vector<16xf32>
        %parallel_loop3A_319 = arith.index_cast %parallel_loop3A_107 : i32 to index
        %parallel_loop3A_320 = arith.constant 368 : index
        %parallel_loop3A_321 = tpu.vector_load %arg8[%parallel_loop3A_319, %parallel_loop3A_320] {strides = array<i32>} : memref<32x768xf32, #tpu.memory_space<vmem>>, vector<1x16xf32>,
        %parallel_loop3A_322 = vector.shape_cast %parallel_loop3A_321 : vector<1x16xf32> to vector<16xf32>
        %parallel_loop3A_323 = vector.shape_cast %parallel_loop3A_318 : vector<16xf32> to vector<1x16xf32>
        tpu.vector_store %arg8[%parallel_loop3A_319, %parallel_loop3A_320], %parallel_loop3A_323 {add = true, strides = array<i32>} : memref<32x768xf32, #tpu.memory_space<vmem>>, vector<1x16xf32>,
        %parallel_loop3A_324 = arith.index_cast %parallel_loop3A_107 : i32 to index
        %parallel_loop3A_325 = arith.constant 384 : index
        %parallel_loop3A_326 = tpu.vector_load %arg5[%parallel_loop3A_324, %parallel_loop3A_325] {strides = array<i32>} : memref<32x768xf32, #tpu.memory_space<vmem>>, vector<1x16xf32>,
        %parallel_loop3A_327 = vector.shape_cast %parallel_loop3A_326 : vector<1x16xf32> to vector<16xf32>
        %parallel_loop3A_328 = arith.index_cast %parallel_loop3A_107 : i32 to index
        %parallel_loop3A_329 = arith.constant 384 : index
        %parallel_loop3A_330 = tpu.vector_load %arg8[%parallel_loop3A_328, %parallel_loop3A_329] {strides = array<i32>} : memref<32x768xf32, #tpu.memory_space<vmem>>, vector<1x16xf32>,
        %parallel_loop3A_331 = vector.shape_cast %parallel_loop3A_330 : vector<1x16xf32> to vector<16xf32>
        %parallel_loop3A_332 = vector.shape_cast %parallel_loop3A_327 : vector<16xf32> to vector<1x16xf32>
        tpu.vector_store %arg8[%parallel_loop3A_328, %parallel_loop3A_329], %parallel_loop3A_332 {add = true, strides = array<i32>} : memref<32x768xf32, #tpu.memory_space<vmem>>, vector<1x16xf32>,
        %parallel_loop3A_333 = arith.index_cast %parallel_loop3A_107 : i32 to index
        %parallel_loop3A_334 = arith.constant 400 : index
        %parallel_loop3A_335 = tpu.vector_load %arg5[%parallel_loop3A_333, %parallel_loop3A_334] {strides = array<i32>} : memref<32x768xf32, #tpu.memory_space<vmem>>, vector<1x16xf32>,
        %parallel_loop3A_336 = vector.shape_cast %parallel_loop3A_335 : vector<1x16xf32> to vector<16xf32>
        %parallel_loop3A_337 = arith.index_cast %parallel_loop3A_107 : i32 to index
        %parallel_loop3A_338 = arith.constant 400 : index
        %parallel_loop3A_339 = tpu.vector_load %arg8[%parallel_loop3A_337, %parallel_loop3A_338] {strides = array<i32>} : memref<32x768xf32, #tpu.memory_space<vmem>>, vector<1x16xf32>,
        %parallel_loop3A_340 = vector.shape_cast %parallel_loop3A_339 : vector<1x16xf32> to vector<16xf32>
        %parallel_loop3A_341 = vector.shape_cast %parallel_loop3A_336 : vector<16xf32> to vector<1x16xf32>
        tpu.vector_store %arg8[%parallel_loop3A_337, %parallel_loop3A_338], %parallel_loop3A_341 {add = true, strides = array<i32>} : memref<32x768xf32, #tpu.memory_space<vmem>>, vector<1x16xf32>,
        %parallel_loop3A_342 = arith.index_cast %parallel_loop3A_107 : i32 to index
        %parallel_loop3A_343 = arith.constant 416 : index
        %parallel_loop3A_344 = tpu.vector_load %arg5[%parallel_loop3A_342, %parallel_loop3A_343] {strides = array<i32>} : memref<32x768xf32, #tpu.memory_space<vmem>>, vector<1x16xf32>,
        %parallel_loop3A_345 = vector.shape_cast %parallel_loop3A_344 : vector<1x16xf32> to vector<16xf32>
        %parallel_loop3A_346 = arith.index_cast %parallel_loop3A_107 : i32 to index
        %parallel_loop3A_347 = arith.constant 416 : index
        %parallel_loop3A_348 = tpu.vector_load %arg8[%parallel_loop3A_346, %parallel_loop3A_347] {strides = array<i32>} : memref<32x768xf32, #tpu.memory_space<vmem>>, vector<1x16xf32>,
        %parallel_loop3A_349 = vector.shape_cast %parallel_loop3A_348 : vector<1x16xf32> to vector<16xf32>
        %parallel_loop3A_350 = vector.shape_cast %parallel_loop3A_345 : vector<16xf32> to vector<1x16xf32>
        tpu.vector_store %arg8[%parallel_loop3A_346, %parallel_loop3A_347], %parallel_loop3A_350 {add = true, strides = array<i32>} : memref<32x768xf32, #tpu.memory_space<vmem>>, vector<1x16xf32>,
        %parallel_loop3A_351 = arith.index_cast %parallel_loop3A_107 : i32 to index
        %parallel_loop3A_352 = arith.constant 432 : index
        %parallel_loop3A_353 = tpu.vector_load %arg5[%parallel_loop3A_351, %parallel_loop3A_352] {strides = array<i32>} : memref<32x768xf32, #tpu.memory_space<vmem>>, vector<1x16xf32>,
        %parallel_loop3A_354 = vector.shape_cast %parallel_loop3A_353 : vector<1x16xf32> to vector<16xf32>
        %parallel_loop3A_355 = arith.index_cast %parallel_loop3A_107 : i32 to index
        %parallel_loop3A_356 = arith.constant 432 : index
        %parallel_loop3A_357 = tpu.vector_load %arg8[%parallel_loop3A_355, %parallel_loop3A_356] {strides = array<i32>} : memref<32x768xf32, #tpu.memory_space<vmem>>, vector<1x16xf32>,
        %parallel_loop3A_358 = vector.shape_cast %parallel_loop3A_357 : vector<1x16xf32> to vector<16xf32>
        %parallel_loop3A_359 = vector.shape_cast %parallel_loop3A_354 : vector<16xf32> to vector<1x16xf32>
        tpu.vector_store %arg8[%parallel_loop3A_355, %parallel_loop3A_356], %parallel_loop3A_359 {add = true, strides = array<i32>} : memref<32x768xf32, #tpu.memory_space<vmem>>, vector<1x16xf32>,
        %parallel_loop3A_360 = arith.index_cast %parallel_loop3A_107 : i32 to index
        %parallel_loop3A_361 = arith.constant 448 : index
        %parallel_loop3A_362 = tpu.vector_load %arg5[%parallel_loop3A_360, %parallel_loop3A_361] {strides = array<i32>} : memref<32x768xf32, #tpu.memory_space<vmem>>, vector<1x16xf32>,
        %parallel_loop3A_363 = vector.shape_cast %parallel_loop3A_362 : vector<1x16xf32> to vector<16xf32>
        %parallel_loop3A_364 = arith.index_cast %parallel_loop3A_107 : i32 to index
        %parallel_loop3A_365 = arith.constant 448 : index
        %parallel_loop3A_366 = tpu.vector_load %arg8[%parallel_loop3A_364, %parallel_loop3A_365] {strides = array<i32>} : memref<32x768xf32, #tpu.memory_space<vmem>>, vector<1x16xf32>,
        %parallel_loop3A_367 = vector.shape_cast %parallel_loop3A_366 : vector<1x16xf32> to vector<16xf32>
        %parallel_loop3A_368 = vector.shape_cast %parallel_loop3A_363 : vector<16xf32> to vector<1x16xf32>
        tpu.vector_store %arg8[%parallel_loop3A_364, %parallel_loop3A_365], %parallel_loop3A_368 {add = true, strides = array<i32>} : memref<32x768xf32, #tpu.memory_space<vmem>>, vector<1x16xf32>,
        %parallel_loop3A_369 = arith.index_cast %parallel_loop3A_107 : i32 to index
        %parallel_loop3A_370 = arith.constant 464 : index
        %parallel_loop3A_371 = tpu.vector_load %arg5[%parallel_loop3A_369, %parallel_loop3A_370] {strides = array<i32>} : memref<32x768xf32, #tpu.memory_space<vmem>>, vector<1x16xf32>,
        %parallel_loop3A_372 = vector.shape_cast %parallel_loop3A_371 : vector<1x16xf32> to vector<16xf32>
        %parallel_loop3A_373 = arith.index_cast %parallel_loop3A_107 : i32 to index
        %parallel_loop3A_374 = arith.constant 464 : index
        %parallel_loop3A_375 = tpu.vector_load %arg8[%parallel_loop3A_373, %parallel_loop3A_374] {strides = array<i32>} : memref<32x768xf32, #tpu.memory_space<vmem>>, vector<1x16xf32>,
        %parallel_loop3A_376 = vector.shape_cast %parallel_loop3A_375 : vector<1x16xf32> to vector<16xf32>
        %parallel_loop3A_377 = vector.shape_cast %parallel_loop3A_372 : vector<16xf32> to vector<1x16xf32>
        tpu.vector_store %arg8[%parallel_loop3A_373, %parallel_loop3A_374], %parallel_loop3A_377 {add = true, strides = array<i32>} : memref<32x768xf32, #tpu.memory_space<vmem>>, vector<1x16xf32>,
        %parallel_loop3A_378 = arith.index_cast %parallel_loop3A_107 : i32 to index
        %parallel_loop3A_379 = arith.constant 480 : index
        %parallel_loop3A_380 = tpu.vector_load %arg5[%parallel_loop3A_378, %parallel_loop3A_379] {strides = array<i32>} : memref<32x768xf32, #tpu.memory_space<vmem>>, vector<1x16xf32>,
        %parallel_loop3A_381 = vector.shape_cast %parallel_loop3A_380 : vector<1x16xf32> to vector<16xf32>
        %parallel_loop3A_382 = arith.index_cast %parallel_loop3A_107 : i32 to index
        %parallel_loop3A_383 = arith.constant 480 : index
        %parallel_loop3A_384 = tpu.vector_load %arg8[%parallel_loop3A_382, %parallel_loop3A_383] {strides = array<i32>} : memref<32x768xf32, #tpu.memory_space<vmem>>, vector<1x16xf32>,
        %parallel_loop3A_385 = vector.shape_cast %parallel_loop3A_384 : vector<1x16xf32> to vector<16xf32>
        %parallel_loop3A_386 = vector.shape_cast %parallel_loop3A_381 : vector<16xf32> to vector<1x16xf32>
        tpu.vector_store %arg8[%parallel_loop3A_382, %parallel_loop3A_383], %parallel_loop3A_386 {add = true, strides = array<i32>} : memref<32x768xf32, #tpu.memory_space<vmem>>, vector<1x16xf32>,
        %parallel_loop3A_387 = arith.index_cast %parallel_loop3A_107 : i32 to index
        %parallel_loop3A_388 = arith.constant 496 : index
        %parallel_loop3A_389 = tpu.vector_load %arg5[%parallel_loop3A_387, %parallel_loop3A_388] {strides = array<i32>} : memref<32x768xf32, #tpu.memory_space<vmem>>, vector<1x16xf32>,
        %parallel_loop3A_390 = vector.shape_cast %parallel_loop3A_389 : vector<1x16xf32> to vector<16xf32>
        %parallel_loop3A_391 = arith.index_cast %parallel_loop3A_107 : i32 to index
        %parallel_loop3A_392 = arith.constant 496 : index
        %parallel_loop3A_393 = tpu.vector_load %arg8[%parallel_loop3A_391, %parallel_loop3A_392] {strides = array<i32>} : memref<32x768xf32, #tpu.memory_space<vmem>>, vector<1x16xf32>,
        %parallel_loop3A_394 = vector.shape_cast %parallel_loop3A_393 : vector<1x16xf32> to vector<16xf32>
        %parallel_loop3A_395 = vector.shape_cast %parallel_loop3A_390 : vector<16xf32> to vector<1x16xf32>
        tpu.vector_store %arg8[%parallel_loop3A_391, %parallel_loop3A_392], %parallel_loop3A_395 {add = true, strides = array<i32>} : memref<32x768xf32, #tpu.memory_space<vmem>>, vector<1x16xf32>,
        %parallel_loop3A_396 = arith.index_cast %parallel_loop3A_107 : i32 to index
        %parallel_loop3A_397 = arith.constant 512 : index
        %parallel_loop3A_398 = tpu.vector_load %arg5[%parallel_loop3A_396, %parallel_loop3A_397] {strides = array<i32>} : memref<32x768xf32, #tpu.memory_space<vmem>>, vector<1x16xf32>,
        %parallel_loop3A_399 = vector.shape_cast %parallel_loop3A_398 : vector<1x16xf32> to vector<16xf32>
        %parallel_loop3A_400 = arith.index_cast %parallel_loop3A_107 : i32 to index
        %parallel_loop3A_401 = arith.constant 512 : index
        %parallel_loop3A_402 = tpu.vector_load %arg8[%parallel_loop3A_400, %parallel_loop3A_401] {strides = array<i32>} : memref<32x768xf32, #tpu.memory_space<vmem>>, vector<1x16xf32>,
        %parallel_loop3A_403 = vector.shape_cast %parallel_loop3A_402 : vector<1x16xf32> to vector<16xf32>
        %parallel_loop3A_404 = vector.shape_cast %parallel_loop3A_399 : vector<16xf32> to vector<1x16xf32>
        tpu.vector_store %arg8[%parallel_loop3A_400, %parallel_loop3A_401], %parallel_loop3A_404 {add = true, strides = array<i32>} : memref<32x768xf32, #tpu.memory_space<vmem>>, vector<1x16xf32>,
        %parallel_loop3A_405 = arith.index_cast %parallel_loop3A_107 : i32 to index
        %parallel_loop3A_406 = arith.constant 528 : index
        %parallel_loop3A_407 = tpu.vector_load %arg5[%parallel_loop3A_405, %parallel_loop3A_406] {strides = array<i32>} : memref<32x768xf32, #tpu.memory_space<vmem>>, vector<1x16xf32>,
        %parallel_loop3A_408 = vector.shape_cast %parallel_loop3A_407 : vector<1x16xf32> to vector<16xf32>
        %parallel_loop3A_409 = arith.index_cast %parallel_loop3A_107 : i32 to index
        %parallel_loop3A_410 = arith.constant 528 : index
        %parallel_loop3A_411 = tpu.vector_load %arg8[%parallel_loop3A_409, %parallel_loop3A_410] {strides = array<i32>} : memref<32x768xf32, #tpu.memory_space<vmem>>, vector<1x16xf32>,
        %parallel_loop3A_412 = vector.shape_cast %parallel_loop3A_411 : vector<1x16xf32> to vector<16xf32>
        %parallel_loop3A_413 = vector.shape_cast %parallel_loop3A_408 : vector<16xf32> to vector<1x16xf32>
        tpu.vector_store %arg8[%parallel_loop3A_409, %parallel_loop3A_410], %parallel_loop3A_413 {add = true, strides = array<i32>} : memref<32x768xf32, #tpu.memory_space<vmem>>, vector<1x16xf32>,
        %parallel_loop3A_414 = arith.index_cast %parallel_loop3A_107 : i32 to index
        %parallel_loop3A_415 = arith.constant 544 : index
        %parallel_loop3A_416 = tpu.vector_load %arg5[%parallel_loop3A_414, %parallel_loop3A_415] {strides = array<i32>} : memref<32x768xf32, #tpu.memory_space<vmem>>, vector<1x16xf32>,
        %parallel_loop3A_417 = vector.shape_cast %parallel_loop3A_416 : vector<1x16xf32> to vector<16xf32>
        %parallel_loop3A_418 = arith.index_cast %parallel_loop3A_107 : i32 to index
        %parallel_loop3A_419 = arith.constant 544 : index
        %parallel_loop3A_420 = tpu.vector_load %arg8[%parallel_loop3A_418, %parallel_loop3A_419] {strides = array<i32>} : memref<32x768xf32, #tpu.memory_space<vmem>>, vector<1x16xf32>,
        %parallel_loop3A_421 = vector.shape_cast %parallel_loop3A_420 : vector<1x16xf32> to vector<16xf32>
        %parallel_loop3A_422 = vector.shape_cast %parallel_loop3A_417 : vector<16xf32> to vector<1x16xf32>
        tpu.vector_store %arg8[%parallel_loop3A_418, %parallel_loop3A_419], %parallel_loop3A_422 {add = true, strides = array<i32>} : memref<32x768xf32, #tpu.memory_space<vmem>>, vector<1x16xf32>,
        %parallel_loop3A_423 = arith.index_cast %parallel_loop3A_107 : i32 to index
        %parallel_loop3A_424 = arith.constant 560 : index
        %parallel_loop3A_425 = tpu.vector_load %arg5[%parallel_loop3A_423, %parallel_loop3A_424] {strides = array<i32>} : memref<32x768xf32, #tpu.memory_space<vmem>>, vector<1x16xf32>,
        %parallel_loop3A_426 = vector.shape_cast %parallel_loop3A_425 : vector<1x16xf32> to vector<16xf32>
        %parallel_loop3A_427 = arith.index_cast %parallel_loop3A_107 : i32 to index
        %parallel_loop3A_428 = arith.constant 560 : index
        %parallel_loop3A_429 = tpu.vector_load %arg8[%parallel_loop3A_427, %parallel_loop3A_428] {strides = array<i32>} : memref<32x768xf32, #tpu.memory_space<vmem>>, vector<1x16xf32>,
        %parallel_loop3A_430 = vector.shape_cast %parallel_loop3A_429 : vector<1x16xf32> to vector<16xf32>
        %parallel_loop3A_431 = vector.shape_cast %parallel_loop3A_426 : vector<16xf32> to vector<1x16xf32>
        tpu.vector_store %arg8[%parallel_loop3A_427, %parallel_loop3A_428], %parallel_loop3A_431 {add = true, strides = array<i32>} : memref<32x768xf32, #tpu.memory_space<vmem>>, vector<1x16xf32>,
        %parallel_loop3A_432 = arith.index_cast %parallel_loop3A_107 : i32 to index
        %parallel_loop3A_433 = arith.constant 576 : index
        %parallel_loop3A_434 = tpu.vector_load %arg5[%parallel_loop3A_432, %parallel_loop3A_433] {strides = array<i32>} : memref<32x768xf32, #tpu.memory_space<vmem>>, vector<1x16xf32>,
        %parallel_loop3A_435 = vector.shape_cast %parallel_loop3A_434 : vector<1x16xf32> to vector<16xf32>
        %parallel_loop3A_436 = arith.index_cast %parallel_loop3A_107 : i32 to index
        %parallel_loop3A_437 = arith.constant 576 : index
        %parallel_loop3A_438 = tpu.vector_load %arg8[%parallel_loop3A_436, %parallel_loop3A_437] {strides = array<i32>} : memref<32x768xf32, #tpu.memory_space<vmem>>, vector<1x16xf32>,
        %parallel_loop3A_439 = vector.shape_cast %parallel_loop3A_438 : vector<1x16xf32> to vector<16xf32>
        %parallel_loop3A_440 = vector.shape_cast %parallel_loop3A_435 : vector<16xf32> to vector<1x16xf32>
        tpu.vector_store %arg8[%parallel_loop3A_436, %parallel_loop3A_437], %parallel_loop3A_440 {add = true, strides = array<i32>} : memref<32x768xf32, #tpu.memory_space<vmem>>, vector<1x16xf32>,
        %parallel_loop3A_441 = arith.index_cast %parallel_loop3A_107 : i32 to index
        %parallel_loop3A_442 = arith.constant 592 : index
        %parallel_loop3A_443 = tpu.vector_load %arg5[%parallel_loop3A_441, %parallel_loop3A_442] {strides = array<i32>} : memref<32x768xf32, #tpu.memory_space<vmem>>, vector<1x16xf32>,
        %parallel_loop3A_444 = vector.shape_cast %parallel_loop3A_443 : vector<1x16xf32> to vector<16xf32>
        %parallel_loop3A_445 = arith.index_cast %parallel_loop3A_107 : i32 to index
        %parallel_loop3A_446 = arith.constant 592 : index
        %parallel_loop3A_447 = tpu.vector_load %arg8[%parallel_loop3A_445, %parallel_loop3A_446] {strides = array<i32>} : memref<32x768xf32, #tpu.memory_space<vmem>>, vector<1x16xf32>,
        %parallel_loop3A_448 = vector.shape_cast %parallel_loop3A_447 : vector<1x16xf32> to vector<16xf32>
        %parallel_loop3A_449 = vector.shape_cast %parallel_loop3A_444 : vector<16xf32> to vector<1x16xf32>
        tpu.vector_store %arg8[%parallel_loop3A_445, %parallel_loop3A_446], %parallel_loop3A_449 {add = true, strides = array<i32>} : memref<32x768xf32, #tpu.memory_space<vmem>>, vector<1x16xf32>,
        %parallel_loop3A_450 = arith.index_cast %parallel_loop3A_107 : i32 to index
        %parallel_loop3A_451 = arith.constant 608 : index
        %parallel_loop3A_452 = tpu.vector_load %arg5[%parallel_loop3A_450, %parallel_loop3A_451] {strides = array<i32>} : memref<32x768xf32, #tpu.memory_space<vmem>>, vector<1x16xf32>,
        %parallel_loop3A_453 = vector.shape_cast %parallel_loop3A_452 : vector<1x16xf32> to vector<16xf32>
        %parallel_loop3A_454 = arith.index_cast %parallel_loop3A_107 : i32 to index
        %parallel_loop3A_455 = arith.constant 608 : index
        %parallel_loop3A_456 = tpu.vector_load %arg8[%parallel_loop3A_454, %parallel_loop3A_455] {strides = array<i32>} : memref<32x768xf32, #tpu.memory_space<vmem>>, vector<1x16xf32>,
        %parallel_loop3A_457 = vector.shape_cast %parallel_loop3A_456 : vector<1x16xf32> to vector<16xf32>
        %parallel_loop3A_458 = vector.shape_cast %parallel_loop3A_453 : vector<16xf32> to vector<1x16xf32>
        tpu.vector_store %arg8[%parallel_loop3A_454, %parallel_loop3A_455], %parallel_loop3A_458 {add = true, strides = array<i32>} : memref<32x768xf32, #tpu.memory_space<vmem>>, vector<1x16xf32>,
        %parallel_loop3A_459 = arith.index_cast %parallel_loop3A_107 : i32 to index
        %parallel_loop3A_460 = arith.constant 624 : index
        %parallel_loop3A_461 = tpu.vector_load %arg5[%parallel_loop3A_459, %parallel_loop3A_460] {strides = array<i32>} : memref<32x768xf32, #tpu.memory_space<vmem>>, vector<1x16xf32>,
        %parallel_loop3A_462 = vector.shape_cast %parallel_loop3A_461 : vector<1x16xf32> to vector<16xf32>
        %parallel_loop3A_463 = arith.index_cast %parallel_loop3A_107 : i32 to index
        %parallel_loop3A_464 = arith.constant 624 : index
        %parallel_loop3A_465 = tpu.vector_load %arg8[%parallel_loop3A_463, %parallel_loop3A_464] {strides = array<i32>} : memref<32x768xf32, #tpu.memory_space<vmem>>, vector<1x16xf32>,
        %parallel_loop3A_466 = vector.shape_cast %parallel_loop3A_465 : vector<1x16xf32> to vector<16xf32>
        %parallel_loop3A_467 = vector.shape_cast %parallel_loop3A_462 : vector<16xf32> to vector<1x16xf32>
        tpu.vector_store %arg8[%parallel_loop3A_463, %parallel_loop3A_464], %parallel_loop3A_467 {add = true, strides = array<i32>} : memref<32x768xf32, #tpu.memory_space<vmem>>, vector<1x16xf32>,
        %parallel_loop3A_468 = arith.index_cast %parallel_loop3A_107 : i32 to index
        %parallel_loop3A_469 = arith.constant 640 : index
        %parallel_loop3A_470 = tpu.vector_load %arg5[%parallel_loop3A_468, %parallel_loop3A_469] {strides = array<i32>} : memref<32x768xf32, #tpu.memory_space<vmem>>, vector<1x16xf32>,
        %parallel_loop3A_471 = vector.shape_cast %parallel_loop3A_470 : vector<1x16xf32> to vector<16xf32>
        %parallel_loop3A_472 = arith.index_cast %parallel_loop3A_107 : i32 to index
        %parallel_loop3A_473 = arith.constant 640 : index
        %parallel_loop3A_474 = tpu.vector_load %arg8[%parallel_loop3A_472, %parallel_loop3A_473] {strides = array<i32>} : memref<32x768xf32, #tpu.memory_space<vmem>>, vector<1x16xf32>,
        %parallel_loop3A_475 = vector.shape_cast %parallel_loop3A_474 : vector<1x16xf32> to vector<16xf32>
        %parallel_loop3A_476 = vector.shape_cast %parallel_loop3A_471 : vector<16xf32> to vector<1x16xf32>
        tpu.vector_store %arg8[%parallel_loop3A_472, %parallel_loop3A_473], %parallel_loop3A_476 {add = true, strides = array<i32>} : memref<32x768xf32, #tpu.memory_space<vmem>>, vector<1x16xf32>,
        %parallel_loop3A_477 = arith.index_cast %parallel_loop3A_107 : i32 to index
        %parallel_loop3A_478 = arith.constant 656 : index
        %parallel_loop3A_479 = tpu.vector_load %arg5[%parallel_loop3A_477, %parallel_loop3A_478] {strides = array<i32>} : memref<32x768xf32, #tpu.memory_space<vmem>>, vector<1x16xf32>,
        %parallel_loop3A_480 = vector.shape_cast %parallel_loop3A_479 : vector<1x16xf32> to vector<16xf32>
        %parallel_loop3A_481 = arith.index_cast %parallel_loop3A_107 : i32 to index
        %parallel_loop3A_482 = arith.constant 656 : index
        %parallel_loop3A_483 = tpu.vector_load %arg8[%parallel_loop3A_481, %parallel_loop3A_482] {strides = array<i32>} : memref<32x768xf32, #tpu.memory_space<vmem>>, vector<1x16xf32>,
        %parallel_loop3A_484 = vector.shape_cast %parallel_loop3A_483 : vector<1x16xf32> to vector<16xf32>
        %parallel_loop3A_485 = vector.shape_cast %parallel_loop3A_480 : vector<16xf32> to vector<1x16xf32>
        tpu.vector_store %arg8[%parallel_loop3A_481, %parallel_loop3A_482], %parallel_loop3A_485 {add = true, strides = array<i32>} : memref<32x768xf32, #tpu.memory_space<vmem>>, vector<1x16xf32>,
        %parallel_loop3A_486 = arith.index_cast %parallel_loop3A_107 : i32 to index
        %parallel_loop3A_487 = arith.constant 672 : index
        %parallel_loop3A_488 = tpu.vector_load %arg5[%parallel_loop3A_486, %parallel_loop3A_487] {strides = array<i32>} : memref<32x768xf32, #tpu.memory_space<vmem>>, vector<1x16xf32>,
        %parallel_loop3A_489 = vector.shape_cast %parallel_loop3A_488 : vector<1x16xf32> to vector<16xf32>
        %parallel_loop3A_490 = arith.index_cast %parallel_loop3A_107 : i32 to index
        %parallel_loop3A_491 = arith.constant 672 : index
        %parallel_loop3A_492 = tpu.vector_load %arg8[%parallel_loop3A_490, %parallel_loop3A_491] {strides = array<i32>} : memref<32x768xf32, #tpu.memory_space<vmem>>, vector<1x16xf32>,
        %parallel_loop3A_493 = vector.shape_cast %parallel_loop3A_492 : vector<1x16xf32> to vector<16xf32>
        %parallel_loop3A_494 = vector.shape_cast %parallel_loop3A_489 : vector<16xf32> to vector<1x16xf32>
        tpu.vector_store %arg8[%parallel_loop3A_490, %parallel_loop3A_491], %parallel_loop3A_494 {add = true, strides = array<i32>} : memref<32x768xf32, #tpu.memory_space<vmem>>, vector<1x16xf32>,
        %parallel_loop3A_495 = arith.index_cast %parallel_loop3A_107 : i32 to index
        %parallel_loop3A_496 = arith.constant 688 : index
        %parallel_loop3A_497 = tpu.vector_load %arg5[%parallel_loop3A_495, %parallel_loop3A_496] {strides = array<i32>} : memref<32x768xf32, #tpu.memory_space<vmem>>, vector<1x16xf32>,
        %parallel_loop3A_498 = vector.shape_cast %parallel_loop3A_497 : vector<1x16xf32> to vector<16xf32>
        %parallel_loop3A_499 = arith.index_cast %parallel_loop3A_107 : i32 to index
        %parallel_loop3A_500 = arith.constant 688 : index
        %parallel_loop3A_501 = tpu.vector_load %arg8[%parallel_loop3A_499, %parallel_loop3A_500] {strides = array<i32>} : memref<32x768xf32, #tpu.memory_space<vmem>>, vector<1x16xf32>,
        %parallel_loop3A_502 = vector.shape_cast %parallel_loop3A_501 : vector<1x16xf32> to vector<16xf32>
        %parallel_loop3A_503 = vector.shape_cast %parallel_loop3A_498 : vector<16xf32> to vector<1x16xf32>
        tpu.vector_store %arg8[%parallel_loop3A_499, %parallel_loop3A_500], %parallel_loop3A_503 {add = true, strides = array<i32>} : memref<32x768xf32, #tpu.memory_space<vmem>>, vector<1x16xf32>,
        %parallel_loop3A_504 = arith.index_cast %parallel_loop3A_107 : i32 to index
        %parallel_loop3A_505 = arith.constant 704 : index
        %parallel_loop3A_506 = tpu.vector_load %arg5[%parallel_loop3A_504, %parallel_loop3A_505] {strides = array<i32>} : memref<32x768xf32, #tpu.memory_space<vmem>>, vector<1x16xf32>,
        %parallel_loop3A_507 = vector.shape_cast %parallel_loop3A_506 : vector<1x16xf32> to vector<16xf32>
        %parallel_loop3A_508 = arith.index_cast %parallel_loop3A_107 : i32 to index
        %parallel_loop3A_509 = arith.constant 704 : index
        %parallel_loop3A_510 = tpu.vector_load %arg8[%parallel_loop3A_508, %parallel_loop3A_509] {strides = array<i32>} : memref<32x768xf32, #tpu.memory_space<vmem>>, vector<1x16xf32>,
        %parallel_loop3A_511 = vector.shape_cast %parallel_loop3A_510 : vector<1x16xf32> to vector<16xf32>
        %parallel_loop3A_512 = vector.shape_cast %parallel_loop3A_507 : vector<16xf32> to vector<1x16xf32>
        tpu.vector_store %arg8[%parallel_loop3A_508, %parallel_loop3A_509], %parallel_loop3A_512 {add = true, strides = array<i32>} : memref<32x768xf32, #tpu.memory_space<vmem>>, vector<1x16xf32>,
        %parallel_loop3A_513 = arith.index_cast %parallel_loop3A_107 : i32 to index
        %parallel_loop3A_514 = arith.constant 720 : index
        %parallel_loop3A_515 = tpu.vector_load %arg5[%parallel_loop3A_513, %parallel_loop3A_514] {strides = array<i32>} : memref<32x768xf32, #tpu.memory_space<vmem>>, vector<1x16xf32>,
        %parallel_loop3A_516 = vector.shape_cast %parallel_loop3A_515 : vector<1x16xf32> to vector<16xf32>
        %parallel_loop3A_517 = arith.index_cast %parallel_loop3A_107 : i32 to index
        %parallel_loop3A_518 = arith.constant 720 : index
        %parallel_loop3A_519 = tpu.vector_load %arg8[%parallel_loop3A_517, %parallel_loop3A_518] {strides = array<i32>} : memref<32x768xf32, #tpu.memory_space<vmem>>, vector<1x16xf32>,
        %parallel_loop3A_520 = vector.shape_cast %parallel_loop3A_519 : vector<1x16xf32> to vector<16xf32>
        %parallel_loop3A_521 = vector.shape_cast %parallel_loop3A_516 : vector<16xf32> to vector<1x16xf32>
        tpu.vector_store %arg8[%parallel_loop3A_517, %parallel_loop3A_518], %parallel_loop3A_521 {add = true, strides = array<i32>} : memref<32x768xf32, #tpu.memory_space<vmem>>, vector<1x16xf32>,
        %parallel_loop3A_522 = arith.index_cast %parallel_loop3A_107 : i32 to index
        %parallel_loop3A_523 = arith.constant 736 : index
        %parallel_loop3A_524 = tpu.vector_load %arg5[%parallel_loop3A_522, %parallel_loop3A_523] {strides = array<i32>} : memref<32x768xf32, #tpu.memory_space<vmem>>, vector<1x16xf32>,
        %parallel_loop3A_525 = vector.shape_cast %parallel_loop3A_524 : vector<1x16xf32> to vector<16xf32>
        %parallel_loop3A_526 = arith.index_cast %parallel_loop3A_107 : i32 to index
        %parallel_loop3A_527 = arith.constant 736 : index
        %parallel_loop3A_528 = tpu.vector_load %arg8[%parallel_loop3A_526, %parallel_loop3A_527] {strides = array<i32>} : memref<32x768xf32, #tpu.memory_space<vmem>>, vector<1x16xf32>,
        %parallel_loop3A_529 = vector.shape_cast %parallel_loop3A_528 : vector<1x16xf32> to vector<16xf32>
        %parallel_loop3A_530 = vector.shape_cast %parallel_loop3A_525 : vector<16xf32> to vector<1x16xf32>
        tpu.vector_store %arg8[%parallel_loop3A_526, %parallel_loop3A_527], %parallel_loop3A_530 {add = true, strides = array<i32>} : memref<32x768xf32, #tpu.memory_space<vmem>>, vector<1x16xf32>,
        %parallel_loop3A_531 = arith.index_cast %parallel_loop3A_107 : i32 to index
        %parallel_loop3A_532 = arith.constant 752 : index
        %parallel_loop3A_533 = tpu.vector_load %arg5[%parallel_loop3A_531, %parallel_loop3A_532] {strides = array<i32>} : memref<32x768xf32, #tpu.memory_space<vmem>>, vector<1x16xf32>,
        %parallel_loop3A_534 = vector.shape_cast %parallel_loop3A_533 : vector<1x16xf32> to vector<16xf32>
        %parallel_loop3A_535 = arith.index_cast %parallel_loop3A_107 : i32 to index
        %parallel_loop3A_536 = arith.constant 752 : index
        %parallel_loop3A_537 = tpu.vector_load %arg8[%parallel_loop3A_535, %parallel_loop3A_536] {strides = array<i32>} : memref<32x768xf32, #tpu.memory_space<vmem>>, vector<1x16xf32>,
        %parallel_loop3A_538 = vector.shape_cast %parallel_loop3A_537 : vector<1x16xf32> to vector<16xf32>
        %parallel_loop3A_539 = vector.shape_cast %parallel_loop3A_534 : vector<16xf32> to vector<1x16xf32>
        tpu.vector_store %arg8[%parallel_loop3A_535, %parallel_loop3A_536], %parallel_loop3A_539 {add = true, strides = array<i32>} : memref<32x768xf32, #tpu.memory_space<vmem>>, vector<1x16xf32>,
      } {sc.loop_unroll_factor = 1 : i64, sc.parallel_access}
      %add3A_76 = arith.constant 16384 : i32
      %add3A_77 = arith.addi %add3A_76, %add3A_11 : i32
      %dma_start3A_78 = arith.constant 0 : i32
      %dma_start3A_79 = tpu.memref_slice %arg4[%add3A_77, %dma_start3A_78] : memref<32768x768xf32, #tpu.memory_space<hbm>> -> memref<32x768xf32, #tpu.memory_space<hbm>>
      %dma_start3A_80 = arith.constant 0 : i32
      %dma_start3A_81 = tpu.memref_slice %arg4[%add3A_77, %dma_start3A_80] : memref<32768x768xf32, #tpu.memory_space<hbm>> -> memref<32x768xf32, #tpu.memory_space<hbm>>
      tpu.enqueue_dma source(%arg8 : memref<32x768xf32, #tpu.memory_space<vmem>>) target(%dma_start3A_81 : memref<32x768xf32, #tpu.memory_space<hbm>>) target_semaphore(%arg15 : memref<!tpu.dma_semaphore, #tpu.memory_space<semaphore_mem>>)
      %dma_wait3A_82 = arith.constant 0 : i32
      %dma_wait3A_83 = tpu.memref_slice %arg2[%add3A_55, %dma_wait3A_82] : memref<32768x768xf32, #tpu.memory_space<hbm>> -> memref<32x768xf32, #tpu.memory_space<hbm>>
      %dma_wait3A_84 = arith.constant 0 : i32
      %dma_wait3A_85 = tpu.memref_slice %arg2[%add3A_55, %dma_wait3A_84] : memref<32768x768xf32, #tpu.memory_space<hbm>> -> memref<32x768xf32, #tpu.memory_space<hbm>>
      tpu.wait_dma2 semaphore(%arg10 : memref<!tpu.dma_semaphore, #tpu.memory_space<semaphore_mem>>) src(%dma_wait3A_85 : memref<32x768xf32, #tpu.memory_space<hbm>>) dst(%arg6 : memref<32x768xf32, #tpu.memory_space<vmem>>)
      %parallel_loop3A_86 = arith.constant 0 : i32
      %parallel_loop3A_87 = arith.constant 32 : i32
      %parallel_loop3A_88 = arith.constant 1 : i32
      scf.for %parallel_loop3A_107 = %parallel_loop3A_86 to %parallel_loop3A_87 step %parallel_loop3A_88  : i32 {
        %parallel_loop3A_108 = arith.index_cast %parallel_loop3A_107 : i32 to index
        %parallel_loop3A_109 = arith.constant 0 : index
        %parallel_loop3A_110 = tpu.vector_load %arg5[%parallel_loop3A_108, %parallel_loop3A_109] {strides = array<i32>} : memref<32x768xf32, #tpu.memory_space<vmem>>, vector<1x16xf32>,
        %parallel_loop3A_111 = vector.shape_cast %parallel_loop3A_110 : vector<1x16xf32> to vector<16xf32>
        %parallel_loop3A_112 = arith.index_cast %parallel_loop3A_107 : i32 to index
        %parallel_loop3A_113 = arith.constant 0 : index
        %parallel_loop3A_114 = tpu.vector_load %arg6[%parallel_loop3A_112, %parallel_loop3A_113] {strides = array<i32>} : memref<32x768xf32, #tpu.memory_space<vmem>>, vector<1x16xf32>,
        %parallel_loop3A_115 = vector.shape_cast %parallel_loop3A_114 : vector<1x16xf32> to vector<16xf32>
        %parallel_loop3A_116 = vector.shape_cast %parallel_loop3A_111 : vector<16xf32> to vector<1x16xf32>
        tpu.vector_store %arg6[%parallel_loop3A_112, %parallel_loop3A_113], %parallel_loop3A_116 {add = true, strides = array<i32>} : memref<32x768xf32, #tpu.memory_space<vmem>>, vector<1x16xf32>,
        %parallel_loop3A_117 = arith.index_cast %parallel_loop3A_107 : i32 to index
        %parallel_loop3A_118 = arith.constant 16 : index
        %parallel_loop3A_119 = tpu.vector_load %arg5[%parallel_loop3A_117, %parallel_loop3A_118] {strides = array<i32>} : memref<32x768xf32, #tpu.memory_space<vmem>>, vector<1x16xf32>,
        %parallel_loop3A_120 = vector.shape_cast %parallel_loop3A_119 : vector<1x16xf32> to vector<16xf32>
        %parallel_loop3A_121 = arith.index_cast %parallel_loop3A_107 : i32 to index
        %parallel_loop3A_122 = arith.constant 16 : index
        %parallel_loop3A_123 = tpu.vector_load %arg6[%parallel_loop3A_121, %parallel_loop3A_122] {strides = array<i32>} : memref<32x768xf32, #tpu.memory_space<vmem>>, vector<1x16xf32>,
        %parallel_loop3A_124 = vector.shape_cast %parallel_loop3A_123 : vector<1x16xf32> to vector<16xf32>
        %parallel_loop3A_125 = vector.shape_cast %parallel_loop3A_120 : vector<16xf32> to vector<1x16xf32>
        tpu.vector_store %arg6[%parallel_loop3A_121, %parallel_loop3A_122], %parallel_loop3A_125 {add = true, strides = array<i32>} : memref<32x768xf32, #tpu.memory_space<vmem>>, vector<1x16xf32>,
        %parallel_loop3A_126 = arith.index_cast %parallel_loop3A_107 : i32 to index
        %parallel_loop3A_127 = arith.constant 32 : index
        %parallel_loop3A_128 = tpu.vector_load %arg5[%parallel_loop3A_126, %parallel_loop3A_127] {strides = array<i32>} : memref<32x768xf32, #tpu.memory_space<vmem>>, vector<1x16xf32>,
        %parallel_loop3A_129 = vector.shape_cast %parallel_loop3A_128 : vector<1x16xf32> to vector<16xf32>
        %parallel_loop3A_130 = arith.index_cast %parallel_loop3A_107 : i32 to index
        %parallel_loop3A_131 = arith.constant 32 : index
        %parallel_loop3A_132 = tpu.vector_load %arg6[%parallel_loop3A_130, %parallel_loop3A_131] {strides = array<i32>} : memref<32x768xf32, #tpu.memory_space<vmem>>, vector<1x16xf32>,
        %parallel_loop3A_133 = vector.shape_cast %parallel_loop3A_132 : vector<1x16xf32> to vector<16xf32>
        %parallel_loop3A_134 = vector.shape_cast %parallel_loop3A_129 : vector<16xf32> to vector<1x16xf32>
        tpu.vector_store %arg6[%parallel_loop3A_130, %parallel_loop3A_131], %parallel_loop3A_134 {add = true, strides = array<i32>} : memref<32x768xf32, #tpu.memory_space<vmem>>, vector<1x16xf32>,
        %parallel_loop3A_135 = arith.index_cast %parallel_loop3A_107 : i32 to index
        %parallel_loop3A_136 = arith.constant 48 : index
        %parallel_loop3A_137 = tpu.vector_load %arg5[%parallel_loop3A_135, %parallel_loop3A_136] {strides = array<i32>} : memref<32x768xf32, #tpu.memory_space<vmem>>, vector<1x16xf32>,
        %parallel_loop3A_138 = vector.shape_cast %parallel_loop3A_137 : vector<1x16xf32> to vector<16xf32>
        %parallel_loop3A_139 = arith.index_cast %parallel_loop3A_107 : i32 to index
        %parallel_loop3A_140 = arith.constant 48 : index
        %parallel_loop3A_141 = tpu.vector_load %arg6[%parallel_loop3A_139, %parallel_loop3A_140] {strides = array<i32>} : memref<32x768xf32, #tpu.memory_space<vmem>>, vector<1x16xf32>,
        %parallel_loop3A_142 = vector.shape_cast %parallel_loop3A_141 : vector<1x16xf32> to vector<16xf32>
        %parallel_loop3A_143 = vector.shape_cast %parallel_loop3A_138 : vector<16xf32> to vector<1x16xf32>
        tpu.vector_store %arg6[%parallel_loop3A_139, %parallel_loop3A_140], %parallel_loop3A_143 {add = true, strides = array<i32>} : memref<32x768xf32, #tpu.memory_space<vmem>>, vector<1x16xf32>,
        %parallel_loop3A_144 = arith.index_cast %parallel_loop3A_107 : i32 to index
        %parallel_loop3A_145 = arith.constant 64 : index
        %parallel_loop3A_146 = tpu.vector_load %arg5[%parallel_loop3A_144, %parallel_loop3A_145] {strides = array<i32>} : memref<32x768xf32, #tpu.memory_space<vmem>>, vector<1x16xf32>,
        %parallel_loop3A_147 = vector.shape_cast %parallel_loop3A_146 : vector<1x16xf32> to vector<16xf32>
        %parallel_loop3A_148 = arith.index_cast %parallel_loop3A_107 : i32 to index
        %parallel_loop3A_149 = arith.constant 64 : index
        %parallel_loop3A_150 = tpu.vector_load %arg6[%parallel_loop3A_148, %parallel_loop3A_149] {strides = array<i32>} : memref<32x768xf32, #tpu.memory_space<vmem>>, vector<1x16xf32>,
        %parallel_loop3A_151 = vector.shape_cast %parallel_loop3A_150 : vector<1x16xf32> to vector<16xf32>
        %parallel_loop3A_152 = vector.shape_cast %parallel_loop3A_147 : vector<16xf32> to vector<1x16xf32>
        tpu.vector_store %arg6[%parallel_loop3A_148, %parallel_loop3A_149], %parallel_loop3A_152 {add = true, strides = array<i32>} : memref<32x768xf32, #tpu.memory_space<vmem>>, vector<1x16xf32>,
        %parallel_loop3A_153 = arith.index_cast %parallel_loop3A_107 : i32 to index
        %parallel_loop3A_154 = arith.constant 80 : index
        %parallel_loop3A_155 = tpu.vector_load %arg5[%parallel_loop3A_153, %parallel_loop3A_154] {strides = array<i32>} : memref<32x768xf32, #tpu.memory_space<vmem>>, vector<1x16xf32>,
        %parallel_loop3A_156 = vector.shape_cast %parallel_loop3A_155 : vector<1x16xf32> to vector<16xf32>
        %parallel_loop3A_157 = arith.index_cast %parallel_loop3A_107 : i32 to index
        %parallel_loop3A_158 = arith.constant 80 : index
        %parallel_loop3A_159 = tpu.vector_load %arg6[%parallel_loop3A_157, %parallel_loop3A_158] {strides = array<i32>} : memref<32x768xf32, #tpu.memory_space<vmem>>, vector<1x16xf32>,
        %parallel_loop3A_160 = vector.shape_cast %parallel_loop3A_159 : vector<1x16xf32> to vector<16xf32>
        %parallel_loop3A_161 = vector.shape_cast %parallel_loop3A_156 : vector<16xf32> to vector<1x16xf32>
        tpu.vector_store %arg6[%parallel_loop3A_157, %parallel_loop3A_158], %parallel_loop3A_161 {add = true, strides = array<i32>} : memref<32x768xf32, #tpu.memory_space<vmem>>, vector<1x16xf32>,
        %parallel_loop3A_162 = arith.index_cast %parallel_loop3A_107 : i32 to index
        %parallel_loop3A_163 = arith.constant 96 : index
        %parallel_loop3A_164 = tpu.vector_load %arg5[%parallel_loop3A_162, %parallel_loop3A_163] {strides = array<i32>} : memref<32x768xf32, #tpu.memory_space<vmem>>, vector<1x16xf32>,
        %parallel_loop3A_165 = vector.shape_cast %parallel_loop3A_164 : vector<1x16xf32> to vector<16xf32>
        %parallel_loop3A_166 = arith.index_cast %parallel_loop3A_107 : i32 to index
        %parallel_loop3A_167 = arith.constant 96 : index
        %parallel_loop3A_168 = tpu.vector_load %arg6[%parallel_loop3A_166, %parallel_loop3A_167] {strides = array<i32>} : memref<32x768xf32, #tpu.memory_space<vmem>>, vector<1x16xf32>,
        %parallel_loop3A_169 = vector.shape_cast %parallel_loop3A_168 : vector<1x16xf32> to vector<16xf32>
        %parallel_loop3A_170 = vector.shape_cast %parallel_loop3A_165 : vector<16xf32> to vector<1x16xf32>
        tpu.vector_store %arg6[%parallel_loop3A_166, %parallel_loop3A_167], %parallel_loop3A_170 {add = true, strides = array<i32>} : memref<32x768xf32, #tpu.memory_space<vmem>>, vector<1x16xf32>,
        %parallel_loop3A_171 = arith.index_cast %parallel_loop3A_107 : i32 to index
        %parallel_loop3A_172 = arith.constant 112 : index
        %parallel_loop3A_173 = tpu.vector_load %arg5[%parallel_loop3A_171, %parallel_loop3A_172] {strides = array<i32>} : memref<32x768xf32, #tpu.memory_space<vmem>>, vector<1x16xf32>,
        %parallel_loop3A_174 = vector.shape_cast %parallel_loop3A_173 : vector<1x16xf32> to vector<16xf32>
        %parallel_loop3A_175 = arith.index_cast %parallel_loop3A_107 : i32 to index
        %parallel_loop3A_176 = arith.constant 112 : index
        %parallel_loop3A_177 = tpu.vector_load %arg6[%parallel_loop3A_175, %parallel_loop3A_176] {strides = array<i32>} : memref<32x768xf32, #tpu.memory_space<vmem>>, vector<1x16xf32>,
        %parallel_loop3A_178 = vector.shape_cast %parallel_loop3A_177 : vector<1x16xf32> to vector<16xf32>
        %parallel_loop3A_179 = vector.shape_cast %parallel_loop3A_174 : vector<16xf32> to vector<1x16xf32>
        tpu.vector_store %arg6[%parallel_loop3A_175, %parallel_loop3A_176], %parallel_loop3A_179 {add = true, strides = array<i32>} : memref<32x768xf32, #tpu.memory_space<vmem>>, vector<1x16xf32>,
        %parallel_loop3A_180 = arith.index_cast %parallel_loop3A_107 : i32 to index
        %parallel_loop3A_181 = arith.constant 128 : index
        %parallel_loop3A_182 = tpu.vector_load %arg5[%parallel_loop3A_180, %parallel_loop3A_181] {strides = array<i32>} : memref<32x768xf32, #tpu.memory_space<vmem>>, vector<1x16xf32>,
        %parallel_loop3A_183 = vector.shape_cast %parallel_loop3A_182 : vector<1x16xf32> to vector<16xf32>
        %parallel_loop3A_184 = arith.index_cast %parallel_loop3A_107 : i32 to index
        %parallel_loop3A_185 = arith.constant 128 : index
        %parallel_loop3A_186 = tpu.vector_load %arg6[%parallel_loop3A_184, %parallel_loop3A_185] {strides = array<i32>} : memref<32x768xf32, #tpu.memory_space<vmem>>, vector<1x16xf32>,
        %parallel_loop3A_187 = vector.shape_cast %parallel_loop3A_186 : vector<1x16xf32> to vector<16xf32>
        %parallel_loop3A_188 = vector.shape_cast %parallel_loop3A_183 : vector<16xf32> to vector<1x16xf32>
        tpu.vector_store %arg6[%parallel_loop3A_184, %parallel_loop3A_185], %parallel_loop3A_188 {add = true, strides = array<i32>} : memref<32x768xf32, #tpu.memory_space<vmem>>, vector<1x16xf32>,
        %parallel_loop3A_189 = arith.index_cast %parallel_loop3A_107 : i32 to index
        %parallel_loop3A_190 = arith.constant 144 : index
        %parallel_loop3A_191 = tpu.vector_load %arg5[%parallel_loop3A_189, %parallel_loop3A_190] {strides = array<i32>} : memref<32x768xf32, #tpu.memory_space<vmem>>, vector<1x16xf32>,
        %parallel_loop3A_192 = vector.shape_cast %parallel_loop3A_191 : vector<1x16xf32> to vector<16xf32>
        %parallel_loop3A_193 = arith.index_cast %parallel_loop3A_107 : i32 to index
        %parallel_loop3A_194 = arith.constant 144 : index
        %parallel_loop3A_195 = tpu.vector_load %arg6[%parallel_loop3A_193, %parallel_loop3A_194] {strides = array<i32>} : memref<32x768xf32, #tpu.memory_space<vmem>>, vector<1x16xf32>,
        %parallel_loop3A_196 = vector.shape_cast %parallel_loop3A_195 : vector<1x16xf32> to vector<16xf32>
        %parallel_loop3A_197 = vector.shape_cast %parallel_loop3A_192 : vector<16xf32> to vector<1x16xf32>
        tpu.vector_store %arg6[%parallel_loop3A_193, %parallel_loop3A_194], %parallel_loop3A_197 {add = true, strides = array<i32>} : memref<32x768xf32, #tpu.memory_space<vmem>>, vector<1x16xf32>,
        %parallel_loop3A_198 = arith.index_cast %parallel_loop3A_107 : i32 to index
        %parallel_loop3A_199 = arith.constant 160 : index
        %parallel_loop3A_200 = tpu.vector_load %arg5[%parallel_loop3A_198, %parallel_loop3A_199] {strides = array<i32>} : memref<32x768xf32, #tpu.memory_space<vmem>>, vector<1x16xf32>,
        %parallel_loop3A_201 = vector.shape_cast %parallel_loop3A_200 : vector<1x16xf32> to vector<16xf32>
        %parallel_loop3A_202 = arith.index_cast %parallel_loop3A_107 : i32 to index
        %parallel_loop3A_203 = arith.constant 160 : index
        %parallel_loop3A_204 = tpu.vector_load %arg6[%parallel_loop3A_202, %parallel_loop3A_203] {strides = array<i32>} : memref<32x768xf32, #tpu.memory_space<vmem>>, vector<1x16xf32>,
        %parallel_loop3A_205 = vector.shape_cast %parallel_loop3A_204 : vector<1x16xf32> to vector<16xf32>
        %parallel_loop3A_206 = vector.shape_cast %parallel_loop3A_201 : vector<16xf32> to vector<1x16xf32>
        tpu.vector_store %arg6[%parallel_loop3A_202, %parallel_loop3A_203], %parallel_loop3A_206 {add = true, strides = array<i32>} : memref<32x768xf32, #tpu.memory_space<vmem>>, vector<1x16xf32>,
        %parallel_loop3A_207 = arith.index_cast %parallel_loop3A_107 : i32 to index
        %parallel_loop3A_208 = arith.constant 176 : index
        %parallel_loop3A_209 = tpu.vector_load %arg5[%parallel_loop3A_207, %parallel_loop3A_208] {strides = array<i32>} : memref<32x768xf32, #tpu.memory_space<vmem>>, vector<1x16xf32>,
        %parallel_loop3A_210 = vector.shape_cast %parallel_loop3A_209 : vector<1x16xf32> to vector<16xf32>
        %parallel_loop3A_211 = arith.index_cast %parallel_loop3A_107 : i32 to index
        %parallel_loop3A_212 = arith.constant 176 : index
        %parallel_loop3A_213 = tpu.vector_load %arg6[%parallel_loop3A_211, %parallel_loop3A_212] {strides = array<i32>} : memref<32x768xf32, #tpu.memory_space<vmem>>, vector<1x16xf32>,
        %parallel_loop3A_214 = vector.shape_cast %parallel_loop3A_213 : vector<1x16xf32> to vector<16xf32>
        %parallel_loop3A_215 = vector.shape_cast %parallel_loop3A_210 : vector<16xf32> to vector<1x16xf32>
        tpu.vector_store %arg6[%parallel_loop3A_211, %parallel_loop3A_212], %parallel_loop3A_215 {add = true, strides = array<i32>} : memref<32x768xf32, #tpu.memory_space<vmem>>, vector<1x16xf32>,
        %parallel_loop3A_216 = arith.index_cast %parallel_loop3A_107 : i32 to index
        %parallel_loop3A_217 = arith.constant 192 : index
        %parallel_loop3A_218 = tpu.vector_load %arg5[%parallel_loop3A_216, %parallel_loop3A_217] {strides = array<i32>} : memref<32x768xf32, #tpu.memory_space<vmem>>, vector<1x16xf32>,
        %parallel_loop3A_219 = vector.shape_cast %parallel_loop3A_218 : vector<1x16xf32> to vector<16xf32>
        %parallel_loop3A_220 = arith.index_cast %parallel_loop3A_107 : i32 to index
        %parallel_loop3A_221 = arith.constant 192 : index
        %parallel_loop3A_222 = tpu.vector_load %arg6[%parallel_loop3A_220, %parallel_loop3A_221] {strides = array<i32>} : memref<32x768xf32, #tpu.memory_space<vmem>>, vector<1x16xf32>,
        %parallel_loop3A_223 = vector.shape_cast %parallel_loop3A_222 : vector<1x16xf32> to vector<16xf32>
        %parallel_loop3A_224 = vector.shape_cast %parallel_loop3A_219 : vector<16xf32> to vector<1x16xf32>
        tpu.vector_store %arg6[%parallel_loop3A_220, %parallel_loop3A_221], %parallel_loop3A_224 {add = true, strides = array<i32>} : memref<32x768xf32, #tpu.memory_space<vmem>>, vector<1x16xf32>,
        %parallel_loop3A_225 = arith.index_cast %parallel_loop3A_107 : i32 to index
        %parallel_loop3A_226 = arith.constant 208 : index
        %parallel_loop3A_227 = tpu.vector_load %arg5[%parallel_loop3A_225, %parallel_loop3A_226] {strides = array<i32>} : memref<32x768xf32, #tpu.memory_space<vmem>>, vector<1x16xf32>,
        %parallel_loop3A_228 = vector.shape_cast %parallel_loop3A_227 : vector<1x16xf32> to vector<16xf32>
        %parallel_loop3A_229 = arith.index_cast %parallel_loop3A_107 : i32 to index
        %parallel_loop3A_230 = arith.constant 208 : index
        %parallel_loop3A_231 = tpu.vector_load %arg6[%parallel_loop3A_229, %parallel_loop3A_230] {strides = array<i32>} : memref<32x768xf32, #tpu.memory_space<vmem>>, vector<1x16xf32>,
        %parallel_loop3A_232 = vector.shape_cast %parallel_loop3A_231 : vector<1x16xf32> to vector<16xf32>
        %parallel_loop3A_233 = vector.shape_cast %parallel_loop3A_228 : vector<16xf32> to vector<1x16xf32>
        tpu.vector_store %arg6[%parallel_loop3A_229, %parallel_loop3A_230], %parallel_loop3A_233 {add = true, strides = array<i32>} : memref<32x768xf32, #tpu.memory_space<vmem>>, vector<1x16xf32>,
        %parallel_loop3A_234 = arith.index_cast %parallel_loop3A_107 : i32 to index
        %parallel_loop3A_235 = arith.constant 224 : index
        %parallel_loop3A_236 = tpu.vector_load %arg5[%parallel_loop3A_234, %parallel_loop3A_235] {strides = array<i32>} : memref<32x768xf32, #tpu.memory_space<vmem>>, vector<1x16xf32>,
        %parallel_loop3A_237 = vector.shape_cast %parallel_loop3A_236 : vector<1x16xf32> to vector<16xf32>
        %parallel_loop3A_238 = arith.index_cast %parallel_loop3A_107 : i32 to index
        %parallel_loop3A_239 = arith.constant 224 : index
        %parallel_loop3A_240 = tpu.vector_load %arg6[%parallel_loop3A_238, %parallel_loop3A_239] {strides = array<i32>} : memref<32x768xf32, #tpu.memory_space<vmem>>, vector<1x16xf32>,
        %parallel_loop3A_241 = vector.shape_cast %parallel_loop3A_240 : vector<1x16xf32> to vector<16xf32>
        %parallel_loop3A_242 = vector.shape_cast %parallel_loop3A_237 : vector<16xf32> to vector<1x16xf32>
        tpu.vector_store %arg6[%parallel_loop3A_238, %parallel_loop3A_239], %parallel_loop3A_242 {add = true, strides = array<i32>} : memref<32x768xf32, #tpu.memory_space<vmem>>, vector<1x16xf32>,
        %parallel_loop3A_243 = arith.index_cast %parallel_loop3A_107 : i32 to index
        %parallel_loop3A_244 = arith.constant 240 : index
        %parallel_loop3A_245 = tpu.vector_load %arg5[%parallel_loop3A_243, %parallel_loop3A_244] {strides = array<i32>} : memref<32x768xf32, #tpu.memory_space<vmem>>, vector<1x16xf32>,
        %parallel_loop3A_246 = vector.shape_cast %parallel_loop3A_245 : vector<1x16xf32> to vector<16xf32>
        %parallel_loop3A_247 = arith.index_cast %parallel_loop3A_107 : i32 to index
        %parallel_loop3A_248 = arith.constant 240 : index
        %parallel_loop3A_249 = tpu.vector_load %arg6[%parallel_loop3A_247, %parallel_loop3A_248] {strides = array<i32>} : memref<32x768xf32, #tpu.memory_space<vmem>>, vector<1x16xf32>,
        %parallel_loop3A_250 = vector.shape_cast %parallel_loop3A_249 : vector<1x16xf32> to vector<16xf32>
        %parallel_loop3A_251 = vector.shape_cast %parallel_loop3A_246 : vector<16xf32> to vector<1x16xf32>
        tpu.vector_store %arg6[%parallel_loop3A_247, %parallel_loop3A_248], %parallel_loop3A_251 {add = true, strides = array<i32>} : memref<32x768xf32, #tpu.memory_space<vmem>>, vector<1x16xf32>,
        %parallel_loop3A_252 = arith.index_cast %parallel_loop3A_107 : i32 to index
        %parallel_loop3A_253 = arith.constant 256 : index
        %parallel_loop3A_254 = tpu.vector_load %arg5[%parallel_loop3A_252, %parallel_loop3A_253] {strides = array<i32>} : memref<32x768xf32, #tpu.memory_space<vmem>>, vector<1x16xf32>,
        %parallel_loop3A_255 = vector.shape_cast %parallel_loop3A_254 : vector<1x16xf32> to vector<16xf32>
        %parallel_loop3A_256 = arith.index_cast %parallel_loop3A_107 : i32 to index
        %parallel_loop3A_257 = arith.constant 256 : index
        %parallel_loop3A_258 = tpu.vector_load %arg6[%parallel_loop3A_256, %parallel_loop3A_257] {strides = array<i32>} : memref<32x768xf32, #tpu.memory_space<vmem>>, vector<1x16xf32>,
        %parallel_loop3A_259 = vector.shape_cast %parallel_loop3A_258 : vector<1x16xf32> to vector<16xf32>
        %parallel_loop3A_260 = vector.shape_cast %parallel_loop3A_255 : vector<16xf32> to vector<1x16xf32>
        tpu.vector_store %arg6[%parallel_loop3A_256, %parallel_loop3A_257], %parallel_loop3A_260 {add = true, strides = array<i32>} : memref<32x768xf32, #tpu.memory_space<vmem>>, vector<1x16xf32>,
        %parallel_loop3A_261 = arith.index_cast %parallel_loop3A_107 : i32 to index
        %parallel_loop3A_262 = arith.constant 272 : index
        %parallel_loop3A_263 = tpu.vector_load %arg5[%parallel_loop3A_261, %parallel_loop3A_262] {strides = array<i32>} : memref<32x768xf32, #tpu.memory_space<vmem>>, vector<1x16xf32>,
        %parallel_loop3A_264 = vector.shape_cast %parallel_loop3A_263 : vector<1x16xf32> to vector<16xf32>
        %parallel_loop3A_265 = arith.index_cast %parallel_loop3A_107 : i32 to index
        %parallel_loop3A_266 = arith.constant 272 : index
        %parallel_loop3A_267 = tpu.vector_load %arg6[%parallel_loop3A_265, %parallel_loop3A_266] {strides = array<i32>} : memref<32x768xf32, #tpu.memory_space<vmem>>, vector<1x16xf32>,
        %parallel_loop3A_268 = vector.shape_cast %parallel_loop3A_267 : vector<1x16xf32> to vector<16xf32>
        %parallel_loop3A_269 = vector.shape_cast %parallel_loop3A_264 : vector<16xf32> to vector<1x16xf32>
        tpu.vector_store %arg6[%parallel_loop3A_265, %parallel_loop3A_266], %parallel_loop3A_269 {add = true, strides = array<i32>} : memref<32x768xf32, #tpu.memory_space<vmem>>, vector<1x16xf32>,
        %parallel_loop3A_270 = arith.index_cast %parallel_loop3A_107 : i32 to index
        %parallel_loop3A_271 = arith.constant 288 : index
        %parallel_loop3A_272 = tpu.vector_load %arg5[%parallel_loop3A_270, %parallel_loop3A_271] {strides = array<i32>} : memref<32x768xf32, #tpu.memory_space<vmem>>, vector<1x16xf32>,
        %parallel_loop3A_273 = vector.shape_cast %parallel_loop3A_272 : vector<1x16xf32> to vector<16xf32>
        %parallel_loop3A_274 = arith.index_cast %parallel_loop3A_107 : i32 to index
        %parallel_loop3A_275 = arith.constant 288 : index
        %parallel_loop3A_276 = tpu.vector_load %arg6[%parallel_loop3A_274, %parallel_loop3A_275] {strides = array<i32>} : memref<32x768xf32, #tpu.memory_space<vmem>>, vector<1x16xf32>,
        %parallel_loop3A_277 = vector.shape_cast %parallel_loop3A_276 : vector<1x16xf32> to vector<16xf32>
        %parallel_loop3A_278 = vector.shape_cast %parallel_loop3A_273 : vector<16xf32> to vector<1x16xf32>
        tpu.vector_store %arg6[%parallel_loop3A_274, %parallel_loop3A_275], %parallel_loop3A_278 {add = true, strides = array<i32>} : memref<32x768xf32, #tpu.memory_space<vmem>>, vector<1x16xf32>,
        %parallel_loop3A_279 = arith.index_cast %parallel_loop3A_107 : i32 to index
        %parallel_loop3A_280 = arith.constant 304 : index
        %parallel_loop3A_281 = tpu.vector_load %arg5[%parallel_loop3A_279, %parallel_loop3A_280] {strides = array<i32>} : memref<32x768xf32, #tpu.memory_space<vmem>>, vector<1x16xf32>,
        %parallel_loop3A_282 = vector.shape_cast %parallel_loop3A_281 : vector<1x16xf32> to vector<16xf32>
        %parallel_loop3A_283 = arith.index_cast %parallel_loop3A_107 : i32 to index
        %parallel_loop3A_284 = arith.constant 304 : index
        %parallel_loop3A_285 = tpu.vector_load %arg6[%parallel_loop3A_283, %parallel_loop3A_284] {strides = array<i32>} : memref<32x768xf32, #tpu.memory_space<vmem>>, vector<1x16xf32>,
        %parallel_loop3A_286 = vector.shape_cast %parallel_loop3A_285 : vector<1x16xf32> to vector<16xf32>
        %parallel_loop3A_287 = vector.shape_cast %parallel_loop3A_282 : vector<16xf32> to vector<1x16xf32>
        tpu.vector_store %arg6[%parallel_loop3A_283, %parallel_loop3A_284], %parallel_loop3A_287 {add = true, strides = array<i32>} : memref<32x768xf32, #tpu.memory_space<vmem>>, vector<1x16xf32>,
        %parallel_loop3A_288 = arith.index_cast %parallel_loop3A_107 : i32 to index
        %parallel_loop3A_289 = arith.constant 320 : index
        %parallel_loop3A_290 = tpu.vector_load %arg5[%parallel_loop3A_288, %parallel_loop3A_289] {strides = array<i32>} : memref<32x768xf32, #tpu.memory_space<vmem>>, vector<1x16xf32>,
        %parallel_loop3A_291 = vector.shape_cast %parallel_loop3A_290 : vector<1x16xf32> to vector<16xf32>
        %parallel_loop3A_292 = arith.index_cast %parallel_loop3A_107 : i32 to index
        %parallel_loop3A_293 = arith.constant 320 : index
        %parallel_loop3A_294 = tpu.vector_load %arg6[%parallel_loop3A_292, %parallel_loop3A_293] {strides = array<i32>} : memref<32x768xf32, #tpu.memory_space<vmem>>, vector<1x16xf32>,
        %parallel_loop3A_295 = vector.shape_cast %parallel_loop3A_294 : vector<1x16xf32> to vector<16xf32>
        %parallel_loop3A_296 = vector.shape_cast %parallel_loop3A_291 : vector<16xf32> to vector<1x16xf32>
        tpu.vector_store %arg6[%parallel_loop3A_292, %parallel_loop3A_293], %parallel_loop3A_296 {add = true, strides = array<i32>} : memref<32x768xf32, #tpu.memory_space<vmem>>, vector<1x16xf32>,
        %parallel_loop3A_297 = arith.index_cast %parallel_loop3A_107 : i32 to index
        %parallel_loop3A_298 = arith.constant 336 : index
        %parallel_loop3A_299 = tpu.vector_load %arg5[%parallel_loop3A_297, %parallel_loop3A_298] {strides = array<i32>} : memref<32x768xf32, #tpu.memory_space<vmem>>, vector<1x16xf32>,
        %parallel_loop3A_300 = vector.shape_cast %parallel_loop3A_299 : vector<1x16xf32> to vector<16xf32>
        %parallel_loop3A_301 = arith.index_cast %parallel_loop3A_107 : i32 to index
        %parallel_loop3A_302 = arith.constant 336 : index
        %parallel_loop3A_303 = tpu.vector_load %arg6[%parallel_loop3A_301, %parallel_loop3A_302] {strides = array<i32>} : memref<32x768xf32, #tpu.memory_space<vmem>>, vector<1x16xf32>,
        %parallel_loop3A_304 = vector.shape_cast %parallel_loop3A_303 : vector<1x16xf32> to vector<16xf32>
        %parallel_loop3A_305 = vector.shape_cast %parallel_loop3A_300 : vector<16xf32> to vector<1x16xf32>
        tpu.vector_store %arg6[%parallel_loop3A_301, %parallel_loop3A_302], %parallel_loop3A_305 {add = true, strides = array<i32>} : memref<32x768xf32, #tpu.memory_space<vmem>>, vector<1x16xf32>,
        %parallel_loop3A_306 = arith.index_cast %parallel_loop3A_107 : i32 to index
        %parallel_loop3A_307 = arith.constant 352 : index
        %parallel_loop3A_308 = tpu.vector_load %arg5[%parallel_loop3A_306, %parallel_loop3A_307] {strides = array<i32>} : memref<32x768xf32, #tpu.memory_space<vmem>>, vector<1x16xf32>,
        %parallel_loop3A_309 = vector.shape_cast %parallel_loop3A_308 : vector<1x16xf32> to vector<16xf32>
        %parallel_loop3A_310 = arith.index_cast %parallel_loop3A_107 : i32 to index
        %parallel_loop3A_311 = arith.constant 352 : index
        %parallel_loop3A_312 = tpu.vector_load %arg6[%parallel_loop3A_310, %parallel_loop3A_311] {strides = array<i32>} : memref<32x768xf32, #tpu.memory_space<vmem>>, vector<1x16xf32>,
        %parallel_loop3A_313 = vector.shape_cast %parallel_loop3A_312 : vector<1x16xf32> to vector<16xf32>
        %parallel_loop3A_314 = vector.shape_cast %parallel_loop3A_309 : vector<16xf32> to vector<1x16xf32>
        tpu.vector_store %arg6[%parallel_loop3A_310, %parallel_loop3A_311], %parallel_loop3A_314 {add = true, strides = array<i32>} : memref<32x768xf32, #tpu.memory_space<vmem>>, vector<1x16xf32>,
        %parallel_loop3A_315 = arith.index_cast %parallel_loop3A_107 : i32 to index
        %parallel_loop3A_316 = arith.constant 368 : index
        %parallel_loop3A_317 = tpu.vector_load %arg5[%parallel_loop3A_315, %parallel_loop3A_316] {strides = array<i32>} : memref<32x768xf32, #tpu.memory_space<vmem>>, vector<1x16xf32>,
        %parallel_loop3A_318 = vector.shape_cast %parallel_loop3A_317 : vector<1x16xf32> to vector<16xf32>
        %parallel_loop3A_319 = arith.index_cast %parallel_loop3A_107 : i32 to index
        %parallel_loop3A_320 = arith.constant 368 : index
        %parallel_loop3A_321 = tpu.vector_load %arg6[%parallel_loop3A_319, %parallel_loop3A_320] {strides = array<i32>} : memref<32x768xf32, #tpu.memory_space<vmem>>, vector<1x16xf32>,
        %parallel_loop3A_322 = vector.shape_cast %parallel_loop3A_321 : vector<1x16xf32> to vector<16xf32>
        %parallel_loop3A_323 = vector.shape_cast %parallel_loop3A_318 : vector<16xf32> to vector<1x16xf32>
        tpu.vector_store %arg6[%parallel_loop3A_319, %parallel_loop3A_320], %parallel_loop3A_323 {add = true, strides = array<i32>} : memref<32x768xf32, #tpu.memory_space<vmem>>, vector<1x16xf32>,
        %parallel_loop3A_324 = arith.index_cast %parallel_loop3A_107 : i32 to index
        %parallel_loop3A_325 = arith.constant 384 : index
        %parallel_loop3A_326 = tpu.vector_load %arg5[%parallel_loop3A_324, %parallel_loop3A_325] {strides = array<i32>} : memref<32x768xf32, #tpu.memory_space<vmem>>, vector<1x16xf32>,
        %parallel_loop3A_327 = vector.shape_cast %parallel_loop3A_326 : vector<1x16xf32> to vector<16xf32>
        %parallel_loop3A_328 = arith.index_cast %parallel_loop3A_107 : i32 to index
        %parallel_loop3A_329 = arith.constant 384 : index
        %parallel_loop3A_330 = tpu.vector_load %arg6[%parallel_loop3A_328, %parallel_loop3A_329] {strides = array<i32>} : memref<32x768xf32, #tpu.memory_space<vmem>>, vector<1x16xf32>,
        %parallel_loop3A_331 = vector.shape_cast %parallel_loop3A_330 : vector<1x16xf32> to vector<16xf32>
        %parallel_loop3A_332 = vector.shape_cast %parallel_loop3A_327 : vector<16xf32> to vector<1x16xf32>
        tpu.vector_store %arg6[%parallel_loop3A_328, %parallel_loop3A_329], %parallel_loop3A_332 {add = true, strides = array<i32>} : memref<32x768xf32, #tpu.memory_space<vmem>>, vector<1x16xf32>,
        %parallel_loop3A_333 = arith.index_cast %parallel_loop3A_107 : i32 to index
        %parallel_loop3A_334 = arith.constant 400 : index
        %parallel_loop3A_335 = tpu.vector_load %arg5[%parallel_loop3A_333, %parallel_loop3A_334] {strides = array<i32>} : memref<32x768xf32, #tpu.memory_space<vmem>>, vector<1x16xf32>,
        %parallel_loop3A_336 = vector.shape_cast %parallel_loop3A_335 : vector<1x16xf32> to vector<16xf32>
        %parallel_loop3A_337 = arith.index_cast %parallel_loop3A_107 : i32 to index
        %parallel_loop3A_338 = arith.constant 400 : index
        %parallel_loop3A_339 = tpu.vector_load %arg6[%parallel_loop3A_337, %parallel_loop3A_338] {strides = array<i32>} : memref<32x768xf32, #tpu.memory_space<vmem>>, vector<1x16xf32>,
        %parallel_loop3A_340 = vector.shape_cast %parallel_loop3A_339 : vector<1x16xf32> to vector<16xf32>
        %parallel_loop3A_341 = vector.shape_cast %parallel_loop3A_336 : vector<16xf32> to vector<1x16xf32>
        tpu.vector_store %arg6[%parallel_loop3A_337, %parallel_loop3A_338], %parallel_loop3A_341 {add = true, strides = array<i32>} : memref<32x768xf32, #tpu.memory_space<vmem>>, vector<1x16xf32>,
        %parallel_loop3A_342 = arith.index_cast %parallel_loop3A_107 : i32 to index
        %parallel_loop3A_343 = arith.constant 416 : index
        %parallel_loop3A_344 = tpu.vector_load %arg5[%parallel_loop3A_342, %parallel_loop3A_343] {strides = array<i32>} : memref<32x768xf32, #tpu.memory_space<vmem>>, vector<1x16xf32>,
        %parallel_loop3A_345 = vector.shape_cast %parallel_loop3A_344 : vector<1x16xf32> to vector<16xf32>
        %parallel_loop3A_346 = arith.index_cast %parallel_loop3A_107 : i32 to index
        %parallel_loop3A_347 = arith.constant 416 : index
        %parallel_loop3A_348 = tpu.vector_load %arg6[%parallel_loop3A_346, %parallel_loop3A_347] {strides = array<i32>} : memref<32x768xf32, #tpu.memory_space<vmem>>, vector<1x16xf32>,
        %parallel_loop3A_349 = vector.shape_cast %parallel_loop3A_348 : vector<1x16xf32> to vector<16xf32>
        %parallel_loop3A_350 = vector.shape_cast %parallel_loop3A_345 : vector<16xf32> to vector<1x16xf32>
        tpu.vector_store %arg6[%parallel_loop3A_346, %parallel_loop3A_347], %parallel_loop3A_350 {add = true, strides = array<i32>} : memref<32x768xf32, #tpu.memory_space<vmem>>, vector<1x16xf32>,
        %parallel_loop3A_351 = arith.index_cast %parallel_loop3A_107 : i32 to index
        %parallel_loop3A_352 = arith.constant 432 : index
        %parallel_loop3A_353 = tpu.vector_load %arg5[%parallel_loop3A_351, %parallel_loop3A_352] {strides = array<i32>} : memref<32x768xf32, #tpu.memory_space<vmem>>, vector<1x16xf32>,
        %parallel_loop3A_354 = vector.shape_cast %parallel_loop3A_353 : vector<1x16xf32> to vector<16xf32>
        %parallel_loop3A_355 = arith.index_cast %parallel_loop3A_107 : i32 to index
        %parallel_loop3A_356 = arith.constant 432 : index
        %parallel_loop3A_357 = tpu.vector_load %arg6[%parallel_loop3A_355, %parallel_loop3A_356] {strides = array<i32>} : memref<32x768xf32, #tpu.memory_space<vmem>>, vector<1x16xf32>,
        %parallel_loop3A_358 = vector.shape_cast %parallel_loop3A_357 : vector<1x16xf32> to vector<16xf32>
        %parallel_loop3A_359 = vector.shape_cast %parallel_loop3A_354 : vector<16xf32> to vector<1x16xf32>
        tpu.vector_store %arg6[%parallel_loop3A_355, %parallel_loop3A_356], %parallel_loop3A_359 {add = true, strides = array<i32>} : memref<32x768xf32, #tpu.memory_space<vmem>>, vector<1x16xf32>,
        %parallel_loop3A_360 = arith.index_cast %parallel_loop3A_107 : i32 to index
        %parallel_loop3A_361 = arith.constant 448 : index
        %parallel_loop3A_362 = tpu.vector_load %arg5[%parallel_loop3A_360, %parallel_loop3A_361] {strides = array<i32>} : memref<32x768xf32, #tpu.memory_space<vmem>>, vector<1x16xf32>,
        %parallel_loop3A_363 = vector.shape_cast %parallel_loop3A_362 : vector<1x16xf32> to vector<16xf32>
        %parallel_loop3A_364 = arith.index_cast %parallel_loop3A_107 : i32 to index
        %parallel_loop3A_365 = arith.constant 448 : index
        %parallel_loop3A_366 = tpu.vector_load %arg6[%parallel_loop3A_364, %parallel_loop3A_365] {strides = array<i32>} : memref<32x768xf32, #tpu.memory_space<vmem>>, vector<1x16xf32>,
        %parallel_loop3A_367 = vector.shape_cast %parallel_loop3A_366 : vector<1x16xf32> to vector<16xf32>
        %parallel_loop3A_368 = vector.shape_cast %parallel_loop3A_363 : vector<16xf32> to vector<1x16xf32>
        tpu.vector_store %arg6[%parallel_loop3A_364, %parallel_loop3A_365], %parallel_loop3A_368 {add = true, strides = array<i32>} : memref<32x768xf32, #tpu.memory_space<vmem>>, vector<1x16xf32>,
        %parallel_loop3A_369 = arith.index_cast %parallel_loop3A_107 : i32 to index
        %parallel_loop3A_370 = arith.constant 464 : index
        %parallel_loop3A_371 = tpu.vector_load %arg5[%parallel_loop3A_369, %parallel_loop3A_370] {strides = array<i32>} : memref<32x768xf32, #tpu.memory_space<vmem>>, vector<1x16xf32>,
        %parallel_loop3A_372 = vector.shape_cast %parallel_loop3A_371 : vector<1x16xf32> to vector<16xf32>
        %parallel_loop3A_373 = arith.index_cast %parallel_loop3A_107 : i32 to index
        %parallel_loop3A_374 = arith.constant 464 : index
        %parallel_loop3A_375 = tpu.vector_load %arg6[%parallel_loop3A_373, %parallel_loop3A_374] {strides = array<i32>} : memref<32x768xf32, #tpu.memory_space<vmem>>, vector<1x16xf32>,
        %parallel_loop3A_376 = vector.shape_cast %parallel_loop3A_375 : vector<1x16xf32> to vector<16xf32>
        %parallel_loop3A_377 = vector.shape_cast %parallel_loop3A_372 : vector<16xf32> to vector<1x16xf32>
        tpu.vector_store %arg6[%parallel_loop3A_373, %parallel_loop3A_374], %parallel_loop3A_377 {add = true, strides = array<i32>} : memref<32x768xf32, #tpu.memory_space<vmem>>, vector<1x16xf32>,
        %parallel_loop3A_378 = arith.index_cast %parallel_loop3A_107 : i32 to index
        %parallel_loop3A_379 = arith.constant 480 : index
        %parallel_loop3A_380 = tpu.vector_load %arg5[%parallel_loop3A_378, %parallel_loop3A_379] {strides = array<i32>} : memref<32x768xf32, #tpu.memory_space<vmem>>, vector<1x16xf32>,
        %parallel_loop3A_381 = vector.shape_cast %parallel_loop3A_380 : vector<1x16xf32> to vector<16xf32>
        %parallel_loop3A_382 = arith.index_cast %parallel_loop3A_107 : i32 to index
        %parallel_loop3A_383 = arith.constant 480 : index
        %parallel_loop3A_384 = tpu.vector_load %arg6[%parallel_loop3A_382, %parallel_loop3A_383] {strides = array<i32>} : memref<32x768xf32, #tpu.memory_space<vmem>>, vector<1x16xf32>,
        %parallel_loop3A_385 = vector.shape_cast %parallel_loop3A_384 : vector<1x16xf32> to vector<16xf32>
        %parallel_loop3A_386 = vector.shape_cast %parallel_loop3A_381 : vector<16xf32> to vector<1x16xf32>
        tpu.vector_store %arg6[%parallel_loop3A_382, %parallel_loop3A_383], %parallel_loop3A_386 {add = true, strides = array<i32>} : memref<32x768xf32, #tpu.memory_space<vmem>>, vector<1x16xf32>,
        %parallel_loop3A_387 = arith.index_cast %parallel_loop3A_107 : i32 to index
        %parallel_loop3A_388 = arith.constant 496 : index
        %parallel_loop3A_389 = tpu.vector_load %arg5[%parallel_loop3A_387, %parallel_loop3A_388] {strides = array<i32>} : memref<32x768xf32, #tpu.memory_space<vmem>>, vector<1x16xf32>,
        %parallel_loop3A_390 = vector.shape_cast %parallel_loop3A_389 : vector<1x16xf32> to vector<16xf32>
        %parallel_loop3A_391 = arith.index_cast %parallel_loop3A_107 : i32 to index
        %parallel_loop3A_392 = arith.constant 496 : index
        %parallel_loop3A_393 = tpu.vector_load %arg6[%parallel_loop3A_391, %parallel_loop3A_392] {strides = array<i32>} : memref<32x768xf32, #tpu.memory_space<vmem>>, vector<1x16xf32>,
        %parallel_loop3A_394 = vector.shape_cast %parallel_loop3A_393 : vector<1x16xf32> to vector<16xf32>
        %parallel_loop3A_395 = vector.shape_cast %parallel_loop3A_390 : vector<16xf32> to vector<1x16xf32>
        tpu.vector_store %arg6[%parallel_loop3A_391, %parallel_loop3A_392], %parallel_loop3A_395 {add = true, strides = array<i32>} : memref<32x768xf32, #tpu.memory_space<vmem>>, vector<1x16xf32>,
        %parallel_loop3A_396 = arith.index_cast %parallel_loop3A_107 : i32 to index
        %parallel_loop3A_397 = arith.constant 512 : index
        %parallel_loop3A_398 = tpu.vector_load %arg5[%parallel_loop3A_396, %parallel_loop3A_397] {strides = array<i32>} : memref<32x768xf32, #tpu.memory_space<vmem>>, vector<1x16xf32>,
        %parallel_loop3A_399 = vector.shape_cast %parallel_loop3A_398 : vector<1x16xf32> to vector<16xf32>
        %parallel_loop3A_400 = arith.index_cast %parallel_loop3A_107 : i32 to index
        %parallel_loop3A_401 = arith.constant 512 : index
        %parallel_loop3A_402 = tpu.vector_load %arg6[%parallel_loop3A_400, %parallel_loop3A_401] {strides = array<i32>} : memref<32x768xf32, #tpu.memory_space<vmem>>, vector<1x16xf32>,
        %parallel_loop3A_403 = vector.shape_cast %parallel_loop3A_402 : vector<1x16xf32> to vector<16xf32>
        %parallel_loop3A_404 = vector.shape_cast %parallel_loop3A_399 : vector<16xf32> to vector<1x16xf32>
        tpu.vector_store %arg6[%parallel_loop3A_400, %parallel_loop3A_401], %parallel_loop3A_404 {add = true, strides = array<i32>} : memref<32x768xf32, #tpu.memory_space<vmem>>, vector<1x16xf32>,
        %parallel_loop3A_405 = arith.index_cast %parallel_loop3A_107 : i32 to index
        %parallel_loop3A_406 = arith.constant 528 : index
        %parallel_loop3A_407 = tpu.vector_load %arg5[%parallel_loop3A_405, %parallel_loop3A_406] {strides = array<i32>} : memref<32x768xf32, #tpu.memory_space<vmem>>, vector<1x16xf32>,
        %parallel_loop3A_408 = vector.shape_cast %parallel_loop3A_407 : vector<1x16xf32> to vector<16xf32>
        %parallel_loop3A_409 = arith.index_cast %parallel_loop3A_107 : i32 to index
        %parallel_loop3A_410 = arith.constant 528 : index
        %parallel_loop3A_411 = tpu.vector_load %arg6[%parallel_loop3A_409, %parallel_loop3A_410] {strides = array<i32>} : memref<32x768xf32, #tpu.memory_space<vmem>>, vector<1x16xf32>,
        %parallel_loop3A_412 = vector.shape_cast %parallel_loop3A_411 : vector<1x16xf32> to vector<16xf32>
        %parallel_loop3A_413 = vector.shape_cast %parallel_loop3A_408 : vector<16xf32> to vector<1x16xf32>
        tpu.vector_store %arg6[%parallel_loop3A_409, %parallel_loop3A_410], %parallel_loop3A_413 {add = true, strides = array<i32>} : memref<32x768xf32, #tpu.memory_space<vmem>>, vector<1x16xf32>,
        %parallel_loop3A_414 = arith.index_cast %parallel_loop3A_107 : i32 to index
        %parallel_loop3A_415 = arith.constant 544 : index
        %parallel_loop3A_416 = tpu.vector_load %arg5[%parallel_loop3A_414, %parallel_loop3A_415] {strides = array<i32>} : memref<32x768xf32, #tpu.memory_space<vmem>>, vector<1x16xf32>,
        %parallel_loop3A_417 = vector.shape_cast %parallel_loop3A_416 : vector<1x16xf32> to vector<16xf32>
        %parallel_loop3A_418 = arith.index_cast %parallel_loop3A_107 : i32 to index
        %parallel_loop3A_419 = arith.constant 544 : index
        %parallel_loop3A_420 = tpu.vector_load %arg6[%parallel_loop3A_418, %parallel_loop3A_419] {strides = array<i32>} : memref<32x768xf32, #tpu.memory_space<vmem>>, vector<1x16xf32>,
        %parallel_loop3A_421 = vector.shape_cast %parallel_loop3A_420 : vector<1x16xf32> to vector<16xf32>
        %parallel_loop3A_422 = vector.shape_cast %parallel_loop3A_417 : vector<16xf32> to vector<1x16xf32>
        tpu.vector_store %arg6[%parallel_loop3A_418, %parallel_loop3A_419], %parallel_loop3A_422 {add = true, strides = array<i32>} : memref<32x768xf32, #tpu.memory_space<vmem>>, vector<1x16xf32>,
        %parallel_loop3A_423 = arith.index_cast %parallel_loop3A_107 : i32 to index
        %parallel_loop3A_424 = arith.constant 560 : index
        %parallel_loop3A_425 = tpu.vector_load %arg5[%parallel_loop3A_423, %parallel_loop3A_424] {strides = array<i32>} : memref<32x768xf32, #tpu.memory_space<vmem>>, vector<1x16xf32>,
        %parallel_loop3A_426 = vector.shape_cast %parallel_loop3A_425 : vector<1x16xf32> to vector<16xf32>
        %parallel_loop3A_427 = arith.index_cast %parallel_loop3A_107 : i32 to index
        %parallel_loop3A_428 = arith.constant 560 : index
        %parallel_loop3A_429 = tpu.vector_load %arg6[%parallel_loop3A_427, %parallel_loop3A_428] {strides = array<i32>} : memref<32x768xf32, #tpu.memory_space<vmem>>, vector<1x16xf32>,
        %parallel_loop3A_430 = vector.shape_cast %parallel_loop3A_429 : vector<1x16xf32> to vector<16xf32>
        %parallel_loop3A_431 = vector.shape_cast %parallel_loop3A_426 : vector<16xf32> to vector<1x16xf32>
        tpu.vector_store %arg6[%parallel_loop3A_427, %parallel_loop3A_428], %parallel_loop3A_431 {add = true, strides = array<i32>} : memref<32x768xf32, #tpu.memory_space<vmem>>, vector<1x16xf32>,
        %parallel_loop3A_432 = arith.index_cast %parallel_loop3A_107 : i32 to index
        %parallel_loop3A_433 = arith.constant 576 : index
        %parallel_loop3A_434 = tpu.vector_load %arg5[%parallel_loop3A_432, %parallel_loop3A_433] {strides = array<i32>} : memref<32x768xf32, #tpu.memory_space<vmem>>, vector<1x16xf32>,
        %parallel_loop3A_435 = vector.shape_cast %parallel_loop3A_434 : vector<1x16xf32> to vector<16xf32>
        %parallel_loop3A_436 = arith.index_cast %parallel_loop3A_107 : i32 to index
        %parallel_loop3A_437 = arith.constant 576 : index
        %parallel_loop3A_438 = tpu.vector_load %arg6[%parallel_loop3A_436, %parallel_loop3A_437] {strides = array<i32>} : memref<32x768xf32, #tpu.memory_space<vmem>>, vector<1x16xf32>,
        %parallel_loop3A_439 = vector.shape_cast %parallel_loop3A_438 : vector<1x16xf32> to vector<16xf32>
        %parallel_loop3A_440 = vector.shape_cast %parallel_loop3A_435 : vector<16xf32> to vector<1x16xf32>
        tpu.vector_store %arg6[%parallel_loop3A_436, %parallel_loop3A_437], %parallel_loop3A_440 {add = true, strides = array<i32>} : memref<32x768xf32, #tpu.memory_space<vmem>>, vector<1x16xf32>,
        %parallel_loop3A_441 = arith.index_cast %parallel_loop3A_107 : i32 to index
        %parallel_loop3A_442 = arith.constant 592 : index
        %parallel_loop3A_443 = tpu.vector_load %arg5[%parallel_loop3A_441, %parallel_loop3A_442] {strides = array<i32>} : memref<32x768xf32, #tpu.memory_space<vmem>>, vector<1x16xf32>,
        %parallel_loop3A_444 = vector.shape_cast %parallel_loop3A_443 : vector<1x16xf32> to vector<16xf32>
        %parallel_loop3A_445 = arith.index_cast %parallel_loop3A_107 : i32 to index
        %parallel_loop3A_446 = arith.constant 592 : index
        %parallel_loop3A_447 = tpu.vector_load %arg6[%parallel_loop3A_445, %parallel_loop3A_446] {strides = array<i32>} : memref<32x768xf32, #tpu.memory_space<vmem>>, vector<1x16xf32>,
        %parallel_loop3A_448 = vector.shape_cast %parallel_loop3A_447 : vector<1x16xf32> to vector<16xf32>
        %parallel_loop3A_449 = vector.shape_cast %parallel_loop3A_444 : vector<16xf32> to vector<1x16xf32>
        tpu.vector_store %arg6[%parallel_loop3A_445, %parallel_loop3A_446], %parallel_loop3A_449 {add = true, strides = array<i32>} : memref<32x768xf32, #tpu.memory_space<vmem>>, vector<1x16xf32>,
        %parallel_loop3A_450 = arith.index_cast %parallel_loop3A_107 : i32 to index
        %parallel_loop3A_451 = arith.constant 608 : index
        %parallel_loop3A_452 = tpu.vector_load %arg5[%parallel_loop3A_450, %parallel_loop3A_451] {strides = array<i32>} : memref<32x768xf32, #tpu.memory_space<vmem>>, vector<1x16xf32>,
        %parallel_loop3A_453 = vector.shape_cast %parallel_loop3A_452 : vector<1x16xf32> to vector<16xf32>
        %parallel_loop3A_454 = arith.index_cast %parallel_loop3A_107 : i32 to index
        %parallel_loop3A_455 = arith.constant 608 : index
        %parallel_loop3A_456 = tpu.vector_load %arg6[%parallel_loop3A_454, %parallel_loop3A_455] {strides = array<i32>} : memref<32x768xf32, #tpu.memory_space<vmem>>, vector<1x16xf32>,
        %parallel_loop3A_457 = vector.shape_cast %parallel_loop3A_456 : vector<1x16xf32> to vector<16xf32>
        %parallel_loop3A_458 = vector.shape_cast %parallel_loop3A_453 : vector<16xf32> to vector<1x16xf32>
        tpu.vector_store %arg6[%parallel_loop3A_454, %parallel_loop3A_455], %parallel_loop3A_458 {add = true, strides = array<i32>} : memref<32x768xf32, #tpu.memory_space<vmem>>, vector<1x16xf32>,
        %parallel_loop3A_459 = arith.index_cast %parallel_loop3A_107 : i32 to index
        %parallel_loop3A_460 = arith.constant 624 : index
        %parallel_loop3A_461 = tpu.vector_load %arg5[%parallel_loop3A_459, %parallel_loop3A_460] {strides = array<i32>} : memref<32x768xf32, #tpu.memory_space<vmem>>, vector<1x16xf32>,
        %parallel_loop3A_462 = vector.shape_cast %parallel_loop3A_461 : vector<1x16xf32> to vector<16xf32>
        %parallel_loop3A_463 = arith.index_cast %parallel_loop3A_107 : i32 to index
        %parallel_loop3A_464 = arith.constant 624 : index
        %parallel_loop3A_465 = tpu.vector_load %arg6[%parallel_loop3A_463, %parallel_loop3A_464] {strides = array<i32>} : memref<32x768xf32, #tpu.memory_space<vmem>>, vector<1x16xf32>,
        %parallel_loop3A_466 = vector.shape_cast %parallel_loop3A_465 : vector<1x16xf32> to vector<16xf32>
        %parallel_loop3A_467 = vector.shape_cast %parallel_loop3A_462 : vector<16xf32> to vector<1x16xf32>
        tpu.vector_store %arg6[%parallel_loop3A_463, %parallel_loop3A_464], %parallel_loop3A_467 {add = true, strides = array<i32>} : memref<32x768xf32, #tpu.memory_space<vmem>>, vector<1x16xf32>,
        %parallel_loop3A_468 = arith.index_cast %parallel_loop3A_107 : i32 to index
        %parallel_loop3A_469 = arith.constant 640 : index
        %parallel_loop3A_470 = tpu.vector_load %arg5[%parallel_loop3A_468, %parallel_loop3A_469] {strides = array<i32>} : memref<32x768xf32, #tpu.memory_space<vmem>>, vector<1x16xf32>,
        %parallel_loop3A_471 = vector.shape_cast %parallel_loop3A_470 : vector<1x16xf32> to vector<16xf32>
        %parallel_loop3A_472 = arith.index_cast %parallel_loop3A_107 : i32 to index
        %parallel_loop3A_473 = arith.constant 640 : index
        %parallel_loop3A_474 = tpu.vector_load %arg6[%parallel_loop3A_472, %parallel_loop3A_473] {strides = array<i32>} : memref<32x768xf32, #tpu.memory_space<vmem>>, vector<1x16xf32>,
        %parallel_loop3A_475 = vector.shape_cast %parallel_loop3A_474 : vector<1x16xf32> to vector<16xf32>
        %parallel_loop3A_476 = vector.shape_cast %parallel_loop3A_471 : vector<16xf32> to vector<1x16xf32>
        tpu.vector_store %arg6[%parallel_loop3A_472, %parallel_loop3A_473], %parallel_loop3A_476 {add = true, strides = array<i32>} : memref<32x768xf32, #tpu.memory_space<vmem>>, vector<1x16xf32>,
        %parallel_loop3A_477 = arith.index_cast %parallel_loop3A_107 : i32 to index
        %parallel_loop3A_478 = arith.constant 656 : index
        %parallel_loop3A_479 = tpu.vector_load %arg5[%parallel_loop3A_477, %parallel_loop3A_478] {strides = array<i32>} : memref<32x768xf32, #tpu.memory_space<vmem>>, vector<1x16xf32>,
        %parallel_loop3A_480 = vector.shape_cast %parallel_loop3A_479 : vector<1x16xf32> to vector<16xf32>
        %parallel_loop3A_481 = arith.index_cast %parallel_loop3A_107 : i32 to index
        %parallel_loop3A_482 = arith.constant 656 : index
        %parallel_loop3A_483 = tpu.vector_load %arg6[%parallel_loop3A_481, %parallel_loop3A_482] {strides = array<i32>} : memref<32x768xf32, #tpu.memory_space<vmem>>, vector<1x16xf32>,
        %parallel_loop3A_484 = vector.shape_cast %parallel_loop3A_483 : vector<1x16xf32> to vector<16xf32>
        %parallel_loop3A_485 = vector.shape_cast %parallel_loop3A_480 : vector<16xf32> to vector<1x16xf32>
        tpu.vector_store %arg6[%parallel_loop3A_481, %parallel_loop3A_482], %parallel_loop3A_485 {add = true, strides = array<i32>} : memref<32x768xf32, #tpu.memory_space<vmem>>, vector<1x16xf32>,
        %parallel_loop3A_486 = arith.index_cast %parallel_loop3A_107 : i32 to index
        %parallel_loop3A_487 = arith.constant 672 : index
        %parallel_loop3A_488 = tpu.vector_load %arg5[%parallel_loop3A_486, %parallel_loop3A_487] {strides = array<i32>} : memref<32x768xf32, #tpu.memory_space<vmem>>, vector<1x16xf32>,
        %parallel_loop3A_489 = vector.shape_cast %parallel_loop3A_488 : vector<1x16xf32> to vector<16xf32>
        %parallel_loop3A_490 = arith.index_cast %parallel_loop3A_107 : i32 to index
        %parallel_loop3A_491 = arith.constant 672 : index
        %parallel_loop3A_492 = tpu.vector_load %arg6[%parallel_loop3A_490, %parallel_loop3A_491] {strides = array<i32>} : memref<32x768xf32, #tpu.memory_space<vmem>>, vector<1x16xf32>,
        %parallel_loop3A_493 = vector.shape_cast %parallel_loop3A_492 : vector<1x16xf32> to vector<16xf32>
        %parallel_loop3A_494 = vector.shape_cast %parallel_loop3A_489 : vector<16xf32> to vector<1x16xf32>
        tpu.vector_store %arg6[%parallel_loop3A_490, %parallel_loop3A_491], %parallel_loop3A_494 {add = true, strides = array<i32>} : memref<32x768xf32, #tpu.memory_space<vmem>>, vector<1x16xf32>,
        %parallel_loop3A_495 = arith.index_cast %parallel_loop3A_107 : i32 to index
        %parallel_loop3A_496 = arith.constant 688 : index
        %parallel_loop3A_497 = tpu.vector_load %arg5[%parallel_loop3A_495, %parallel_loop3A_496] {strides = array<i32>} : memref<32x768xf32, #tpu.memory_space<vmem>>, vector<1x16xf32>,
        %parallel_loop3A_498 = vector.shape_cast %parallel_loop3A_497 : vector<1x16xf32> to vector<16xf32>
        %parallel_loop3A_499 = arith.index_cast %parallel_loop3A_107 : i32 to index
        %parallel_loop3A_500 = arith.constant 688 : index
        %parallel_loop3A_501 = tpu.vector_load %arg6[%parallel_loop3A_499, %parallel_loop3A_500] {strides = array<i32>} : memref<32x768xf32, #tpu.memory_space<vmem>>, vector<1x16xf32>,
        %parallel_loop3A_502 = vector.shape_cast %parallel_loop3A_501 : vector<1x16xf32> to vector<16xf32>
        %parallel_loop3A_503 = vector.shape_cast %parallel_loop3A_498 : vector<16xf32> to vector<1x16xf32>
        tpu.vector_store %arg6[%parallel_loop3A_499, %parallel_loop3A_500], %parallel_loop3A_503 {add = true, strides = array<i32>} : memref<32x768xf32, #tpu.memory_space<vmem>>, vector<1x16xf32>,
        %parallel_loop3A_504 = arith.index_cast %parallel_loop3A_107 : i32 to index
        %parallel_loop3A_505 = arith.constant 704 : index
        %parallel_loop3A_506 = tpu.vector_load %arg5[%parallel_loop3A_504, %parallel_loop3A_505] {strides = array<i32>} : memref<32x768xf32, #tpu.memory_space<vmem>>, vector<1x16xf32>,
        %parallel_loop3A_507 = vector.shape_cast %parallel_loop3A_506 : vector<1x16xf32> to vector<16xf32>
        %parallel_loop3A_508 = arith.index_cast %parallel_loop3A_107 : i32 to index
        %parallel_loop3A_509 = arith.constant 704 : index
        %parallel_loop3A_510 = tpu.vector_load %arg6[%parallel_loop3A_508, %parallel_loop3A_509] {strides = array<i32>} : memref<32x768xf32, #tpu.memory_space<vmem>>, vector<1x16xf32>,
        %parallel_loop3A_511 = vector.shape_cast %parallel_loop3A_510 : vector<1x16xf32> to vector<16xf32>
        %parallel_loop3A_512 = vector.shape_cast %parallel_loop3A_507 : vector<16xf32> to vector<1x16xf32>
        tpu.vector_store %arg6[%parallel_loop3A_508, %parallel_loop3A_509], %parallel_loop3A_512 {add = true, strides = array<i32>} : memref<32x768xf32, #tpu.memory_space<vmem>>, vector<1x16xf32>,
        %parallel_loop3A_513 = arith.index_cast %parallel_loop3A_107 : i32 to index
        %parallel_loop3A_514 = arith.constant 720 : index
        %parallel_loop3A_515 = tpu.vector_load %arg5[%parallel_loop3A_513, %parallel_loop3A_514] {strides = array<i32>} : memref<32x768xf32, #tpu.memory_space<vmem>>, vector<1x16xf32>,
        %parallel_loop3A_516 = vector.shape_cast %parallel_loop3A_515 : vector<1x16xf32> to vector<16xf32>
        %parallel_loop3A_517 = arith.index_cast %parallel_loop3A_107 : i32 to index
        %parallel_loop3A_518 = arith.constant 720 : index
        %parallel_loop3A_519 = tpu.vector_load %arg6[%parallel_loop3A_517, %parallel_loop3A_518] {strides = array<i32>} : memref<32x768xf32, #tpu.memory_space<vmem>>, vector<1x16xf32>,
        %parallel_loop3A_520 = vector.shape_cast %parallel_loop3A_519 : vector<1x16xf32> to vector<16xf32>
        %parallel_loop3A_521 = vector.shape_cast %parallel_loop3A_516 : vector<16xf32> to vector<1x16xf32>
        tpu.vector_store %arg6[%parallel_loop3A_517, %parallel_loop3A_518], %parallel_loop3A_521 {add = true, strides = array<i32>} : memref<32x768xf32, #tpu.memory_space<vmem>>, vector<1x16xf32>,
        %parallel_loop3A_522 = arith.index_cast %parallel_loop3A_107 : i32 to index
        %parallel_loop3A_523 = arith.constant 736 : index
        %parallel_loop3A_524 = tpu.vector_load %arg5[%parallel_loop3A_522, %parallel_loop3A_523] {strides = array<i32>} : memref<32x768xf32, #tpu.memory_space<vmem>>, vector<1x16xf32>,
        %parallel_loop3A_525 = vector.shape_cast %parallel_loop3A_524 : vector<1x16xf32> to vector<16xf32>
        %parallel_loop3A_526 = arith.index_cast %parallel_loop3A_107 : i32 to index
        %parallel_loop3A_527 = arith.constant 736 : index
        %parallel_loop3A_528 = tpu.vector_load %arg6[%parallel_loop3A_526, %parallel_loop3A_527] {strides = array<i32>} : memref<32x768xf32, #tpu.memory_space<vmem>>, vector<1x16xf32>,
        %parallel_loop3A_529 = vector.shape_cast %parallel_loop3A_528 : vector<1x16xf32> to vector<16xf32>
        %parallel_loop3A_530 = vector.shape_cast %parallel_loop3A_525 : vector<16xf32> to vector<1x16xf32>
        tpu.vector_store %arg6[%parallel_loop3A_526, %parallel_loop3A_527], %parallel_loop3A_530 {add = true, strides = array<i32>} : memref<32x768xf32, #tpu.memory_space<vmem>>, vector<1x16xf32>,
        %parallel_loop3A_531 = arith.index_cast %parallel_loop3A_107 : i32 to index
        %parallel_loop3A_532 = arith.constant 752 : index
        %parallel_loop3A_533 = tpu.vector_load %arg5[%parallel_loop3A_531, %parallel_loop3A_532] {strides = array<i32>} : memref<32x768xf32, #tpu.memory_space<vmem>>, vector<1x16xf32>,
        %parallel_loop3A_534 = vector.shape_cast %parallel_loop3A_533 : vector<1x16xf32> to vector<16xf32>
        %parallel_loop3A_535 = arith.index_cast %parallel_loop3A_107 : i32 to index
        %parallel_loop3A_536 = arith.constant 752 : index
        %parallel_loop3A_537 = tpu.vector_load %arg6[%parallel_loop3A_535, %parallel_loop3A_536] {strides = array<i32>} : memref<32x768xf32, #tpu.memory_space<vmem>>, vector<1x16xf32>,
        %parallel_loop3A_538 = vector.shape_cast %parallel_loop3A_537 : vector<1x16xf32> to vector<16xf32>
        %parallel_loop3A_539 = vector.shape_cast %parallel_loop3A_534 : vector<16xf32> to vector<1x16xf32>
        tpu.vector_store %arg6[%parallel_loop3A_535, %parallel_loop3A_536], %parallel_loop3A_539 {add = true, strides = array<i32>} : memref<32x768xf32, #tpu.memory_space<vmem>>, vector<1x16xf32>,
      } {sc.loop_unroll_factor = 1 : i64, sc.parallel_access}
      %add3A_89 = arith.constant 24576 : i32
      %add3A_90 = arith.addi %add3A_89, %add3A_11 : i32
      %dma_start3A_91 = arith.constant 0 : i32
      %dma_start3A_92 = tpu.memref_slice %arg4[%add3A_90, %dma_start3A_91] : memref<32768x768xf32, #tpu.memory_space<hbm>> -> memref<32x768xf32, #tpu.memory_space<hbm>>
      %dma_start3A_93 = arith.constant 0 : i32
      %dma_start3A_94 = tpu.memref_slice %arg4[%add3A_90, %dma_start3A_93] : memref<32768x768xf32, #tpu.memory_space<hbm>> -> memref<32x768xf32, #tpu.memory_space<hbm>>
      tpu.enqueue_dma source(%arg6 : memref<32x768xf32, #tpu.memory_space<vmem>>) target(%dma_start3A_94 : memref<32x768xf32, #tpu.memory_space<hbm>>) target_semaphore(%arg13 : memref<!tpu.dma_semaphore, #tpu.memory_space<semaphore_mem>>)
      %dma_wait3A_95 = arith.constant 0 : i32
      %dma_wait3A_96 = tpu.memref_slice %arg4[%add3A_64, %dma_wait3A_95] : memref<32768x768xf32, #tpu.memory_space<hbm>> -> memref<32x768xf32, #tpu.memory_space<hbm>>
      %dma_wait3A_97 = arith.constant 0 : i32
      %dma_wait3A_98 = tpu.memref_slice %arg4[%add3A_64, %dma_wait3A_97] : memref<32768x768xf32, #tpu.memory_space<hbm>> -> memref<32x768xf32, #tpu.memory_space<hbm>>
      tpu.wait_dma2 semaphore(%arg14 : memref<!tpu.dma_semaphore, #tpu.memory_space<semaphore_mem>>) src(%arg7 : memref<32x768xf32, #tpu.memory_space<vmem>>) dst(%dma_wait3A_98 : memref<32x768xf32, #tpu.memory_space<hbm>>)
      %dma_wait3A_99 = arith.constant 0 : i32
      %dma_wait3A_100 = tpu.memref_slice %arg4[%add3A_77, %dma_wait3A_99] : memref<32768x768xf32, #tpu.memory_space<hbm>> -> memref<32x768xf32, #tpu.memory_space<hbm>>
      %dma_wait3A_101 = arith.constant 0 : i32
      %dma_wait3A_102 = tpu.memref_slice %arg4[%add3A_77, %dma_wait3A_101] : memref<32768x768xf32, #tpu.memory_space<hbm>> -> memref<32x768xf32, #tpu.memory_space<hbm>>
      tpu.wait_dma2 semaphore(%arg15 : memref<!tpu.dma_semaphore, #tpu.memory_space<semaphore_mem>>) src(%arg8 : memref<32x768xf32, #tpu.memory_space<vmem>>) dst(%dma_wait3A_102 : memref<32x768xf32, #tpu.memory_space<hbm>>)
      %dma_wait3A_103 = arith.constant 0 : i32
      %dma_wait3A_104 = tpu.memref_slice %arg4[%add3A_90, %dma_wait3A_103] : memref<32768x768xf32, #tpu.memory_space<hbm>> -> memref<32x768xf32, #tpu.memory_space<hbm>>
      %dma_wait3A_105 = arith.constant 0 : i32
      %dma_wait3A_106 = tpu.memref_slice %arg4[%add3A_90, %dma_wait3A_105] : memref<32768x768xf32, #tpu.memory_space<hbm>> -> memref<32x768xf32, #tpu.memory_space<hbm>>
      tpu.wait_dma2 semaphore(%arg13 : memref<!tpu.dma_semaphore, #tpu.memory_space<semaphore_mem>>) src(%arg6 : memref<32x768xf32, #tpu.memory_space<vmem>>) dst(%dma_wait3A_106 : memref<32x768xf32, #tpu.memory_space<hbm>>)
    }
    %scan3A_7 = arith.constant 8 : i32
    return
  }
}

</mosaic_0001>

<sc_bundles>
// kernel: kernel.3.cloned.1.call-start
scs
__scs_entry_jumppad:
0x0: {  	(pc) =	sbr.rel $0x88, $3  }
0x1: {  	(tag) =	ssettag $0x0;
	lr =	simm.s32 $0x1  }
0x2: {  	[smem:$0x3F9F] =	sst lr;
	_ =	strace $0xD0000000  }
0x3: {  	_ = 	snop  }
0x4: {  	_ = 	snop  }
0x5: {  	_ = 	snop  }
0x6: {  	_ = 	snop  }
0x7: {  	_ = 	snop  }
__scs_overlays_trampoline_lowered:
0x8: {  	[smem:$0x3FAE] =	sst s0  }
0x9: {  	[smem:$0x3FAF] =	sst s1  }
0xa: {  	[smem:$0x3FB0] =	sst s2  }
0xb: {  	[smem:$0x3FB1] =	sst s3  }
0xc: {  	[smem:$0x3FB2] =	sst s4  }
0xd: {  	[smem:$0x3FB3] =	sst s5  }
0xe: {  	[smem:$0x3FB4] =	sst s6  }
0xf: {  	[smem:$0x3FB5] =	sst s7  }
0x10: {  	[smem:$0x3FB6] =	sst s8  }
0x11: {  	[smem:$0x3FB7] =	sst s9;
	s0 =	simm.s32 @!p0 $0x0  }
0x12: {  	s1 =	sld [smem:$0x3F9D];
	s0 =	simm.s32 @p0 $0x1  }
0x13: {  	[smem:$0x3FB8] =	sst s0;
	s0 =	simm.s32 @!p1 $0x0  }
0x14: {  	s2 =	sld [smem:$0x3F9C];
	s0 =	simm.s32 @p1 $0x1  }
0x15: {  	[smem:$0x3FB9] =	sst s0;
	s0 =	simm.s32 @!p2 $0x0  }
0x16: {  	s3 =	sld [smem:$0x3FDB];
	s0 =	simm.s32 @p2 $0x1  }
0x17: {  	s4 =	simm.s32 $0x1BF5;
	[smem:$0x3FBB] =	sst s0  }
0x18: {  	s0 =	sld [smem:$0x3F9E];
	_ =	swait.ge [sflag:s4], $0x0  }
0x19: {  	s7 =	sld [smem:$0x3F9F]  }
0x1a: {  	s8 =	sadd.s32 $0xFFFFE003, lr  }
0x1b: {  	s9 =	sadd.s32 $0xFFFFFEF7, lr;
	s5 =	simm.s32 $0xFFFFFFFF;
	p2 =	slt.u32 s8, $0xFFFFF086  }
0x1c: {  	p1 =	slt.u32 s9, $0xF7A;
	s5 =	simm.s32 @!p2 $0x0  }
0x1d: {  	s5 =	simm.s32 @p1 $0x1;
	p0 =	seq.s32 s7, s2  }
0x1e: {  	s7 =	smul.u32 @!p0 $0xF7A, s2;
	p2 =	seq.s32 @!p0 s5, $0x0  }
0x1f: {  	s9 =	smul.u32 $0xF7A, s1;
	s8 =	simm.s32 @!p0 $0x1BF5;
	p2 =	por !p2, p0  }
0x20: {  	[sflag:s8] =	ssyncset.s32 @!p0 $0xFFFFF086;
	s6 =	sadd.s32 @!p0 s3, s7;
	s7 =	simm.s32 @!p0 $0x108  }
0x21: {  	s3 =	sadd.s32 s3, s9;
	s6 =	sadd.s32 @!p0 $0x88, s6;
	s7 =	simm.s32 @p2 $0x1082  }
0x22: {  	[simem:s7], [sflag:s8] =	dma.local @!p0 [hbm:s6], $0xF7A  }
0x23: {  	s9 =	sor.u32 $0xD0000000, s2;
	s6 =	simm.s32 $0x108;
	_ =	swait.ge @!p0 [sflag:s8], $0x0  }
0x24: {  	s3 =	sadd.s32 $0x88, s3;
	s6 =	simm.s32 @!p1 $0x1082;
	[sflag:s4] =	ssyncset.s32 $0xFFFFF086  }
0x25: {  	[simem:s6], [sflag:s4] =	dma.local [hbm:s3], $0xF7A  }
0x26: {  	[smem:$0x3F9F] =	sst s1;
	(tag) =	ssettag s2;
	_ =	strace s9  }
0x27: {  	s1 =	sld [smem:$0x3FAF]  }
0x28: {  	s2 =	sld [smem:$0x3FB0]  }
0x29: {  	s4 =	sld [smem:$0x3FB2]  }
0x2a: {  	p0 =	seq.s32 s5, $0x0;
	s5 =	sld [smem:$0x3FB3]  }
0x2b: {  	s6 =	sld [smem:$0x3FB4]  }
0x2c: {  	s7 =	sld [smem:$0x3FB5]  }
0x2d: {  	s3 =	simm.s32 $0x108;
	s8 =	sld [smem:$0x3FB6]  }
0x2e: {  	s3 =	simm.s32 @!p0 $0x1082;
	s9 =	sld [smem:$0x3FB7]  }
0x2f: {  	lr =	sadd.s32 s0, s3;
	s0 =	sld [smem:$0x3FAE]  }
0x30: {  	s3 =	sld [smem:$0x3FB1]  }
0x31: {  	[smem:$0x3FBA] =	sst s10  }
0x32: {  	s10 =	sld [smem:$0x3FB8];
	_ =	sdelay $0x3  }
0x33: {  	p0 =	seq.s32 s10, $0x1;
	s10 =	sld [smem:$0x3FBA];
	_ =	sdelay $0x3  }
0x34: {  	[smem:$0x3FBA] =	sst s10  }
0x35: {  	s10 =	sld [smem:$0x3FB9];
	_ =	sdelay $0x3  }
0x36: {  	p1 =	seq.s32 s10, $0x1;
	s10 =	sld [smem:$0x3FBA];
	_ =	sdelay $0x3  }
0x37: {  	[smem:$0x3FBA] =	sst s10  }
0x38: {  	s10 =	sld [smem:$0x3FBB]  }
0x39: {  	_ = 	snop;
	(pc) =	sbr.ind lr, $3  }
0x3a: {  	_ = 	snop  }
0x3b: {  	_ = 	snop  }
0x3c: {  	p2 =	seq.s32 s10, $0x1;
	s10 =	sld [smem:$0x3FBA]  }
0x3d: {  	_ =	shalt  }
0x3e: {  	_ =	shalt  }
0x3f: {  	_ =	shalt  }
0x40: {  	_ =	shalt  }
0x41: {  	_ =	shalt  }
0x42: {  	_ =	shalt  }
0x43: {  	_ =	shalt  }
0x44: {  	_ =	shalt  }
0x45: {  	_ =	shalt  }
0x46: {  	_ =	shalt  }
0x47: {  	_ =	shalt  }
0x48: {  	_ =	shalt  }
0x49: {  	_ =	shalt  }
0x4a: {  	_ =	shalt  }
0x4b: {  	_ =	shalt  }
0x4c: {  	_ =	shalt  }
0x4d: {  	_ =	shalt  }
0x4e: {  	_ =	shalt  }
0x4f: {  	_ =	shalt  }
0x50: {  	_ =	shalt  }
0x51: {  	_ =	shalt  }
0x52: {  	_ =	shalt  }
0x53: {  	_ =	shalt  }
0x54: {  	_ =	shalt  }
0x55: {  	_ =	shalt  }
0x56: {  	_ =	shalt  }
0x57: {  	_ =	shalt  }
0x58: {  	_ =	shalt  }
0x59: {  	_ =	shalt  }
0x5a: {  	_ =	shalt  }
0x5b: {  	_ =	shalt  }
0x5c: {  	_ =	shalt  }
0x5d: {  	_ =	shalt  }
0x5e: {  	_ =	shalt  }
0x5f: {  	_ =	shalt  }
0x60: {  	_ =	shalt  }
0x61: {  	_ =	shalt  }
0x62: {  	_ =	shalt  }
0x63: {  	_ =	shalt  }
0x64: {  	_ =	shalt  }
0x65: {  	_ =	shalt  }
0x66: {  	_ =	shalt  }
0x67: {  	_ =	shalt  }
0x68: {  	_ =	shalt  }
0x69: {  	_ =	shalt  }
0x6a: {  	_ =	shalt  }
0x6b: {  	_ =	shalt  }
0x6c: {  	_ =	shalt  }
0x6d: {  	_ =	shalt  }
0x6e: {  	_ =	shalt  }
0x6f: {  	_ =	shalt  }
0x70: {  	_ =	shalt  }
0x71: {  	_ =	shalt  }
0x72: {  	_ =	shalt  }
0x73: {  	_ =	shalt  }
0x74: {  	_ =	shalt  }
0x75: {  	_ =	shalt  }
0x76: {  	_ =	shalt  }
0x77: {  	_ =	shalt  }
0x78: {  	_ =	shalt  }
0x79: {  	_ =	shalt  }
0x7a: {  	_ =	shalt  }
0x7b: {  	_ =	shalt  }
0x7c: {  	_ =	shalt  }
0x7d: {  	_ =	shalt  }
0x7e: {  	_ =	shalt  }
0x7f: {  	_ =	shalt  }
0x80: {  	_ =	shalt  }
0x81: {  	_ =	shalt  }
0x82: {  	_ =	shalt  }
0x83: {  	_ =	shalt  }
0x84: {  	_ =	shalt  }
0x85: {  	_ =	shalt  }
0x86: {  	_ =	shalt  }
0x87: {  	_ =	shalt  }
.Lfunc_end0:
.L_simem_size_0:
called_computation_lowered:
.L_overlay_start_0:
0x88: {  	s2 =	sld [smem:$0x3FD9]  }
0x89: {  	s3 =	sld [smem:$0x3FFE];
	_ =	sdelay $0x1  }
0x8a: {  	s1 =	srdreg.scid  }
0x8b: {  	s0 =	sand.u32 $0x1, s1  }
0x8c: {  	s18 =	sshll.u32 s0, $0xA;
	s2 =	sadd.s32 s3, s2  }
0x8d: {  	s2 =	sadd.s32 s2, s18  }
0x8e: {  	[smem:$0x3FC6] =	sst s2  }
0x8f: {  	_ = 	snop  }
0x90: {  	s2 =	sld [smem:$0x3FC9]  }
0x91: {  	s19 =	sld [smem:$0x3FC8]  }
0x92: {  	s4 =	sld [smem:$0x3FD0];
	(tm) =	ssettm $0x1  }
0x93: {  	s5 =	sld [smem:$0x3FFB];
	_ =	sdelay $0x3  }
0x94: {  	_ =	strace s5  }
0x95: {  	s5 =	sld [smem:$0x3FFC];
	_ =	sdelay $0x3  }
0x96: {  	_ =	strace s5  }
0x97: {  	s5 =	sld [smem:$0x3FFD];
	_ =	sdelay $0x3  }
0x98: {  	_ =	strace s5  }
0x99: {  	_ =	strace $0x8FFFFFFF  }
0x9a: {  	s20 =	sld [smem:$0x3FDB];
	_ =	sdelay $0x1  }
0x9b: {  	s6 =	simm.s32 $_scs_section_size  }
0x9c: {  	s7 =	simm.s32 $_size__tile_overlayer_lowered;
	s8 =	simm.s32 $_tile_overlayer_lowered  }
0x9d: {  	s23 =	simm.s32 $0x1BFF;
	s22 =	sshll.u32 s8, $0x1;
	s5 =	sadd.s32 s6, s20  }
0x9e: {  	s9 =	simm.s32 $0x0;
	s21 =	sshll.u32 s7, $0x1;
	s7 =	sadd.s32 s22, s5  }
0x9f: {  	[timem:s9], [sflag:s23] =	dma.local [hbm:s7], s21  }
0xa0: {  	_ =	swait.ge [sflag:s23], s21  }
0xa1: {  	s6 =	ssub.s32 $0x0, s21;
	[sflag:s23] =	ssyncset.done $0x0  }
0xa2: {  	[sflag:s23] =	ssyncadd.s32 s6;
	_ =	sdelay $0x1  }
0xa3: {  	s24 =	simm.s32 $0x1B8B  }
0xa4: {  	_ =	swait.ge [sflag:s24], $0x1  }
0xa5: {  	[sflag:s24] =	ssyncset.done $0x0  }
0xa6: {  	s25 =	simm.s32 $0x1B8E;
	[sflag:s24] =	ssyncadd.s32 $0xFFFFFFFF  }
0xa7: {  	s26 =	simm.s32 $execute0_lowered;
	[smem:$0x3FD2] =	sst s25  }
0xa8: {  	s6 =	sshll.u32 s26, $0x1;
	_ =	strace $0x80000046;
	[dreg:$0x1] =	wrdreg $0xFFFFFFFF  }
0xa9: {  	s28 =	simm.s32 $_size_execute0_lowered;
	s5 =	sadd.s32 s5, s6;
	[dreg:$0x0] =	wrdreg $0x0  }
0xaa: {  	s6 =	sshll.u32 s28, $0x1;
	[dreg:$0x2] =	wrdreg s5  }
0xab: {  	[dreg:$0x3] =	wrdreg s6  }
0xac: {  	[dreg:$0x4] =	wrdreg $0xC0  }
0xad: {  	_ =	task [dreg:s9], $0x5FFFF  }
0xae: {  	[dreg:$0x1] =	wrdreg $0xFFFFFFFF  }
0xaf: {  	[dreg:$0x0] =	wrdreg $0x60  }
0xb0: {  	[dreg:$0x2] =	wrdreg s2  }
0xb1: {  	[dreg:$0x3] =	wrdreg s19  }
0xb2: {  	[dreg:$0x4] =	wrdreg s4  }
0xb3: {  	[dreg:$0x5] =	wrdreg $0x9  }
0xb4: {  	_ =	task.clear_ibuf [dreg:s9], $0x6FFFF;
	_ =	strace $0x90000046  }
0xb5: {  	s29 =	simm.s32 $0x9;
	_ =	strace $0x80000048  }
0xb6: {  	_ =	swait.ge [sflag:s29], $0x1  }
0xb7: {  	[sflag:s29] =	ssyncadd.s32 $0xFFFFFFFF  }
0xb8: {  	_ =	strace $0x90000048  }
0xb9: {  	_ =	sfence  }
0xba: {  	s30 =	sld [smem:$0x0];
	_ =	sdelay $0x2  }
0xbb: {  	s31 =	sshll.u32 s1, $0xD;
	s1 =	sshrl.u32 s1, $0x2  }
0xbc: {  	s3 =	sand.u32 $0x4000, s31;
	s1 =	sadd.s32 s1, s30  }
0xbd: {  	s0 =	sor.u32 s3, s0;
	s1 =	sshll.u32 s1, $0x11  }
0xbe: {  	s0 =	sor.u32 s1, s0  }
0xbf: {  	s0 =	sadd.s32 $0x8F2B, s0  }
0xc0: {  	[sflag:s0] =	ssyncadd.remote.s32 $0x1  }
0xc1: {  	_ =	sfence.sel $0xFFFF  }
0xc2: {  	[dreg:$0x0] =	wrdreg $0xFFFFFFFF;
	(pc) =	sbr.abs _section_cstart, $3  }
0xc3: {  	[dreg:$0x1] =	wrdreg $0xFFFFFFFF  }
0xc4: {  	_ =	task.clear_ibuf [dreg:s9], $0x2FFFF;
	_ =	strace $0x9FFFFFFF  }
0xc5: {  	(tm) =	ssettm $0x7FFFFFFF  }
tec
execute0_lowered:
.L_overlay_start_1:
0x0: {  	(tag) =	ssettag $0x1  }
0x1: {  	s1 =	rddreg [dreg:$0x0]  }
0x2: {  	s2 =	rddreg [dreg:$0x1]  }
0x3: {  	s3 =	rddreg [dreg:$0x2];
	s4 =	srdreg.scid  }
0x4: {  	s0 =	rddreg [dreg:$0x3];
	s5 =	simm.s32 $0x0;
	s10 =	simm.s32 $0x1  }
0x5: {  	s11 =	simm.s32 $0x2;
	s12 =	simm.s32 $0x12000;
	s13 =	simm.s32 $0x3  }
0x6: {  	s14 =	simm.s32 $0x5;
	s15 =	simm.s32 $0x4;
	s16 =	simm.s32 $0x6  }
0x7: {  	s17 =	simm.s32 $0x7;
	s18 =	simm.s32 $0x0;
	s6 =	sand.u32 $0x1, s4  }
0x8: {  	[smem:$0x7FF] =	sst s5;
	s4 =	stileid.u32;
	s7 =	ssub.s32 $0x2, s6  }
0x9: {  	s9 =	sshll.u32 s4, $0x6;
	s6 =	sshll.u32 s6, $0x5;
	s8 =	sshrl.u32 s7, $0x1  }
0xa: {  	_ =	strace $0x80000047;
	s6 =	sor.u32 s6, s9;
	s7 =	ssub.s32 s7, s8  }
0xb: {  	s9 =	simm.s32 $0xC000;
	s8 =	simm.s32 $0x6000;
	s7 =	smax.u32 s7, $0x1  }
.LBB2_1:
0xc: {  	s19 =	simm.s32 $0x0  }
.LBB2_2:
0xd: {  	s20 =	sshll.u32 s19, $0x2  }
0xe: {  	s20 =	sadd.s32 s6, s20  }
0xf: {  	s21 =	smul.u32 $0x300, s20;
	_ =	sdelay $0x1  }
0x10: {  	s23 =	simm.s32 $0x0;
	s20 =	sadd.s32 s2, s21  }
0x11: {  	[tilespmem:s23], [sflag:$0x1] =	stream.linear.gather [hbm4b:s20+s23], $0x6000, $0x38;
	[tilespmem:$0x18000] =	vst v63  }
0x12: {  	s29 =	sadd.s32 s1, s21;
	s22 =	sadd.s32 $0xC0000, s21  }
0x13: {  	[tilespmem:s8], [sflag:$0x2] =	stream.linear.gather [hbm4b:s29+s23], $0x6000, $0x38;
	[tilespmem:$0x18000] =	vst v63  }
0x14: {  	s30 =	sadd.s32 s1, s22  }
0x15: {  	[tilespmem:s9], [sflag:$0x3] =	stream.linear.gather [hbm4b:s30+s23], $0x6000, $0x38;
	[tilespmem:$0x18000] =	vst v63  }
0x16: {  	_ =	swait.ge [sflag:s10], $0x6000  }
0x17: {  	[sflag:s10] =	ssyncset.done $0x0  }
0x18: {  	[sflag:s10] =	ssyncadd.s32 $0xFFFFA000  }
0x19: {  	_ =	swait.ge [sflag:s11], $0x6000  }
0x1a: {  	s20 =	sadd.s32 $0x180000, s21;
	[sflag:s11] =	ssyncset.done $0x0  }
0x1b: {  	s31 =	simm.s32 $0x0;
	s24 =	sadd.s32 s1, s20;
	[sflag:s11] =	ssyncadd.s32 $0xFFFFA000  }
0x1c: {  	[tilespmem:s12], [sflag:$0x4] =	stream.linear.gather [hbm4b:s24+s23], $0x6000, $0x38;
	[tilespmem:$0x18000] =	vst v63  }
0x1d: {  	s24 =	smul.u32 $0x1800, s31  }
0x1e: {  	s25 =	sand.u32 $0x380, s23  }
0x1f: {  	s24 =	sor.u32 s25, s24  }
0x20: {  	v0 =	vld [tilespmem:s24+$0x1470]  }
0x21: {  	v3 =	vld [tilespmem:s24+$0x0]  }
0x22: {  	v4 =	vld [tilespmem:s24+$0x10]  }
0x23: {  	v5 =	vld [tilespmem:s24+$0x20]  }
0x24: {  	v6 =	vld [tilespmem:s24+$0x30]  }
0x25: {  	v7 =	vld [tilespmem:s24+$0x40]  }
0x26: {  	v8 =	vld [tilespmem:s24+$0x50]  }
0x27: {  	v9 =	vld [tilespmem:s24+$0x60]  }
0x28: {  	v10 =	vld [tilespmem:s24+$0x70]  }
0x29: {  	v11 =	vld [tilespmem:s24+$0x400]  }
0x2a: {  	v12 =	vld [tilespmem:s24+$0x410]  }
0x2b: {  	v13 =	vld [tilespmem:s24+$0x420]  }
0x2c: {  	v14 =	vld [tilespmem:s24+$0x430]  }
0x2d: {  	v15 =	vld [tilespmem:s24+$0x440]  }
0x2e: {  	v16 =	vld [tilespmem:s24+$0x450]  }
0x2f: {  	v17 =	vld [tilespmem:s24+$0x460]  }
0x30: {  	v18 =	vld [tilespmem:s24+$0x470]  }
0x31: {  	v19 =	vld [tilespmem:s24+$0x800]  }
0x32: {  	v20 =	vld [tilespmem:s24+$0x810]  }
0x33: {  	v21 =	vld [tilespmem:s24+$0x820]  }
0x34: {  	v22 =	vld [tilespmem:s24+$0x830]  }
0x35: {  	v23 =	vld [tilespmem:s24+$0x840]  }
0x36: {  	v24 =	vld [tilespmem:s24+$0x850]  }
0x37: {  	v25 =	vld [tilespmem:s24+$0x860]  }
0x38: {  	v26 =	vld [tilespmem:s24+$0x870]  }
0x39: {  	v27 =	vld [tilespmem:s24+$0xC00]  }
0x3a: {  	v28 =	vld [tilespmem:s24+$0xC10]  }
0x3b: {  	v29 =	vld [tilespmem:s24+$0xC20]  }
0x3c: {  	v30 =	vld [tilespmem:s24+$0xC30]  }
0x3d: {  	v31 =	vld [tilespmem:s24+$0xC40]  }
0x3e: {  	v32 =	vld [tilespmem:s24+$0xC50]  }
0x3f: {  	v33 =	vld [tilespmem:s24+$0xC60]  }
0x40: {  	v34 =	vld [tilespmem:s24+$0xC70]  }
0x41: {  	v35 =	vld [tilespmem:s24+$0x1000]  }
0x42: {  	v36 =	vld [tilespmem:s24+$0x1010]  }
0x43: {  	v37 =	vld [tilespmem:s24+$0x1020]  }
0x44: {  	v38 =	vld [tilespmem:s24+$0x1030]  }
0x45: {  	v39 =	vld [tilespmem:s24+$0x1040]  }
0x46: {  	v40 =	vld [tilespmem:s24+$0x1050]  }
0x47: {  	v41 =	vld [tilespmem:s24+$0x1060]  }
0x48: {  	v42 =	vld [tilespmem:s24+$0x1070]  }
0x49: {  	v43 =	vld [tilespmem:s24+$0x1400]  }
0x4a: {  	v44 =	vld [tilespmem:s24+$0x1410]  }
0x4b: {  	v45 =	vld [tilespmem:s24+$0x1420]  }
0x4c: {  	v46 =	vld [tilespmem:s24+$0x1430]  }
0x4d: {  	v2 =	vld [tilespmem:s24+$0x1440]  }
0x4e: {  	v1 =	vld [tilespmem:s24+$0x1450]  }
0x4f: {  	[tilespmem:s24+$0x7470] =	vst.add.f32.msk $0xffff, v0  }
0x50: {  	v0 =	vld [tilespmem:s24+$0x1460]  }
0x51: {  	[tilespmem:s24+$0x6000] =	vst.add.f32.msk $0xffff, v3  }
0x52: {  	[tilespmem:s24+$0x6010] =	vst.add.f32.msk $0xffff, v4  }
0x53: {  	[tilespmem:s24+$0x6020] =	vst.add.f32.msk $0xffff, v5  }
0x54: {  	[tilespmem:s24+$0x6030] =	vst.add.f32.msk $0xffff, v6  }
0x55: {  	[tilespmem:s24+$0x6040] =	vst.add.f32.msk $0xffff, v7  }
0x56: {  	[tilespmem:s24+$0x6050] =	vst.add.f32.msk $0xffff, v8  }
0x57: {  	[tilespmem:s24+$0x6060] =	vst.add.f32.msk $0xffff, v9  }
0x58: {  	[tilespmem:s24+$0x6070] =	vst.add.f32.msk $0xffff, v10  }
0x59: {  	[tilespmem:s24+$0x6400] =	vst.add.f32.msk $0xffff, v11  }
0x5a: {  	[tilespmem:s24+$0x6410] =	vst.add.f32.msk $0xffff, v12  }
0x5b: {  	[tilespmem:s24+$0x6420] =	vst.add.f32.msk $0xffff, v13  }
0x5c: {  	[tilespmem:s24+$0x6430] =	vst.add.f32.msk $0xffff, v14  }
0x5d: {  	[tilespmem:s24+$0x6440] =	vst.add.f32.msk $0xffff, v15  }
0x5e: {  	[tilespmem:s24+$0x6450] =	vst.add.f32.msk $0xffff, v16  }
0x5f: {  	[tilespmem:s24+$0x6460] =	vst.add.f32.msk $0xffff, v17  }
0x60: {  	[tilespmem:s24+$0x6470] =	vst.add.f32.msk $0xffff, v18  }
0x61: {  	[tilespmem:s24+$0x6800] =	vst.add.f32.msk $0xffff, v19  }
0x62: {  	[tilespmem:s24+$0x6810] =	vst.add.f32.msk $0xffff, v20  }
0x63: {  	[tilespmem:s24+$0x6820] =	vst.add.f32.msk $0xffff, v21  }
0x64: {  	[tilespmem:s24+$0x6830] =	vst.add.f32.msk $0xffff, v22  }
0x65: {  	[tilespmem:s24+$0x6840] =	vst.add.f32.msk $0xffff, v23  }
0x66: {  	[tilespmem:s24+$0x6850] =	vst.add.f32.msk $0xffff, v24  }
0x67: {  	[tilespmem:s24+$0x6860] =	vst.add.f32.msk $0xffff, v25  }
0x68: {  	[tilespmem:s24+$0x6870] =	vst.add.f32.msk $0xffff, v26  }
0x69: {  	[tilespmem:s24+$0x6C00] =	vst.add.f32.msk $0xffff, v27  }
0x6a: {  	[tilespmem:s24+$0x6C10] =	vst.add.f32.msk $0xffff, v28  }
0x6b: {  	[tilespmem:s24+$0x6C20] =	vst.add.f32.msk $0xffff, v29  }
0x6c: {  	[tilespmem:s24+$0x6C30] =	vst.add.f32.msk $0xffff, v30  }
0x6d: {  	[tilespmem:s24+$0x6C40] =	vst.add.f32.msk $0xffff, v31  }
0x6e: {  	[tilespmem:s24+$0x6C50] =	vst.add.f32.msk $0xffff, v32  }
0x6f: {  	[tilespmem:s24+$0x6C60] =	vst.add.f32.msk $0xffff, v33  }
0x70: {  	[tilespmem:s24+$0x6C70] =	vst.add.f32.msk $0xffff, v34  }
0x71: {  	[tilespmem:s24+$0x7000] =	vst.add.f32.msk $0xffff, v35  }
0x72: {  	[tilespmem:s24+$0x7010] =	vst.add.f32.msk $0xffff, v36  }
0x73: {  	[tilespmem:s24+$0x7020] =	vst.add.f32.msk $0xffff, v37  }
0x74: {  	[tilespmem:s24+$0x7030] =	vst.add.f32.msk $0xffff, v38  }
0x75: {  	[tilespmem:s24+$0x7040] =	vst.add.f32.msk $0xffff, v39  }
0x76: {  	[tilespmem:s24+$0x7050] =	vst.add.f32.msk $0xffff, v40  }
0x77: {  	[tilespmem:s24+$0x7060] =	vst.add.f32.msk $0xffff, v41  }
0x78: {  	[tilespmem:s24+$0x7070] =	vst.add.f32.msk $0xffff, v42  }
0x79: {  	[tilespmem:s24+$0x7400] =	vst.add.f32.msk $0xffff, v43  }
0x7a: {  	[tilespmem:s24+$0x7410] =	vst.add.f32.msk $0xffff, v44  }
0x7b: {  	[tilespmem:s24+$0x7420] =	vst.add.f32.msk $0xffff, v45  }
0x7c: {  	s26 =	simm.s32 $0x0;
	s25 =	simm.s32 $0x2;
	[tilespmem:s24+$0x7430] =	vst.add.f32.msk $0xffff, v46  }
.LBB2_3:
0x7d: {  	p0 =	sne.s32 s25, $0x1F;
	s26 =	smul.u32 $0x1800, s26;
	[tilespmem:s24+$0x7440] =	vst.add.f32.msk $0xffff, v2;
	s23 =	sadd.s32 $0x80, s23  }
0x7e: {  	s28 =	sand.u32 $0x380, s23;
	[tilespmem:s24+$0x7450] =	vst.add.f32.msk $0xffff, v1  }
0x7f: {  	[tilespmem:s24+$0x7460] =	vst.add.f32.msk $0xffff, v0;
	s24 =	sor.u32 s28, s26  }
0x80: {  	v0 =	vld [tilespmem:s24+$0x1470]  }
0x81: {  	v3 =	vld [tilespmem:s24+$0x0]  }
0x82: {  	v4 =	vld [tilespmem:s24+$0x10]  }
0x83: {  	v5 =	vld [tilespmem:s24+$0x20]  }
0x84: {  	v6 =	vld [tilespmem:s24+$0x30]  }
0x85: {  	[tilespmem:s24+$0x7470] =	vst.add.f32.msk $0xffff, v0  }
0x86: {  	v7 =	vld [tilespmem:s24+$0x40]  }
0x87: {  	v8 =	vld [tilespmem:s24+$0x50]  }
0x88: {  	v9 =	vld [tilespmem:s24+$0x60]  }
0x89: {  	v10 =	vld [tilespmem:s24+$0x70]  }
0x8a: {  	v11 =	vld [tilespmem:s24+$0x400]  }
0x8b: {  	v12 =	vld [tilespmem:s24+$0x410]  }
0x8c: {  	v13 =	vld [tilespmem:s24+$0x420]  }
0x8d: {  	v14 =	vld [tilespmem:s24+$0x430]  }
0x8e: {  	v15 =	vld [tilespmem:s24+$0x440]  }
0x8f: {  	v16 =	vld [tilespmem:s24+$0x450]  }
0x90: {  	v17 =	vld [tilespmem:s24+$0x460]  }
0x91: {  	v18 =	vld [tilespmem:s24+$0x470]  }
0x92: {  	v19 =	vld [tilespmem:s24+$0x800]  }
0x93: {  	v20 =	vld [tilespmem:s24+$0x810]  }
0x94: {  	v21 =	vld [tilespmem:s24+$0x820]  }
0x95: {  	v22 =	vld [tilespmem:s24+$0x830]  }
0x96: {  	v23 =	vld [tilespmem:s24+$0x840]  }
0x97: {  	v24 =	vld [tilespmem:s24+$0x850]  }
0x98: {  	v25 =	vld [tilespmem:s24+$0x860]  }
0x99: {  	v26 =	vld [tilespmem:s24+$0x870]  }
0x9a: {  	v27 =	vld [tilespmem:s24+$0xC00]  }
0x9b: {  	v28 =	vld [tilespmem:s24+$0xC10]  }
0x9c: {  	v29 =	vld [tilespmem:s24+$0xC20]  }
0x9d: {  	v30 =	vld [tilespmem:s24+$0xC30]  }
0x9e: {  	v31 =	vld [tilespmem:s24+$0xC40]  }
0x9f: {  	v32 =	vld [tilespmem:s24+$0xC50]  }
0xa0: {  	v33 =	vld [tilespmem:s24+$0xC60]  }
0xa1: {  	v34 =	vld [tilespmem:s24+$0xC70]  }
0xa2: {  	v35 =	vld [tilespmem:s24+$0x1000]  }
0xa3: {  	v36 =	vld [tilespmem:s24+$0x1010]  }
0xa4: {  	v37 =	vld [tilespmem:s24+$0x1020]  }
0xa5: {  	v38 =	vld [tilespmem:s24+$0x1030]  }
0xa6: {  	v39 =	vld [tilespmem:s24+$0x1040]  }
0xa7: {  	v40 =	vld [tilespmem:s24+$0x1050]  }
0xa8: {  	v41 =	vld [tilespmem:s24+$0x1060]  }
0xa9: {  	v42 =	vld [tilespmem:s24+$0x1070]  }
0xaa: {  	v43 =	vld [tilespmem:s24+$0x1400]  }
0xab: {  	v44 =	vld [tilespmem:s24+$0x1410]  }
0xac: {  	v45 =	vld [tilespmem:s24+$0x1420]  }
0xad: {  	v46 =	vld [tilespmem:s24+$0x1430]  }
0xae: {  	v2 =	vld [tilespmem:s24+$0x1440]  }
0xaf: {  	v1 =	vld [tilespmem:s24+$0x1450]  }
0xb0: {  	v0 =	vld [tilespmem:s24+$0x1460]  }
0xb1: {  	[tilespmem:s24+$0x6000] =	vst.add.f32.msk $0xffff, v3  }
0xb2: {  	[tilespmem:s24+$0x6010] =	vst.add.f32.msk $0xffff, v4  }
0xb3: {  	[tilespmem:s24+$0x6020] =	vst.add.f32.msk $0xffff, v5  }
0xb4: {  	[tilespmem:s24+$0x6030] =	vst.add.f32.msk $0xffff, v6  }
0xb5: {  	[tilespmem:s24+$0x6040] =	vst.add.f32.msk $0xffff, v7  }
0xb6: {  	[tilespmem:s24+$0x6050] =	vst.add.f32.msk $0xffff, v8  }
0xb7: {  	[tilespmem:s24+$0x6060] =	vst.add.f32.msk $0xffff, v9  }
0xb8: {  	[tilespmem:s24+$0x6070] =	vst.add.f32.msk $0xffff, v10  }
0xb9: {  	[tilespmem:s24+$0x6400] =	vst.add.f32.msk $0xffff, v11  }
0xba: {  	[tilespmem:s24+$0x6410] =	vst.add.f32.msk $0xffff, v12  }
0xbb: {  	[tilespmem:s24+$0x6420] =	vst.add.f32.msk $0xffff, v13  }
0xbc: {  	[tilespmem:s24+$0x6430] =	vst.add.f32.msk $0xffff, v14  }
0xbd: {  	[tilespmem:s24+$0x6440] =	vst.add.f32.msk $0xffff, v15  }
0xbe: {  	[tilespmem:s24+$0x6450] =	vst.add.f32.msk $0xffff, v16  }
0xbf: {  	[tilespmem:s24+$0x6460] =	vst.add.f32.msk $0xffff, v17  }
0xc0: {  	[tilespmem:s24+$0x6470] =	vst.add.f32.msk $0xffff, v18  }
0xc1: {  	[tilespmem:s24+$0x6800] =	vst.add.f32.msk $0xffff, v19  }
0xc2: {  	[tilespmem:s24+$0x6810] =	vst.add.f32.msk $0xffff, v20  }
0xc3: {  	[tilespmem:s24+$0x6820] =	vst.add.f32.msk $0xffff, v21  }
0xc4: {  	[tilespmem:s24+$0x6830] =	vst.add.f32.msk $0xffff, v22  }
0xc5: {  	[tilespmem:s24+$0x6840] =	vst.add.f32.msk $0xffff, v23  }
0xc6: {  	[tilespmem:s24+$0x6850] =	vst.add.f32.msk $0xffff, v24  }
0xc7: {  	[tilespmem:s24+$0x6860] =	vst.add.f32.msk $0xffff, v25  }
0xc8: {  	[tilespmem:s24+$0x6870] =	vst.add.f32.msk $0xffff, v26  }
0xc9: {  	[tilespmem:s24+$0x6C00] =	vst.add.f32.msk $0xffff, v27  }
0xca: {  	[tilespmem:s24+$0x6C10] =	vst.add.f32.msk $0xffff, v28  }
0xcb: {  	[tilespmem:s24+$0x6C20] =	vst.add.f32.msk $0xffff, v29  }
0xcc: {  	[tilespmem:s24+$0x6C30] =	vst.add.f32.msk $0xffff, v30  }
0xcd: {  	[tilespmem:s24+$0x6C40] =	vst.add.f32.msk $0xffff, v31  }
0xce: {  	[tilespmem:s24+$0x6C50] =	vst.add.f32.msk $0xffff, v32  }
0xcf: {  	[tilespmem:s24+$0x6C60] =	vst.add.f32.msk $0xffff, v33  }
0xd0: {  	[tilespmem:s24+$0x6C70] =	vst.add.f32.msk $0xffff, v34  }
0xd1: {  	[tilespmem:s24+$0x7000] =	vst.add.f32.msk $0xffff, v35  }
0xd2: {  	[tilespmem:s24+$0x7010] =	vst.add.f32.msk $0xffff, v36  }
0xd3: {  	[tilespmem:s24+$0x7020] =	vst.add.f32.msk $0xffff, v37  }
0xd4: {  	[tilespmem:s24+$0x7030] =	vst.add.f32.msk $0xffff, v38  }
0xd5: {  	[tilespmem:s24+$0x7040] =	vst.add.f32.msk $0xffff, v39  }
0xd6: {  	[tilespmem:s24+$0x7050] =	vst.add.f32.msk $0xffff, v40  }
0xd7: {  	[tilespmem:s24+$0x7060] =	vst.add.f32.msk $0xffff, v41  }
.Ltmp0:
0xd8: {  	[tilespmem:s24+$0x7070] =	vst.add.f32.msk $0xffff, v42;
	(pc) =	sbr.rel @p0 .LBB2_3-.Ltmp0, $4  }
0xd9: {  	[tilespmem:s24+$0x7400] =	vst.add.f32.msk $0xffff, v43  }
0xda: {  	[tilespmem:s24+$0x7410] =	vst.add.f32.msk $0xffff, v44  }
0xdb: {  	[tilespmem:s24+$0x7420] =	vst.add.f32.msk $0xffff, v45  }
0xdc: {  	s26 =	sshrl.u32 s25, $0x3;
	s25 =	sadd.s32 $0x1, s25;
	[tilespmem:s24+$0x7430] =	vst.add.f32.msk $0xffff, v46  }
0xdd: {  	s25 =	smul.u32 $0x1800, s26;
	[tilespmem:s24+$0x7440] =	vst.add.f32.msk $0xffff, v2;
	s23 =	sadd.s32 $0x80, s23  }
0xde: {  	[tilespmem:s24+$0x7450] =	vst.add.f32.msk $0xffff, v1;
	s23 =	sand.u32 $0x380, s23  }
0xdf: {  	[tilespmem:s24+$0x7460] =	vst.add.f32.msk $0xffff, v0;
	s23 =	sor.u32 s23, s25  }
0xe0: {  	v0 =	vld [tilespmem:s23+$0x1470]  }
0xe1: {  	v1 =	vld [tilespmem:s23+$0x0]  }
0xe2: {  	v2 =	vld [tilespmem:s23+$0x10]  }
0xe3: {  	v3 =	vld [tilespmem:s23+$0x20]  }
0xe4: {  	v4 =	vld [tilespmem:s23+$0x30]  }
0xe5: {  	v5 =	vld [tilespmem:s23+$0x50]  }
0xe6: {  	v6 =	vld [tilespmem:s23+$0x60]  }
0xe7: {  	v7 =	vld [tilespmem:s23+$0x70]  }
0xe8: {  	v8 =	vld [tilespmem:s23+$0x400]  }
0xe9: {  	v9 =	vld [tilespmem:s23+$0x410]  }
0xea: {  	v10 =	vld [tilespmem:s23+$0x420]  }
0xeb: {  	v11 =	vld [tilespmem:s23+$0x430]  }
0xec: {  	v12 =	vld [tilespmem:s23+$0x440]  }
0xed: {  	v13 =	vld [tilespmem:s23+$0x450]  }
0xee: {  	v14 =	vld [tilespmem:s23+$0x460]  }
0xef: {  	v15 =	vld [tilespmem:s23+$0x470]  }
0xf0: {  	v16 =	vld [tilespmem:s23+$0x800]  }
0xf1: {  	v17 =	vld [tilespmem:s23+$0x810]  }
0xf2: {  	v18 =	vld [tilespmem:s23+$0x820]  }
0xf3: {  	v19 =	vld [tilespmem:s23+$0x830]  }
0xf4: {  	v20 =	vld [tilespmem:s23+$0x840]  }
0xf5: {  	v21 =	vld [tilespmem:s23+$0x850]  }
0xf6: {  	v22 =	vld [tilespmem:s23+$0x860]  }
0xf7: {  	v23 =	vld [tilespmem:s23+$0x870]  }
0xf8: {  	v24 =	vld [tilespmem:s23+$0xC00]  }
0xf9: {  	v25 =	vld [tilespmem:s23+$0xC10]  }
0xfa: {  	v26 =	vld [tilespmem:s23+$0xC20]  }
0xfb: {  	v27 =	vld [tilespmem:s23+$0xC30]  }
0xfc: {  	v28 =	vld [tilespmem:s23+$0xC40]  }
0xfd: {  	v29 =	vld [tilespmem:s23+$0xC50]  }
0xfe: {  	v30 =	vld [tilespmem:s23+$0xC60]  }
0xff: {  	v31 =	vld [tilespmem:s23+$0xC70]  }
0x100: {  	v32 =	vld [tilespmem:s23+$0x1000]  }
0x101: {  	v33 =	vld [tilespmem:s23+$0x1010]  }
0x102: {  	v34 =	vld [tilespmem:s23+$0x1020]  }
0x103: {  	v35 =	vld [tilespmem:s23+$0x1030]  }
0x104: {  	v36 =	vld [tilespmem:s23+$0x1040]  }
0x105: {  	v37 =	vld [tilespmem:s23+$0x1050]  }
0x106: {  	v38 =	vld [tilespmem:s23+$0x1060]  }
0x107: {  	v39 =	vld [tilespmem:s23+$0x1070]  }
0x108: {  	v40 =	vld [tilespmem:s23+$0x1400]  }
0x109: {  	v41 =	vld [tilespmem:s23+$0x1410]  }
0x10a: {  	v42 =	vld [tilespmem:s23+$0x1420]  }
0x10b: {  	v43 =	vld [tilespmem:s23+$0x1430]  }
0x10c: {  	v44 =	vld [tilespmem:s23+$0x1440]  }
0x10d: {  	v45 =	vld [tilespmem:s23+$0x1450]  }
0x10e: {  	v46 =	vld [tilespmem:s23+$0x1460]  }
0x10f: {  	[tilespmem:s23+$0x7470] =	vst.add.f32.msk $0xffff, v0  }
0x110: {  	v0 =	vld [tilespmem:s23+$0x40]  }
0x111: {  	[tilespmem:s23+$0x6000] =	vst.add.f32.msk $0xffff, v1  }
0x112: {  	[tilespmem:s23+$0x6010] =	vst.add.f32.msk $0xffff, v2  }
0x113: {  	[tilespmem:s23+$0x6020] =	vst.add.f32.msk $0xffff, v3  }
0x114: {  	[tilespmem:s23+$0x6030] =	vst.add.f32.msk $0xffff, v4  }
0x115: {  	[tilespmem:s23+$0x6050] =	vst.add.f32.msk $0xffff, v5  }
0x116: {  	[tilespmem:s23+$0x6060] =	vst.add.f32.msk $0xffff, v6  }
0x117: {  	[tilespmem:s23+$0x6070] =	vst.add.f32.msk $0xffff, v7  }
0x118: {  	[tilespmem:s23+$0x6400] =	vst.add.f32.msk $0xffff, v8  }
0x119: {  	[tilespmem:s23+$0x6410] =	vst.add.f32.msk $0xffff, v9  }
0x11a: {  	[tilespmem:s23+$0x6420] =	vst.add.f32.msk $0xffff, v10  }
0x11b: {  	[tilespmem:s23+$0x6430] =	vst.add.f32.msk $0xffff, v11  }
0x11c: {  	[tilespmem:s23+$0x6440] =	vst.add.f32.msk $0xffff, v12  }
0x11d: {  	[tilespmem:s23+$0x6450] =	vst.add.f32.msk $0xffff, v13  }
0x11e: {  	[tilespmem:s23+$0x6460] =	vst.add.f32.msk $0xffff, v14  }
0x11f: {  	[tilespmem:s23+$0x6470] =	vst.add.f32.msk $0xffff, v15  }
0x120: {  	[tilespmem:s23+$0x6800] =	vst.add.f32.msk $0xffff, v16  }
0x121: {  	[tilespmem:s23+$0x6810] =	vst.add.f32.msk $0xffff, v17  }
0x122: {  	[tilespmem:s23+$0x6820] =	vst.add.f32.msk $0xffff, v18  }
0x123: {  	[tilespmem:s23+$0x6830] =	vst.add.f32.msk $0xffff, v19  }
0x124: {  	[tilespmem:s23+$0x6840] =	vst.add.f32.msk $0xffff, v20  }
0x125: {  	[tilespmem:s23+$0x6850] =	vst.add.f32.msk $0xffff, v21  }
0x126: {  	[tilespmem:s23+$0x6860] =	vst.add.f32.msk $0xffff, v22  }
0x127: {  	[tilespmem:s23+$0x6870] =	vst.add.f32.msk $0xffff, v23  }
0x128: {  	[tilespmem:s23+$0x6C00] =	vst.add.f32.msk $0xffff, v24  }
0x129: {  	[tilespmem:s23+$0x6C10] =	vst.add.f32.msk $0xffff, v25  }
0x12a: {  	[tilespmem:s23+$0x6C20] =	vst.add.f32.msk $0xffff, v26  }
0x12b: {  	[tilespmem:s23+$0x6C30] =	vst.add.f32.msk $0xffff, v27  }
0x12c: {  	[tilespmem:s23+$0x6C40] =	vst.add.f32.msk $0xffff, v28  }
0x12d: {  	[tilespmem:s23+$0x6C50] =	vst.add.f32.msk $0xffff, v29  }
0x12e: {  	[tilespmem:s23+$0x6C60] =	vst.add.f32.msk $0xffff, v30  }
0x12f: {  	[tilespmem:s23+$0x6C70] =	vst.add.f32.msk $0xffff, v31  }
0x130: {  	[tilespmem:s23+$0x7000] =	vst.add.f32.msk $0xffff, v32  }
0x131: {  	[tilespmem:s23+$0x7010] =	vst.add.f32.msk $0xffff, v33  }
0x132: {  	[tilespmem:s23+$0x7020] =	vst.add.f32.msk $0xffff, v34  }
0x133: {  	[tilespmem:s23+$0x7030] =	vst.add.f32.msk $0xffff, v35  }
0x134: {  	[tilespmem:s23+$0x7040] =	vst.add.f32.msk $0xffff, v36  }
0x135: {  	[tilespmem:s23+$0x7050] =	vst.add.f32.msk $0xffff, v37  }
0x136: {  	[tilespmem:s23+$0x7060] =	vst.add.f32.msk $0xffff, v38  }
0x137: {  	[tilespmem:s23+$0x7070] =	vst.add.f32.msk $0xffff, v39  }
0x138: {  	[tilespmem:s23+$0x7400] =	vst.add.f32.msk $0xffff, v40  }
0x139: {  	[tilespmem:s23+$0x7410] =	vst.add.f32.msk $0xffff, v41  }
0x13a: {  	[tilespmem:s23+$0x7420] =	vst.add.f32.msk $0xffff, v42  }
0x13b: {  	[tilespmem:s23+$0x7430] =	vst.add.f32.msk $0xffff, v43  }
0x13c: {  	[tilespmem:s23+$0x7440] =	vst.add.f32.msk $0xffff, v44  }
0x13d: {  	[tilespmem:s23+$0x7450] =	vst.add.f32.msk $0xffff, v45  }
0x13e: {  	[tilespmem:s23+$0x7460] =	vst.add.f32.msk $0xffff, v46  }
0x13f: {  	s28 =	sadd.s32 s3, s21;
	[tilespmem:s23+$0x6040] =	vst.add.f32.msk $0xffff, v0;
	s23 =	simm.s32 $0x0  }
0x140: {  	[hbm4b:s28+s23] =	stream.linear.scatter [tilespmem:s8], [sflag:$0x5], $0x6000, $0x38;
	[tilespmem:$0x18000] =	vst v63  }
0x141: {  	_ =	swait.ge [sflag:s13], $0x6000  }
0x142: {  	[sflag:s13] =	ssyncset.done $0x0  }
0x143: {  	s30 =	simm.s32 $0x0;
	[sflag:s13] =	ssyncadd.s32 $0xFFFFA000  }
0x144: {  	s24 =	smul.u32 $0x1800, s30;
	_ =	swait.ge [sflag:s14], $0x6000  }
0x145: {  	s21 =	sadd.s32 $0x240000, s21;
	s31 =	sand.u32 $0x380, s23;
	[sflag:s14] =	ssyncset.done $0x0  }
0x146: {  	s29 =	sadd.s32 s1, s21;
	s24 =	sor.u32 s31, s24;
	[sflag:s14] =	ssyncadd.s32 $0xFFFFA000  }
0x147: {  	[tilespmem:s8], [sflag:$0x2] =	stream.linear.gather [hbm4b:s29+s23], $0x6000, $0x38;
	[tilespmem:$0x18000] =	vst v63  }
0x148: {  	v0 =	vld [tilespmem:s24+$0x1470]  }
0x149: {  	v3 =	vld [tilespmem:s24+$0x0]  }
0x14a: {  	v4 =	vld [tilespmem:s24+$0x10]  }
0x14b: {  	v5 =	vld [tilespmem:s24+$0x20]  }
0x14c: {  	v6 =	vld [tilespmem:s24+$0x30]  }
0x14d: {  	v7 =	vld [tilespmem:s24+$0x40]  }
0x14e: {  	v8 =	vld [tilespmem:s24+$0x50]  }
0x14f: {  	v9 =	vld [tilespmem:s24+$0x60]  }
0x150: {  	v10 =	vld [tilespmem:s24+$0x70]  }
0x151: {  	v11 =	vld [tilespmem:s24+$0x400]  }
0x152: {  	v12 =	vld [tilespmem:s24+$0x410]  }
0x153: {  	v13 =	vld [tilespmem:s24+$0x420]  }
0x154: {  	v14 =	vld [tilespmem:s24+$0x430]  }
0x155: {  	v15 =	vld [tilespmem:s24+$0x440]  }
0x156: {  	v16 =	vld [tilespmem:s24+$0x450]  }
0x157: {  	v17 =	vld [tilespmem:s24+$0x460]  }
0x158: {  	v18 =	vld [tilespmem:s24+$0x470]  }
0x159: {  	v19 =	vld [tilespmem:s24+$0x800]  }
0x15a: {  	v20 =	vld [tilespmem:s24+$0x810]  }
0x15b: {  	v21 =	vld [tilespmem:s24+$0x820]  }
0x15c: {  	v22 =	vld [tilespmem:s24+$0x830]  }
0x15d: {  	v23 =	vld [tilespmem:s24+$0x840]  }
0x15e: {  	v24 =	vld [tilespmem:s24+$0x850]  }
0x15f: {  	v25 =	vld [tilespmem:s24+$0x860]  }
0x160: {  	v26 =	vld [tilespmem:s24+$0x870]  }
0x161: {  	v27 =	vld [tilespmem:s24+$0xC00]  }
0x162: {  	v28 =	vld [tilespmem:s24+$0xC10]  }
0x163: {  	v29 =	vld [tilespmem:s24+$0xC20]  }
0x164: {  	v30 =	vld [tilespmem:s24+$0xC30]  }
0x165: {  	v48 =	vld [tilespmem:s24+$0xC40]  }
0x166: {  	v49 =	vld [tilespmem:s24+$0xC50]  }
0x167: {  	v50 =	vld [tilespmem:s24+$0xC60]  }
0x168: {  	v51 =	vld [tilespmem:s24+$0xC70]  }
0x169: {  	v52 =	vld [tilespmem:s24+$0x1000]  }
0x16a: {  	v53 =	vld [tilespmem:s24+$0x1010]  }
0x16b: {  	v54 =	vld [tilespmem:s24+$0x1020]  }
0x16c: {  	v55 =	vld [tilespmem:s24+$0x1030]  }
0x16d: {  	v56 =	vld [tilespmem:s24+$0x1040]  }
0x16e: {  	v57 =	vld [tilespmem:s24+$0x1050]  }
0x16f: {  	v58 =	vld [tilespmem:s24+$0x1060]  }
0x170: {  	v59 =	vld [tilespmem:s24+$0x1070]  }
0x171: {  	v60 =	vld [tilespmem:s24+$0x1400]  }
0x172: {  	v61 =	vld [tilespmem:s24+$0x1410]  }
0x173: {  	v62 =	vld [tilespmem:s24+$0x1420]  }
0x174: {  	v63 =	vld [tilespmem:s24+$0x1430]  }
0x175: {  	v2 =	vld [tilespmem:s24+$0x1440]  }
0x176: {  	v1 =	vld [tilespmem:s24+$0x1450]  }
0x177: {  	[tilespmem:s24+$0xD470] =	vst.add.f32.msk $0xffff, v0  }
0x178: {  	v0 =	vld [tilespmem:s24+$0x1460]  }
0x179: {  	[tilespmem:s24+$0xC000] =	vst.add.f32.msk $0xffff, v3  }
0x17a: {  	[tilespmem:s24+$0xC010] =	vst.add.f32.msk $0xffff, v4  }
0x17b: {  	[tilespmem:s24+$0xC020] =	vst.add.f32.msk $0xffff, v5  }
0x17c: {  	[tilespmem:s24+$0xC030] =	vst.add.f32.msk $0xffff, v6  }
0x17d: {  	[tilespmem:s24+$0xC040] =	vst.add.f32.msk $0xffff, v7  }
0x17e: {  	[tilespmem:s24+$0xC050] =	vst.add.f32.msk $0xffff, v8  }
0x17f: {  	[tilespmem:s24+$0xC060] =	vst.add.f32.msk $0xffff, v9  }
0x180: {  	[tilespmem:s24+$0xC070] =	vst.add.f32.msk $0xffff, v10  }
0x181: {  	[tilespmem:s24+$0xC400] =	vst.add.f32.msk $0xffff, v11  }
0x182: {  	[tilespmem:s24+$0xC410] =	vst.add.f32.msk $0xffff, v12  }
0x183: {  	[tilespmem:s24+$0xC420] =	vst.add.f32.msk $0xffff, v13  }
0x184: {  	[tilespmem:s24+$0xC430] =	vst.add.f32.msk $0xffff, v14  }
0x185: {  	[tilespmem:s24+$0xC440] =	vst.add.f32.msk $0xffff, v15  }
0x186: {  	[tilespmem:s24+$0xC450] =	vst.add.f32.msk $0xffff, v16  }
0x187: {  	[tilespmem:s24+$0xC460] =	vst.add.f32.msk $0xffff, v17  }
0x188: {  	[tilespmem:s24+$0xC470] =	vst.add.f32.msk $0xffff, v18  }
0x189: {  	[tilespmem:s24+$0xC800] =	vst.add.f32.msk $0xffff, v19  }
0x18a: {  	[tilespmem:s24+$0xC810] =	vst.add.f32.msk $0xffff, v20  }
0x18b: {  	[tilespmem:s24+$0xC820] =	vst.add.f32.msk $0xffff, v21  }
0x18c: {  	[tilespmem:s24+$0xC830] =	vst.add.f32.msk $0xffff, v22  }
0x18d: {  	[tilespmem:s24+$0xC840] =	vst.add.f32.msk $0xffff, v23  }
0x18e: {  	[tilespmem:s24+$0xC850] =	vst.add.f32.msk $0xffff, v24  }
0x18f: {  	[tilespmem:s24+$0xC860] =	vst.add.f32.msk $0xffff, v25  }
0x190: {  	[tilespmem:s24+$0xC870] =	vst.add.f32.msk $0xffff, v26  }
0x191: {  	[tilespmem:s24+$0xCC00] =	vst.add.f32.msk $0xffff, v27  }
0x192: {  	[tilespmem:s24+$0xCC10] =	vst.add.f32.msk $0xffff, v28  }
0x193: {  	[tilespmem:s24+$0xCC20] =	vst.add.f32.msk $0xffff, v29  }
0x194: {  	[tilespmem:s24+$0xCC30] =	vst.add.f32.msk $0xffff, v30  }
0x195: {  	[tilespmem:s24+$0xCC40] =	vst.add.f32.msk $0xffff, v48  }
0x196: {  	[tilespmem:s24+$0xCC50] =	vst.add.f32.msk $0xffff, v49  }
0x197: {  	[tilespmem:s24+$0xCC60] =	vst.add.f32.msk $0xffff, v50  }
0x198: {  	[tilespmem:s24+$0xCC70] =	vst.add.f32.msk $0xffff, v51  }
0x199: {  	[tilespmem:s24+$0xD000] =	vst.add.f32.msk $0xffff, v52  }
0x19a: {  	[tilespmem:s24+$0xD010] =	vst.add.f32.msk $0xffff, v53  }
0x19b: {  	[tilespmem:s24+$0xD020] =	vst.add.f32.msk $0xffff, v54  }
0x19c: {  	[tilespmem:s24+$0xD030] =	vst.add.f32.msk $0xffff, v55  }
0x19d: {  	[tilespmem:s24+$0xD040] =	vst.add.f32.msk $0xffff, v56  }
0x19e: {  	[tilespmem:s24+$0xD050] =	vst.add.f32.msk $0xffff, v57  }
0x19f: {  	[tilespmem:s24+$0xD060] =	vst.add.f32.msk $0xffff, v58  }
0x1a0: {  	[tilespmem:s24+$0xD070] =	vst.add.f32.msk $0xffff, v59  }
0x1a1: {  	[tilespmem:s24+$0xD400] =	vst.add.f32.msk $0xffff, v60  }
0x1a2: {  	[tilespmem:s24+$0xD410] =	vst.add.f32.msk $0xffff, v61  }
0x1a3: {  	[tilespmem:s24+$0xD420] =	vst.add.f32.msk $0xffff, v62  }
0x1a4: {  	s26 =	simm.s32 $0x0;
	s25 =	simm.s32 $0x2;
	[tilespmem:s24+$0xD430] =	vst.add.f32.msk $0xffff, v63  }
.LBB2_5:
0x1a5: {  	p0 =	sne.s32 s25, $0x1F;
	s26 =	smul.u32 $0x1800, s26;
	[tilespmem:s24+$0xD440] =	vst.add.f32.msk $0xffff, v2;
	s23 =	sadd.s32 $0x80, s23  }
0x1a6: {  	s28 =	sand.u32 $0x380, s23;
	[tilespmem:s24+$0xD450] =	vst.add.f32.msk $0xffff, v1  }
0x1a7: {  	[tilespmem:s24+$0xD460] =	vst.add.f32.msk $0xffff, v0;
	s24 =	sor.u32 s28, s26  }
0x1a8: {  	v0 =	vld [tilespmem:s24+$0x1470]  }
0x1a9: {  	v3 =	vld [tilespmem:s24+$0x0]  }
0x1aa: {  	v4 =	vld [tilespmem:s24+$0x10]  }
0x1ab: {  	v5 =	vld [tilespmem:s24+$0x20]  }
0x1ac: {  	v6 =	vld [tilespmem:s24+$0x30]  }
0x1ad: {  	[tilespmem:s24+$0xD470] =	vst.add.f32.msk $0xffff, v0  }
0x1ae: {  	v7 =	vld [tilespmem:s24+$0x40]  }
0x1af: {  	v8 =	vld [tilespmem:s24+$0x50]  }
0x1b0: {  	v9 =	vld [tilespmem:s24+$0x60]  }
0x1b1: {  	v10 =	vld [tilespmem:s24+$0x70]  }
0x1b2: {  	v11 =	vld [tilespmem:s24+$0x400]  }
0x1b3: {  	v12 =	vld [tilespmem:s24+$0x410]  }
0x1b4: {  	v13 =	vld [tilespmem:s24+$0x420]  }
0x1b5: {  	v14 =	vld [tilespmem:s24+$0x430]  }
0x1b6: {  	v15 =	vld [tilespmem:s24+$0x440]  }
0x1b7: {  	v16 =	vld [tilespmem:s24+$0x450]  }
0x1b8: {  	v17 =	vld [tilespmem:s24+$0x460]  }
0x1b9: {  	v18 =	vld [tilespmem:s24+$0x470]  }
0x1ba: {  	v19 =	vld [tilespmem:s24+$0x800]  }
0x1bb: {  	v20 =	vld [tilespmem:s24+$0x810]  }
0x1bc: {  	v21 =	vld [tilespmem:s24+$0x820]  }
0x1bd: {  	v22 =	vld [tilespmem:s24+$0x830]  }
0x1be: {  	v23 =	vld [tilespmem:s24+$0x840]  }
0x1bf: {  	v24 =	vld [tilespmem:s24+$0x850]  }
0x1c0: {  	v25 =	vld [tilespmem:s24+$0x860]  }
0x1c1: {  	v26 =	vld [tilespmem:s24+$0x870]  }
0x1c2: {  	v27 =	vld [tilespmem:s24+$0xC00]  }
0x1c3: {  	v28 =	vld [tilespmem:s24+$0xC10]  }
0x1c4: {  	v29 =	vld [tilespmem:s24+$0xC20]  }
0x1c5: {  	v30 =	vld [tilespmem:s24+$0xC30]  }
0x1c6: {  	v31 =	vld [tilespmem:s24+$0xC40]  }
0x1c7: {  	v32 =	vld [tilespmem:s24+$0xC50]  }
0x1c8: {  	v33 =	vld [tilespmem:s24+$0xC60]  }
0x1c9: {  	v34 =	vld [tilespmem:s24+$0xC70]  }
0x1ca: {  	v35 =	vld [tilespmem:s24+$0x1000]  }
0x1cb: {  	v36 =	vld [tilespmem:s24+$0x1010]  }
0x1cc: {  	v37 =	vld [tilespmem:s24+$0x1020]  }
0x1cd: {  	v38 =	vld [tilespmem:s24+$0x1030]  }
0x1ce: {  	v39 =	vld [tilespmem:s24+$0x1040]  }
0x1cf: {  	v40 =	vld [tilespmem:s24+$0x1050]  }
0x1d0: {  	v41 =	vld [tilespmem:s24+$0x1060]  }
0x1d1: {  	v42 =	vld [tilespmem:s24+$0x1070]  }
0x1d2: {  	v43 =	vld [tilespmem:s24+$0x1400]  }
0x1d3: {  	v44 =	vld [tilespmem:s24+$0x1410]  }
0x1d4: {  	v45 =	vld [tilespmem:s24+$0x1420]  }
0x1d5: {  	v46 =	vld [tilespmem:s24+$0x1430]  }
0x1d6: {  	v2 =	vld [tilespmem:s24+$0x1440]  }
0x1d7: {  	v1 =	vld [tilespmem:s24+$0x1450]  }
0x1d8: {  	v0 =	vld [tilespmem:s24+$0x1460]  }
0x1d9: {  	[tilespmem:s24+$0xC000] =	vst.add.f32.msk $0xffff, v3  }
0x1da: {  	[tilespmem:s24+$0xC010] =	vst.add.f32.msk $0xffff, v4  }
0x1db: {  	[tilespmem:s24+$0xC020] =	vst.add.f32.msk $0xffff, v5  }
0x1dc: {  	[tilespmem:s24+$0xC030] =	vst.add.f32.msk $0xffff, v6  }
0x1dd: {  	[tilespmem:s24+$0xC040] =	vst.add.f32.msk $0xffff, v7  }
0x1de: {  	[tilespmem:s24+$0xC050] =	vst.add.f32.msk $0xffff, v8  }
0x1df: {  	[tilespmem:s24+$0xC060] =	vst.add.f32.msk $0xffff, v9  }
0x1e0: {  	[tilespmem:s24+$0xC070] =	vst.add.f32.msk $0xffff, v10  }
0x1e1: {  	[tilespmem:s24+$0xC400] =	vst.add.f32.msk $0xffff, v11  }
0x1e2: {  	[tilespmem:s24+$0xC410] =	vst.add.f32.msk $0xffff, v12  }
0x1e3: {  	[tilespmem:s24+$0xC420] =	vst.add.f32.msk $0xffff, v13  }
0x1e4: {  	[tilespmem:s24+$0xC430] =	vst.add.f32.msk $0xffff, v14  }
0x1e5: {  	[tilespmem:s24+$0xC440] =	vst.add.f32.msk $0xffff, v15  }
0x1e6: {  	[tilespmem:s24+$0xC450] =	vst.add.f32.msk $0xffff, v16  }
0x1e7: {  	[tilespmem:s24+$0xC460] =	vst.add.f32.msk $0xffff, v17  }
0x1e8: {  	[tilespmem:s24+$0xC470] =	vst.add.f32.msk $0xffff, v18  }
0x1e9: {  	[tilespmem:s24+$0xC800] =	vst.add.f32.msk $0xffff, v19  }
0x1ea: {  	[tilespmem:s24+$0xC810] =	vst.add.f32.msk $0xffff, v20  }
0x1eb: {  	[tilespmem:s24+$0xC820] =	vst.add.f32.msk $0xffff, v21  }
0x1ec: {  	[tilespmem:s24+$0xC830] =	vst.add.f32.msk $0xffff, v22  }
0x1ed: {  	[tilespmem:s24+$0xC840] =	vst.add.f32.msk $0xffff, v23  }
0x1ee: {  	[tilespmem:s24+$0xC850] =	vst.add.f32.msk $0xffff, v24  }
0x1ef: {  	[tilespmem:s24+$0xC860] =	vst.add.f32.msk $0xffff, v25  }
0x1f0: {  	[tilespmem:s24+$0xC870] =	vst.add.f32.msk $0xffff, v26  }
0x1f1: {  	[tilespmem:s24+$0xCC00] =	vst.add.f32.msk $0xffff, v27  }
0x1f2: {  	[tilespmem:s24+$0xCC10] =	vst.add.f32.msk $0xffff, v28  }
0x1f3: {  	[tilespmem:s24+$0xCC20] =	vst.add.f32.msk $0xffff, v29  }
0x1f4: {  	[tilespmem:s24+$0xCC30] =	vst.add.f32.msk $0xffff, v30  }
0x1f5: {  	[tilespmem:s24+$0xCC40] =	vst.add.f32.msk $0xffff, v31  }
0x1f6: {  	[tilespmem:s24+$0xCC50] =	vst.add.f32.msk $0xffff, v32  }
0x1f7: {  	[tilespmem:s24+$0xCC60] =	vst.add.f32.msk $0xffff, v33  }
0x1f8: {  	[tilespmem:s24+$0xCC70] =	vst.add.f32.msk $0xffff, v34  }
0x1f9: {  	[tilespmem:s24+$0xD000] =	vst.add.f32.msk $0xffff, v35  }
0x1fa: {  	[tilespmem:s24+$0xD010] =	vst.add.f32.msk $0xffff, v36  }
0x1fb: {  	[tilespmem:s24+$0xD020] =	vst.add.f32.msk $0xffff, v37  }
0x1fc: {  	[tilespmem:s24+$0xD030] =	vst.add.f32.msk $0xffff, v38  }
0x1fd: {  	[tilespmem:s24+$0xD040] =	vst.add.f32.msk $0xffff, v39  }
0x1fe: {  	[tilespmem:s24+$0xD050] =	vst.add.f32.msk $0xffff, v40  }
0x1ff: {  	[tilespmem:s24+$0xD060] =	vst.add.f32.msk $0xffff, v41  }
.Ltmp1:
0x200: {  	[tilespmem:s24+$0xD070] =	vst.add.f32.msk $0xffff, v42;
	(pc) =	sbr.rel @p0 .LBB2_5-.Ltmp1, $4  }
0x201: {  	[tilespmem:s24+$0xD400] =	vst.add.f32.msk $0xffff, v43  }
0x202: {  	[tilespmem:s24+$0xD410] =	vst.add.f32.msk $0xffff, v44  }
0x203: {  	[tilespmem:s24+$0xD420] =	vst.add.f32.msk $0xffff, v45  }
0x204: {  	s26 =	sshrl.u32 s25, $0x3;
	s25 =	sadd.s32 $0x1, s25;
	[tilespmem:s24+$0xD430] =	vst.add.f32.msk $0xffff, v46  }
0x205: {  	s25 =	smul.u32 $0x1800, s26;
	[tilespmem:s24+$0xD440] =	vst.add.f32.msk $0xffff, v2;
	s23 =	sadd.s32 $0x80, s23  }
0x206: {  	[tilespmem:s24+$0xD450] =	vst.add.f32.msk $0xffff, v1;
	s23 =	sand.u32 $0x380, s23  }
0x207: {  	[tilespmem:s24+$0xD460] =	vst.add.f32.msk $0xffff, v0;
	s23 =	sor.u32 s23, s25  }
0x208: {  	v0 =	vld [tilespmem:s23+$0x1470]  }
0x209: {  	v1 =	vld [tilespmem:s23+$0x0]  }
0x20a: {  	v2 =	vld [tilespmem:s23+$0x10]  }
0x20b: {  	v3 =	vld [tilespmem:s23+$0x20]  }
0x20c: {  	v4 =	vld [tilespmem:s23+$0x30]  }
0x20d: {  	v5 =	vld [tilespmem:s23+$0x50]  }
0x20e: {  	v6 =	vld [tilespmem:s23+$0x60]  }
0x20f: {  	v7 =	vld [tilespmem:s23+$0x70]  }
0x210: {  	v8 =	vld [tilespmem:s23+$0x400]  }
0x211: {  	v9 =	vld [tilespmem:s23+$0x410]  }
0x212: {  	v10 =	vld [tilespmem:s23+$0x420]  }
0x213: {  	v11 =	vld [tilespmem:s23+$0x430]  }
0x214: {  	v12 =	vld [tilespmem:s23+$0x440]  }
0x215: {  	v13 =	vld [tilespmem:s23+$0x450]  }
0x216: {  	v14 =	vld [tilespmem:s23+$0x460]  }
0x217: {  	v15 =	vld [tilespmem:s23+$0x470]  }
0x218: {  	v16 =	vld [tilespmem:s23+$0x800]  }
0x219: {  	v17 =	vld [tilespmem:s23+$0x810]  }
0x21a: {  	v18 =	vld [tilespmem:s23+$0x820]  }
0x21b: {  	v19 =	vld [tilespmem:s23+$0x830]  }
0x21c: {  	v20 =	vld [tilespmem:s23+$0x840]  }
0x21d: {  	v21 =	vld [tilespmem:s23+$0x850]  }
0x21e: {  	v22 =	vld [tilespmem:s23+$0x860]  }
0x21f: {  	v23 =	vld [tilespmem:s23+$0x870]  }
0x220: {  	v24 =	vld [tilespmem:s23+$0xC00]  }
0x221: {  	v25 =	vld [tilespmem:s23+$0xC10]  }
0x222: {  	v26 =	vld [tilespmem:s23+$0xC20]  }
0x223: {  	v27 =	vld [tilespmem:s23+$0xC30]  }
0x224: {  	v28 =	vld [tilespmem:s23+$0xC40]  }
0x225: {  	v29 =	vld [tilespmem:s23+$0xC50]  }
0x226: {  	v30 =	vld [tilespmem:s23+$0xC60]  }
0x227: {  	v31 =	vld [tilespmem:s23+$0xC70]  }
0x228: {  	v32 =	vld [tilespmem:s23+$0x1000]  }
0x229: {  	v33 =	vld [tilespmem:s23+$0x1010]  }
0x22a: {  	v34 =	vld [tilespmem:s23+$0x1020]  }
0x22b: {  	v35 =	vld [tilespmem:s23+$0x1030]  }
0x22c: {  	v36 =	vld [tilespmem:s23+$0x1040]  }
0x22d: {  	v37 =	vld [tilespmem:s23+$0x1050]  }
0x22e: {  	v38 =	vld [tilespmem:s23+$0x1060]  }
0x22f: {  	v39 =	vld [tilespmem:s23+$0x1070]  }
0x230: {  	v40 =	vld [tilespmem:s23+$0x1400]  }
0x231: {  	v41 =	vld [tilespmem:s23+$0x1410]  }
0x232: {  	v42 =	vld [tilespmem:s23+$0x1420]  }
0x233: {  	v43 =	vld [tilespmem:s23+$0x1430]  }
0x234: {  	v44 =	vld [tilespmem:s23+$0x1440]  }
0x235: {  	v45 =	vld [tilespmem:s23+$0x1450]  }
0x236: {  	v46 =	vld [tilespmem:s23+$0x1460]  }
0x237: {  	[tilespmem:s23+$0xD470] =	vst.add.f32.msk $0xffff, v0  }
0x238: {  	v0 =	vld [tilespmem:s23+$0x40]  }
0x239: {  	[tilespmem:s23+$0xC000] =	vst.add.f32.msk $0xffff, v1  }
0x23a: {  	[tilespmem:s23+$0xC010] =	vst.add.f32.msk $0xffff, v2  }
0x23b: {  	[tilespmem:s23+$0xC020] =	vst.add.f32.msk $0xffff, v3  }
0x23c: {  	[tilespmem:s23+$0xC030] =	vst.add.f32.msk $0xffff, v4  }
0x23d: {  	[tilespmem:s23+$0xC050] =	vst.add.f32.msk $0xffff, v5  }
0x23e: {  	[tilespmem:s23+$0xC060] =	vst.add.f32.msk $0xffff, v6  }
0x23f: {  	[tilespmem:s23+$0xC070] =	vst.add.f32.msk $0xffff, v7  }
0x240: {  	[tilespmem:s23+$0xC400] =	vst.add.f32.msk $0xffff, v8  }
0x241: {  	[tilespmem:s23+$0xC410] =	vst.add.f32.msk $0xffff, v9  }
0x242: {  	[tilespmem:s23+$0xC420] =	vst.add.f32.msk $0xffff, v10  }
0x243: {  	[tilespmem:s23+$0xC430] =	vst.add.f32.msk $0xffff, v11  }
0x244: {  	[tilespmem:s23+$0xC440] =	vst.add.f32.msk $0xffff, v12  }
0x245: {  	[tilespmem:s23+$0xC450] =	vst.add.f32.msk $0xffff, v13  }
0x246: {  	[tilespmem:s23+$0xC460] =	vst.add.f32.msk $0xffff, v14  }
0x247: {  	[tilespmem:s23+$0xC470] =	vst.add.f32.msk $0xffff, v15  }
0x248: {  	[tilespmem:s23+$0xC800] =	vst.add.f32.msk $0xffff, v16  }
0x249: {  	[tilespmem:s23+$0xC810] =	vst.add.f32.msk $0xffff, v17  }
0x24a: {  	[tilespmem:s23+$0xC820] =	vst.add.f32.msk $0xffff, v18  }
0x24b: {  	[tilespmem:s23+$0xC830] =	vst.add.f32.msk $0xffff, v19  }
0x24c: {  	[tilespmem:s23+$0xC840] =	vst.add.f32.msk $0xffff, v20  }
0x24d: {  	[tilespmem:s23+$0xC850] =	vst.add.f32.msk $0xffff, v21  }
0x24e: {  	[tilespmem:s23+$0xC860] =	vst.add.f32.msk $0xffff, v22  }
0x24f: {  	[tilespmem:s23+$0xC870] =	vst.add.f32.msk $0xffff, v23  }
0x250: {  	[tilespmem:s23+$0xCC00] =	vst.add.f32.msk $0xffff, v24  }
0x251: {  	[tilespmem:s23+$0xCC10] =	vst.add.f32.msk $0xffff, v25  }
0x252: {  	[tilespmem:s23+$0xCC20] =	vst.add.f32.msk $0xffff, v26  }
0x253: {  	[tilespmem:s23+$0xCC30] =	vst.add.f32.msk $0xffff, v27  }
0x254: {  	[tilespmem:s23+$0xCC40] =	vst.add.f32.msk $0xffff, v28  }
0x255: {  	[tilespmem:s23+$0xCC50] =	vst.add.f32.msk $0xffff, v29  }
0x256: {  	[tilespmem:s23+$0xCC60] =	vst.add.f32.msk $0xffff, v30  }
0x257: {  	[tilespmem:s23+$0xCC70] =	vst.add.f32.msk $0xffff, v31  }
0x258: {  	[tilespmem:s23+$0xD000] =	vst.add.f32.msk $0xffff, v32  }
0x259: {  	[tilespmem:s23+$0xD010] =	vst.add.f32.msk $0xffff, v33  }
0x25a: {  	[tilespmem:s23+$0xD020] =	vst.add.f32.msk $0xffff, v34  }
0x25b: {  	[tilespmem:s23+$0xD030] =	vst.add.f32.msk $0xffff, v35  }
0x25c: {  	[tilespmem:s23+$0xD040] =	vst.add.f32.msk $0xffff, v36  }
0x25d: {  	[tilespmem:s23+$0xD050] =	vst.add.f32.msk $0xffff, v37  }
0x25e: {  	[tilespmem:s23+$0xD060] =	vst.add.f32.msk $0xffff, v38  }
0x25f: {  	[tilespmem:s23+$0xD070] =	vst.add.f32.msk $0xffff, v39  }
0x260: {  	[tilespmem:s23+$0xD400] =	vst.add.f32.msk $0xffff, v40  }
0x261: {  	[tilespmem:s23+$0xD410] =	vst.add.f32.msk $0xffff, v41  }
0x262: {  	[tilespmem:s23+$0xD420] =	vst.add.f32.msk $0xffff, v42  }
0x263: {  	[tilespmem:s23+$0xD430] =	vst.add.f32.msk $0xffff, v43  }
0x264: {  	[tilespmem:s23+$0xD440] =	vst.add.f32.msk $0xffff, v44  }
0x265: {  	[tilespmem:s23+$0xD450] =	vst.add.f32.msk $0xffff, v45  }
0x266: {  	[tilespmem:s23+$0xD460] =	vst.add.f32.msk $0xffff, v46  }
0x267: {  	s29 =	sadd.s32 s3, s22;
	s22 =	simm.s32 $0x0;
	s30 =	simm.s32 $0x0;
	[tilespmem:s23+$0xC040] =	vst.add.f32.msk $0xffff, v0  }
0x268: {  	[hbm4b:s29+s22] =	stream.linear.scatter [tilespmem:s9], [sflag:$0x6], $0x6000, $0x38;
	[tilespmem:$0x18000] =	vst v63  }
0x269: {  	s23 =	smul.u32 $0x1800, s30;
	_ =	swait.ge [sflag:s15], $0x6000  }
0x26a: {  	s31 =	sand.u32 $0x380, s22;
	[sflag:s15] =	ssyncset.done $0x0  }
0x26b: {  	s23 =	sor.u32 s31, s23;
	[sflag:s15] =	ssyncadd.s32 $0xFFFFA000  }
0x26c: {  	v0 =	vld [tilespmem:s23+$0x1470]  }
0x26d: {  	v3 =	vld [tilespmem:s23+$0x0]  }
0x26e: {  	v4 =	vld [tilespmem:s23+$0x10]  }
0x26f: {  	v5 =	vld [tilespmem:s23+$0x20]  }
0x270: {  	v6 =	vld [tilespmem:s23+$0x30]  }
0x271: {  	v7 =	vld [tilespmem:s23+$0x40]  }
0x272: {  	v8 =	vld [tilespmem:s23+$0x50]  }
0x273: {  	v9 =	vld [tilespmem:s23+$0x60]  }
0x274: {  	v10 =	vld [tilespmem:s23+$0x70]  }
0x275: {  	v11 =	vld [tilespmem:s23+$0x400]  }
0x276: {  	v12 =	vld [tilespmem:s23+$0x410]  }
0x277: {  	v13 =	vld [tilespmem:s23+$0x420]  }
0x278: {  	v14 =	vld [tilespmem:s23+$0x430]  }
0x279: {  	v15 =	vld [tilespmem:s23+$0x440]  }
0x27a: {  	v16 =	vld [tilespmem:s23+$0x450]  }
0x27b: {  	v17 =	vld [tilespmem:s23+$0x460]  }
0x27c: {  	v18 =	vld [tilespmem:s23+$0x470]  }
0x27d: {  	v19 =	vld [tilespmem:s23+$0x800]  }
0x27e: {  	v20 =	vld [tilespmem:s23+$0x810]  }
0x27f: {  	v21 =	vld [tilespmem:s23+$0x820]  }
0x280: {  	v22 =	vld [tilespmem:s23+$0x830]  }
0x281: {  	v23 =	vld [tilespmem:s23+$0x840]  }
0x282: {  	v24 =	vld [tilespmem:s23+$0x850]  }
0x283: {  	v25 =	vld [tilespmem:s23+$0x860]  }
0x284: {  	v26 =	vld [tilespmem:s23+$0x870]  }
0x285: {  	v27 =	vld [tilespmem:s23+$0xC00]  }
0x286: {  	v28 =	vld [tilespmem:s23+$0xC10]  }
0x287: {  	v29 =	vld [tilespmem:s23+$0xC20]  }
0x288: {  	v30 =	vld [tilespmem:s23+$0xC30]  }
0x289: {  	v48 =	vld [tilespmem:s23+$0xC40]  }
0x28a: {  	v49 =	vld [tilespmem:s23+$0xC50]  }
0x28b: {  	v50 =	vld [tilespmem:s23+$0xC60]  }
0x28c: {  	v51 =	vld [tilespmem:s23+$0xC70]  }
0x28d: {  	v52 =	vld [tilespmem:s23+$0x1000]  }
0x28e: {  	v53 =	vld [tilespmem:s23+$0x1010]  }
0x28f: {  	v54 =	vld [tilespmem:s23+$0x1020]  }
0x290: {  	v55 =	vld [tilespmem:s23+$0x1030]  }
0x291: {  	v56 =	vld [tilespmem:s23+$0x1040]  }
0x292: {  	v57 =	vld [tilespmem:s23+$0x1050]  }
0x293: {  	v58 =	vld [tilespmem:s23+$0x1060]  }
0x294: {  	v59 =	vld [tilespmem:s23+$0x1070]  }
0x295: {  	v60 =	vld [tilespmem:s23+$0x1400]  }
0x296: {  	v61 =	vld [tilespmem:s23+$0x1410]  }
0x297: {  	v62 =	vld [tilespmem:s23+$0x1420]  }
0x298: {  	v63 =	vld [tilespmem:s23+$0x1430]  }
0x299: {  	v2 =	vld [tilespmem:s23+$0x1440]  }
0x29a: {  	v1 =	vld [tilespmem:s23+$0x1450]  }
0x29b: {  	[tilespmem:s23+$0x13470] =	vst.add.f32.msk $0xffff, v0  }
0x29c: {  	v0 =	vld [tilespmem:s23+$0x1460]  }
0x29d: {  	[tilespmem:s23+$0x12000] =	vst.add.f32.msk $0xffff, v3  }
0x29e: {  	[tilespmem:s23+$0x12010] =	vst.add.f32.msk $0xffff, v4  }
0x29f: {  	[tilespmem:s23+$0x12020] =	vst.add.f32.msk $0xffff, v5  }
0x2a0: {  	[tilespmem:s23+$0x12030] =	vst.add.f32.msk $0xffff, v6  }
0x2a1: {  	[tilespmem:s23+$0x12040] =	vst.add.f32.msk $0xffff, v7  }
0x2a2: {  	[tilespmem:s23+$0x12050] =	vst.add.f32.msk $0xffff, v8  }
0x2a3: {  	[tilespmem:s23+$0x12060] =	vst.add.f32.msk $0xffff, v9  }
0x2a4: {  	[tilespmem:s23+$0x12070] =	vst.add.f32.msk $0xffff, v10  }
0x2a5: {  	[tilespmem:s23+$0x12400] =	vst.add.f32.msk $0xffff, v11  }
0x2a6: {  	[tilespmem:s23+$0x12410] =	vst.add.f32.msk $0xffff, v12  }
0x2a7: {  	[tilespmem:s23+$0x12420] =	vst.add.f32.msk $0xffff, v13  }
0x2a8: {  	[tilespmem:s23+$0x12430] =	vst.add.f32.msk $0xffff, v14  }
0x2a9: {  	[tilespmem:s23+$0x12440] =	vst.add.f32.msk $0xffff, v15  }
0x2aa: {  	[tilespmem:s23+$0x12450] =	vst.add.f32.msk $0xffff, v16  }
0x2ab: {  	[tilespmem:s23+$0x12460] =	vst.add.f32.msk $0xffff, v17  }
0x2ac: {  	[tilespmem:s23+$0x12470] =	vst.add.f32.msk $0xffff, v18  }
0x2ad: {  	[tilespmem:s23+$0x12800] =	vst.add.f32.msk $0xffff, v19  }
0x2ae: {  	[tilespmem:s23+$0x12810] =	vst.add.f32.msk $0xffff, v20  }
0x2af: {  	[tilespmem:s23+$0x12820] =	vst.add.f32.msk $0xffff, v21  }
0x2b0: {  	[tilespmem:s23+$0x12830] =	vst.add.f32.msk $0xffff, v22  }
0x2b1: {  	[tilespmem:s23+$0x12840] =	vst.add.f32.msk $0xffff, v23  }
0x2b2: {  	[tilespmem:s23+$0x12850] =	vst.add.f32.msk $0xffff, v24  }
0x2b3: {  	[tilespmem:s23+$0x12860] =	vst.add.f32.msk $0xffff, v25  }
0x2b4: {  	[tilespmem:s23+$0x12870] =	vst.add.f32.msk $0xffff, v26  }
0x2b5: {  	[tilespmem:s23+$0x12C00] =	vst.add.f32.msk $0xffff, v27  }
0x2b6: {  	[tilespmem:s23+$0x12C10] =	vst.add.f32.msk $0xffff, v28  }
0x2b7: {  	[tilespmem:s23+$0x12C20] =	vst.add.f32.msk $0xffff, v29  }
0x2b8: {  	[tilespmem:s23+$0x12C30] =	vst.add.f32.msk $0xffff, v30  }
0x2b9: {  	[tilespmem:s23+$0x12C40] =	vst.add.f32.msk $0xffff, v48  }
0x2ba: {  	[tilespmem:s23+$0x12C50] =	vst.add.f32.msk $0xffff, v49  }
0x2bb: {  	[tilespmem:s23+$0x12C60] =	vst.add.f32.msk $0xffff, v50  }
0x2bc: {  	[tilespmem:s23+$0x12C70] =	vst.add.f32.msk $0xffff, v51  }
0x2bd: {  	[tilespmem:s23+$0x13000] =	vst.add.f32.msk $0xffff, v52  }
0x2be: {  	[tilespmem:s23+$0x13010] =	vst.add.f32.msk $0xffff, v53  }
0x2bf: {  	[tilespmem:s23+$0x13020] =	vst.add.f32.msk $0xffff, v54  }
0x2c0: {  	[tilespmem:s23+$0x13030] =	vst.add.f32.msk $0xffff, v55  }
0x2c1: {  	[tilespmem:s23+$0x13040] =	vst.add.f32.msk $0xffff, v56  }
0x2c2: {  	[tilespmem:s23+$0x13050] =	vst.add.f32.msk $0xffff, v57  }
0x2c3: {  	[tilespmem:s23+$0x13060] =	vst.add.f32.msk $0xffff, v58  }
0x2c4: {  	[tilespmem:s23+$0x13070] =	vst.add.f32.msk $0xffff, v59  }
0x2c5: {  	[tilespmem:s23+$0x13400] =	vst.add.f32.msk $0xffff, v60  }
0x2c6: {  	[tilespmem:s23+$0x13410] =	vst.add.f32.msk $0xffff, v61  }
0x2c7: {  	[tilespmem:s23+$0x13420] =	vst.add.f32.msk $0xffff, v62  }
0x2c8: {  	s24 =	simm.s32 $0x2;
	s25 =	simm.s32 $0x0;
	[tilespmem:s23+$0x13430] =	vst.add.f32.msk $0xffff, v63  }
.LBB2_7:
0x2c9: {  	p0 =	sne.s32 s24, $0x1F;
	s25 =	smul.u32 $0x1800, s25;
	[tilespmem:s23+$0x13440] =	vst.add.f32.msk $0xffff, v2;
	s22 =	sadd.s32 $0x80, s22  }
0x2ca: {  	s26 =	sand.u32 $0x380, s22;
	[tilespmem:s23+$0x13450] =	vst.add.f32.msk $0xffff, v1  }
0x2cb: {  	[tilespmem:s23+$0x13460] =	vst.add.f32.msk $0xffff, v0;
	s23 =	sor.u32 s26, s25  }
0x2cc: {  	v0 =	vld [tilespmem:s23+$0x1470]  }
0x2cd: {  	v3 =	vld [tilespmem:s23+$0x0]  }
0x2ce: {  	v4 =	vld [tilespmem:s23+$0x10]  }
0x2cf: {  	v5 =	vld [tilespmem:s23+$0x20]  }
0x2d0: {  	v6 =	vld [tilespmem:s23+$0x30]  }
0x2d1: {  	[tilespmem:s23+$0x13470] =	vst.add.f32.msk $0xffff, v0  }
0x2d2: {  	v7 =	vld [tilespmem:s23+$0x40]  }
0x2d3: {  	v8 =	vld [tilespmem:s23+$0x50]  }
0x2d4: {  	v9 =	vld [tilespmem:s23+$0x60]  }
0x2d5: {  	v10 =	vld [tilespmem:s23+$0x70]  }
0x2d6: {  	v11 =	vld [tilespmem:s23+$0x400]  }
0x2d7: {  	v12 =	vld [tilespmem:s23+$0x410]  }
0x2d8: {  	v13 =	vld [tilespmem:s23+$0x420]  }
0x2d9: {  	v14 =	vld [tilespmem:s23+$0x430]  }
0x2da: {  	v15 =	vld [tilespmem:s23+$0x440]  }
0x2db: {  	v16 =	vld [tilespmem:s23+$0x450]  }
0x2dc: {  	v17 =	vld [tilespmem:s23+$0x460]  }
0x2dd: {  	v18 =	vld [tilespmem:s23+$0x470]  }
0x2de: {  	v19 =	vld [tilespmem:s23+$0x800]  }
0x2df: {  	v20 =	vld [tilespmem:s23+$0x810]  }
0x2e0: {  	v21 =	vld [tilespmem:s23+$0x820]  }
0x2e1: {  	v22 =	vld [tilespmem:s23+$0x830]  }
0x2e2: {  	v23 =	vld [tilespmem:s23+$0x840]  }
0x2e3: {  	v24 =	vld [tilespmem:s23+$0x850]  }
0x2e4: {  	v25 =	vld [tilespmem:s23+$0x860]  }
0x2e5: {  	v26 =	vld [tilespmem:s23+$0x870]  }
0x2e6: {  	v27 =	vld [tilespmem:s23+$0xC00]  }
0x2e7: {  	v28 =	vld [tilespmem:s23+$0xC10]  }
0x2e8: {  	v29 =	vld [tilespmem:s23+$0xC20]  }
0x2e9: {  	v30 =	vld [tilespmem:s23+$0xC30]  }
0x2ea: {  	v31 =	vld [tilespmem:s23+$0xC40]  }
0x2eb: {  	v32 =	vld [tilespmem:s23+$0xC50]  }
0x2ec: {  	v33 =	vld [tilespmem:s23+$0xC60]  }
0x2ed: {  	v34 =	vld [tilespmem:s23+$0xC70]  }
0x2ee: {  	v35 =	vld [tilespmem:s23+$0x1000]  }
0x2ef: {  	v36 =	vld [tilespmem:s23+$0x1010]  }
0x2f0: {  	v37 =	vld [tilespmem:s23+$0x1020]  }
0x2f1: {  	v38 =	vld [tilespmem:s23+$0x1030]  }
0x2f2: {  	v39 =	vld [tilespmem:s23+$0x1040]  }
0x2f3: {  	v40 =	vld [tilespmem:s23+$0x1050]  }
0x2f4: {  	v41 =	vld [tilespmem:s23+$0x1060]  }
0x2f5: {  	v42 =	vld [tilespmem:s23+$0x1070]  }
0x2f6: {  	v43 =	vld [tilespmem:s23+$0x1400]  }
0x2f7: {  	v44 =	vld [tilespmem:s23+$0x1410]  }
0x2f8: {  	v45 =	vld [tilespmem:s23+$0x1420]  }
0x2f9: {  	v46 =	vld [tilespmem:s23+$0x1430]  }
0x2fa: {  	v2 =	vld [tilespmem:s23+$0x1440]  }
0x2fb: {  	v1 =	vld [tilespmem:s23+$0x1450]  }
0x2fc: {  	v0 =	vld [tilespmem:s23+$0x1460]  }
0x2fd: {  	[tilespmem:s23+$0x12000] =	vst.add.f32.msk $0xffff, v3  }
0x2fe: {  	[tilespmem:s23+$0x12010] =	vst.add.f32.msk $0xffff, v4  }
0x2ff: {  	[tilespmem:s23+$0x12020] =	vst.add.f32.msk $0xffff, v5  }
0x300: {  	[tilespmem:s23+$0x12030] =	vst.add.f32.msk $0xffff, v6  }
0x301: {  	[tilespmem:s23+$0x12040] =	vst.add.f32.msk $0xffff, v7  }
0x302: {  	[tilespmem:s23+$0x12050] =	vst.add.f32.msk $0xffff, v8  }
0x303: {  	[tilespmem:s23+$0x12060] =	vst.add.f32.msk $0xffff, v9  }
0x304: {  	[tilespmem:s23+$0x12070] =	vst.add.f32.msk $0xffff, v10  }
0x305: {  	[tilespmem:s23+$0x12400] =	vst.add.f32.msk $0xffff, v11  }
0x306: {  	[tilespmem:s23+$0x12410] =	vst.add.f32.msk $0xffff, v12  }
0x307: {  	[tilespmem:s23+$0x12420] =	vst.add.f32.msk $0xffff, v13  }
0x308: {  	[tilespmem:s23+$0x12430] =	vst.add.f32.msk $0xffff, v14  }
0x309: {  	[tilespmem:s23+$0x12440] =	vst.add.f32.msk $0xffff, v15  }
0x30a: {  	[tilespmem:s23+$0x12450] =	vst.add.f32.msk $0xffff, v16  }
0x30b: {  	[tilespmem:s23+$0x12460] =	vst.add.f32.msk $0xffff, v17  }
0x30c: {  	[tilespmem:s23+$0x12470] =	vst.add.f32.msk $0xffff, v18  }
0x30d: {  	[tilespmem:s23+$0x12800] =	vst.add.f32.msk $0xffff, v19  }
0x30e: {  	[tilespmem:s23+$0x12810] =	vst.add.f32.msk $0xffff, v20  }
0x30f: {  	[tilespmem:s23+$0x12820] =	vst.add.f32.msk $0xffff, v21  }
0x310: {  	[tilespmem:s23+$0x12830] =	vst.add.f32.msk $0xffff, v22  }
0x311: {  	[tilespmem:s23+$0x12840] =	vst.add.f32.msk $0xffff, v23  }
0x312: {  	[tilespmem:s23+$0x12850] =	vst.add.f32.msk $0xffff, v24  }
0x313: {  	[tilespmem:s23+$0x12860] =	vst.add.f32.msk $0xffff, v25  }
0x314: {  	[tilespmem:s23+$0x12870] =	vst.add.f32.msk $0xffff, v26  }
0x315: {  	[tilespmem:s23+$0x12C00] =	vst.add.f32.msk $0xffff, v27  }
0x316: {  	[tilespmem:s23+$0x12C10] =	vst.add.f32.msk $0xffff, v28  }
0x317: {  	[tilespmem:s23+$0x12C20] =	vst.add.f32.msk $0xffff, v29  }
0x318: {  	[tilespmem:s23+$0x12C30] =	vst.add.f32.msk $0xffff, v30  }
0x319: {  	[tilespmem:s23+$0x12C40] =	vst.add.f32.msk $0xffff, v31  }
0x31a: {  	[tilespmem:s23+$0x12C50] =	vst.add.f32.msk $0xffff, v32  }
0x31b: {  	[tilespmem:s23+$0x12C60] =	vst.add.f32.msk $0xffff, v33  }
0x31c: {  	[tilespmem:s23+$0x12C70] =	vst.add.f32.msk $0xffff, v34  }
0x31d: {  	[tilespmem:s23+$0x13000] =	vst.add.f32.msk $0xffff, v35  }
0x31e: {  	[tilespmem:s23+$0x13010] =	vst.add.f32.msk $0xffff, v36  }
0x31f: {  	[tilespmem:s23+$0x13020] =	vst.add.f32.msk $0xffff, v37  }
0x320: {  	[tilespmem:s23+$0x13030] =	vst.add.f32.msk $0xffff, v38  }
0x321: {  	[tilespmem:s23+$0x13040] =	vst.add.f32.msk $0xffff, v39  }
0x322: {  	[tilespmem:s23+$0x13050] =	vst.add.f32.msk $0xffff, v40  }
0x323: {  	[tilespmem:s23+$0x13060] =	vst.add.f32.msk $0xffff, v41  }
.Ltmp2:
0x324: {  	[tilespmem:s23+$0x13070] =	vst.add.f32.msk $0xffff, v42;
	(pc) =	sbr.rel @p0 .LBB2_7-.Ltmp2, $4  }
0x325: {  	[tilespmem:s23+$0x13400] =	vst.add.f32.msk $0xffff, v43  }
0x326: {  	[tilespmem:s23+$0x13410] =	vst.add.f32.msk $0xffff, v44  }
0x327: {  	[tilespmem:s23+$0x13420] =	vst.add.f32.msk $0xffff, v45  }
0x328: {  	s25 =	sshrl.u32 s24, $0x3;
	s24 =	sadd.s32 $0x1, s24;
	[tilespmem:s23+$0x13430] =	vst.add.f32.msk $0xffff, v46  }
0x329: {  	s24 =	smul.u32 $0x1800, s25;
	[tilespmem:s23+$0x13440] =	vst.add.f32.msk $0xffff, v2;
	s22 =	sadd.s32 $0x80, s22  }
0x32a: {  	[tilespmem:s23+$0x13450] =	vst.add.f32.msk $0xffff, v1;
	s22 =	sand.u32 $0x380, s22  }
0x32b: {  	[tilespmem:s23+$0x13460] =	vst.add.f32.msk $0xffff, v0;
	s22 =	sor.u32 s22, s24  }
0x32c: {  	v0 =	vld [tilespmem:s22+$0x1470]  }
0x32d: {  	v1 =	vld [tilespmem:s22+$0x0]  }
0x32e: {  	v2 =	vld [tilespmem:s22+$0x10]  }
0x32f: {  	v3 =	vld [tilespmem:s22+$0x20]  }
0x330: {  	v4 =	vld [tilespmem:s22+$0x30]  }
0x331: {  	v5 =	vld [tilespmem:s22+$0x50]  }
0x332: {  	v6 =	vld [tilespmem:s22+$0x60]  }
0x333: {  	v7 =	vld [tilespmem:s22+$0x70]  }
0x334: {  	v8 =	vld [tilespmem:s22+$0x400]  }
0x335: {  	v9 =	vld [tilespmem:s22+$0x410]  }
0x336: {  	v10 =	vld [tilespmem:s22+$0x420]  }
0x337: {  	v11 =	vld [tilespmem:s22+$0x430]  }
0x338: {  	v12 =	vld [tilespmem:s22+$0x440]  }
0x339: {  	v13 =	vld [tilespmem:s22+$0x450]  }
0x33a: {  	v14 =	vld [tilespmem:s22+$0x460]  }
0x33b: {  	v15 =	vld [tilespmem:s22+$0x470]  }
0x33c: {  	v16 =	vld [tilespmem:s22+$0x800]  }
0x33d: {  	v17 =	vld [tilespmem:s22+$0x810]  }
0x33e: {  	v18 =	vld [tilespmem:s22+$0x820]  }
0x33f: {  	v19 =	vld [tilespmem:s22+$0x830]  }
0x340: {  	v20 =	vld [tilespmem:s22+$0x840]  }
0x341: {  	v21 =	vld [tilespmem:s22+$0x850]  }
0x342: {  	v22 =	vld [tilespmem:s22+$0x860]  }
0x343: {  	v23 =	vld [tilespmem:s22+$0x870]  }
0x344: {  	v24 =	vld [tilespmem:s22+$0xC00]  }
0x345: {  	v25 =	vld [tilespmem:s22+$0xC10]  }
0x346: {  	v26 =	vld [tilespmem:s22+$0xC20]  }
0x347: {  	v27 =	vld [tilespmem:s22+$0xC30]  }
0x348: {  	v28 =	vld [tilespmem:s22+$0xC40]  }
0x349: {  	v29 =	vld [tilespmem:s22+$0xC50]  }
0x34a: {  	v30 =	vld [tilespmem:s22+$0xC60]  }
0x34b: {  	v31 =	vld [tilespmem:s22+$0xC70]  }
0x34c: {  	v32 =	vld [tilespmem:s22+$0x1000]  }
0x34d: {  	v33 =	vld [tilespmem:s22+$0x1010]  }
0x34e: {  	v34 =	vld [tilespmem:s22+$0x1020]  }
0x34f: {  	v35 =	vld [tilespmem:s22+$0x1030]  }
0x350: {  	v36 =	vld [tilespmem:s22+$0x1040]  }
0x351: {  	v37 =	vld [tilespmem:s22+$0x1050]  }
0x352: {  	v38 =	vld [tilespmem:s22+$0x1060]  }
0x353: {  	v39 =	vld [tilespmem:s22+$0x1070]  }
0x354: {  	v40 =	vld [tilespmem:s22+$0x1400]  }
0x355: {  	v41 =	vld [tilespmem:s22+$0x1410]  }
0x356: {  	v42 =	vld [tilespmem:s22+$0x1420]  }
0x357: {  	v43 =	vld [tilespmem:s22+$0x1430]  }
0x358: {  	v44 =	vld [tilespmem:s22+$0x1440]  }
0x359: {  	v45 =	vld [tilespmem:s22+$0x1450]  }
0x35a: {  	v46 =	vld [tilespmem:s22+$0x1460]  }
0x35b: {  	[tilespmem:s22+$0x13470] =	vst.add.f32.msk $0xffff, v0  }
0x35c: {  	v0 =	vld [tilespmem:s22+$0x40]  }
0x35d: {  	[tilespmem:s22+$0x12000] =	vst.add.f32.msk $0xffff, v1  }
0x35e: {  	[tilespmem:s22+$0x12010] =	vst.add.f32.msk $0xffff, v2  }
0x35f: {  	[tilespmem:s22+$0x12020] =	vst.add.f32.msk $0xffff, v3  }
0x360: {  	[tilespmem:s22+$0x12030] =	vst.add.f32.msk $0xffff, v4  }
0x361: {  	[tilespmem:s22+$0x12050] =	vst.add.f32.msk $0xffff, v5  }
0x362: {  	[tilespmem:s22+$0x12060] =	vst.add.f32.msk $0xffff, v6  }
0x363: {  	[tilespmem:s22+$0x12070] =	vst.add.f32.msk $0xffff, v7  }
0x364: {  	[tilespmem:s22+$0x12400] =	vst.add.f32.msk $0xffff, v8  }
0x365: {  	[tilespmem:s22+$0x12410] =	vst.add.f32.msk $0xffff, v9  }
0x366: {  	[tilespmem:s22+$0x12420] =	vst.add.f32.msk $0xffff, v10  }
0x367: {  	[tilespmem:s22+$0x12430] =	vst.add.f32.msk $0xffff, v11  }
0x368: {  	[tilespmem:s22+$0x12440] =	vst.add.f32.msk $0xffff, v12  }
0x369: {  	[tilespmem:s22+$0x12450] =	vst.add.f32.msk $0xffff, v13  }
0x36a: {  	[tilespmem:s22+$0x12460] =	vst.add.f32.msk $0xffff, v14  }
0x36b: {  	[tilespmem:s22+$0x12470] =	vst.add.f32.msk $0xffff, v15  }
0x36c: {  	[tilespmem:s22+$0x12800] =	vst.add.f32.msk $0xffff, v16  }
0x36d: {  	[tilespmem:s22+$0x12810] =	vst.add.f32.msk $0xffff, v17  }
0x36e: {  	[tilespmem:s22+$0x12820] =	vst.add.f32.msk $0xffff, v18  }
0x36f: {  	[tilespmem:s22+$0x12830] =	vst.add.f32.msk $0xffff, v19  }
0x370: {  	[tilespmem:s22+$0x12840] =	vst.add.f32.msk $0xffff, v20  }
0x371: {  	[tilespmem:s22+$0x12850] =	vst.add.f32.msk $0xffff, v21  }
0x372: {  	[tilespmem:s22+$0x12860] =	vst.add.f32.msk $0xffff, v22  }
0x373: {  	[tilespmem:s22+$0x12870] =	vst.add.f32.msk $0xffff, v23  }
0x374: {  	[tilespmem:s22+$0x12C00] =	vst.add.f32.msk $0xffff, v24  }
0x375: {  	[tilespmem:s22+$0x12C10] =	vst.add.f32.msk $0xffff, v25  }
0x376: {  	[tilespmem:s22+$0x12C20] =	vst.add.f32.msk $0xffff, v26  }
0x377: {  	[tilespmem:s22+$0x12C30] =	vst.add.f32.msk $0xffff, v27  }
0x378: {  	[tilespmem:s22+$0x12C40] =	vst.add.f32.msk $0xffff, v28  }
0x379: {  	[tilespmem:s22+$0x12C50] =	vst.add.f32.msk $0xffff, v29  }
0x37a: {  	[tilespmem:s22+$0x12C60] =	vst.add.f32.msk $0xffff, v30  }
0x37b: {  	[tilespmem:s22+$0x12C70] =	vst.add.f32.msk $0xffff, v31  }
0x37c: {  	[tilespmem:s22+$0x13000] =	vst.add.f32.msk $0xffff, v32  }
0x37d: {  	[tilespmem:s22+$0x13010] =	vst.add.f32.msk $0xffff, v33  }
0x37e: {  	[tilespmem:s22+$0x13020] =	vst.add.f32.msk $0xffff, v34  }
0x37f: {  	[tilespmem:s22+$0x13030] =	vst.add.f32.msk $0xffff, v35  }
0x380: {  	[tilespmem:s22+$0x13040] =	vst.add.f32.msk $0xffff, v36  }
0x381: {  	[tilespmem:s22+$0x13050] =	vst.add.f32.msk $0xffff, v37  }
0x382: {  	[tilespmem:s22+$0x13060] =	vst.add.f32.msk $0xffff, v38  }
0x383: {  	[tilespmem:s22+$0x13070] =	vst.add.f32.msk $0xffff, v39  }
0x384: {  	[tilespmem:s22+$0x13400] =	vst.add.f32.msk $0xffff, v40  }
0x385: {  	[tilespmem:s22+$0x13410] =	vst.add.f32.msk $0xffff, v41  }
0x386: {  	[tilespmem:s22+$0x13420] =	vst.add.f32.msk $0xffff, v42  }
0x387: {  	[tilespmem:s22+$0x13430] =	vst.add.f32.msk $0xffff, v43  }
0x388: {  	[tilespmem:s22+$0x13440] =	vst.add.f32.msk $0xffff, v44  }
0x389: {  	[tilespmem:s22+$0x13450] =	vst.add.f32.msk $0xffff, v45  }
0x38a: {  	[tilespmem:s22+$0x13460] =	vst.add.f32.msk $0xffff, v46  }
0x38b: {  	s29 =	sadd.s32 s3, s20;
	s20 =	simm.s32 $0x0;
	s30 =	simm.s32 $0x0;
	[tilespmem:s22+$0x12040] =	vst.add.f32.msk $0xffff, v0  }
0x38c: {  	[hbm4b:s29+s20] =	stream.linear.scatter [tilespmem:s12], [sflag:$0x7], $0x6000, $0x38;
	[tilespmem:$0x18000] =	vst v63  }
0x38d: {  	s22 =	smul.u32 $0x1800, s30;
	_ =	swait.ge [sflag:s11], $0x6000  }
0x38e: {  	s31 =	sand.u32 $0x380, s20;
	[sflag:s11] =	ssyncset.done $0x0  }
0x38f: {  	s22 =	sor.u32 s31, s22;
	[sflag:s11] =	ssyncadd.s32 $0xFFFFA000  }
0x390: {  	v0 =	vld [tilespmem:s22+$0x1470]  }
0x391: {  	v3 =	vld [tilespmem:s22+$0x0]  }
0x392: {  	v4 =	vld [tilespmem:s22+$0x10]  }
0x393: {  	v5 =	vld [tilespmem:s22+$0x20]  }
0x394: {  	v6 =	vld [tilespmem:s22+$0x30]  }
0x395: {  	v7 =	vld [tilespmem:s22+$0x40]  }
0x396: {  	v8 =	vld [tilespmem:s22+$0x50]  }
0x397: {  	v9 =	vld [tilespmem:s22+$0x60]  }
0x398: {  	v10 =	vld [tilespmem:s22+$0x70]  }
0x399: {  	v11 =	vld [tilespmem:s22+$0x400]  }
0x39a: {  	v12 =	vld [tilespmem:s22+$0x410]  }
0x39b: {  	v13 =	vld [tilespmem:s22+$0x420]  }
0x39c: {  	v14 =	vld [tilespmem:s22+$0x430]  }
0x39d: {  	v15 =	vld [tilespmem:s22+$0x440]  }
0x39e: {  	v16 =	vld [tilespmem:s22+$0x450]  }
0x39f: {  	v17 =	vld [tilespmem:s22+$0x460]  }
0x3a0: {  	v18 =	vld [tilespmem:s22+$0x470]  }
0x3a1: {  	v19 =	vld [tilespmem:s22+$0x800]  }
0x3a2: {  	v20 =	vld [tilespmem:s22+$0x810]  }
0x3a3: {  	v21 =	vld [tilespmem:s22+$0x820]  }
0x3a4: {  	v22 =	vld [tilespmem:s22+$0x830]  }
0x3a5: {  	v23 =	vld [tilespmem:s22+$0x840]  }
0x3a6: {  	v24 =	vld [tilespmem:s22+$0x850]  }
0x3a7: {  	v25 =	vld [tilespmem:s22+$0x860]  }
0x3a8: {  	v26 =	vld [tilespmem:s22+$0x870]  }
0x3a9: {  	v27 =	vld [tilespmem:s22+$0xC00]  }
0x3aa: {  	v28 =	vld [tilespmem:s22+$0xC10]  }
0x3ab: {  	v29 =	vld [tilespmem:s22+$0xC20]  }
0x3ac: {  	v30 =	vld [tilespmem:s22+$0xC30]  }
0x3ad: {  	v48 =	vld [tilespmem:s22+$0xC40]  }
0x3ae: {  	v49 =	vld [tilespmem:s22+$0xC50]  }
0x3af: {  	v50 =	vld [tilespmem:s22+$0xC60]  }
0x3b0: {  	v51 =	vld [tilespmem:s22+$0xC70]  }
0x3b1: {  	v52 =	vld [tilespmem:s22+$0x1000]  }
0x3b2: {  	v53 =	vld [tilespmem:s22+$0x1010]  }
0x3b3: {  	v54 =	vld [tilespmem:s22+$0x1020]  }
0x3b4: {  	v55 =	vld [tilespmem:s22+$0x1030]  }
0x3b5: {  	v56 =	vld [tilespmem:s22+$0x1040]  }
0x3b6: {  	v57 =	vld [tilespmem:s22+$0x1050]  }
0x3b7: {  	v58 =	vld [tilespmem:s22+$0x1060]  }
0x3b8: {  	v59 =	vld [tilespmem:s22+$0x1070]  }
0x3b9: {  	v60 =	vld [tilespmem:s22+$0x1400]  }
0x3ba: {  	v61 =	vld [tilespmem:s22+$0x1410]  }
0x3bb: {  	v62 =	vld [tilespmem:s22+$0x1420]  }
0x3bc: {  	v63 =	vld [tilespmem:s22+$0x1430]  }
0x3bd: {  	v2 =	vld [tilespmem:s22+$0x1440]  }
0x3be: {  	v1 =	vld [tilespmem:s22+$0x1450]  }
0x3bf: {  	[tilespmem:s22+$0x7470] =	vst.add.f32.msk $0xffff, v0  }
0x3c0: {  	v0 =	vld [tilespmem:s22+$0x1460]  }
0x3c1: {  	[tilespmem:s22+$0x6000] =	vst.add.f32.msk $0xffff, v3  }
0x3c2: {  	[tilespmem:s22+$0x6010] =	vst.add.f32.msk $0xffff, v4  }
0x3c3: {  	[tilespmem:s22+$0x6020] =	vst.add.f32.msk $0xffff, v5  }
0x3c4: {  	[tilespmem:s22+$0x6030] =	vst.add.f32.msk $0xffff, v6  }
0x3c5: {  	[tilespmem:s22+$0x6040] =	vst.add.f32.msk $0xffff, v7  }
0x3c6: {  	[tilespmem:s22+$0x6050] =	vst.add.f32.msk $0xffff, v8  }
0x3c7: {  	[tilespmem:s22+$0x6060] =	vst.add.f32.msk $0xffff, v9  }
0x3c8: {  	[tilespmem:s22+$0x6070] =	vst.add.f32.msk $0xffff, v10  }
0x3c9: {  	[tilespmem:s22+$0x6400] =	vst.add.f32.msk $0xffff, v11  }
0x3ca: {  	[tilespmem:s22+$0x6410] =	vst.add.f32.msk $0xffff, v12  }
0x3cb: {  	[tilespmem:s22+$0x6420] =	vst.add.f32.msk $0xffff, v13  }
0x3cc: {  	[tilespmem:s22+$0x6430] =	vst.add.f32.msk $0xffff, v14  }
0x3cd: {  	[tilespmem:s22+$0x6440] =	vst.add.f32.msk $0xffff, v15  }
0x3ce: {  	[tilespmem:s22+$0x6450] =	vst.add.f32.msk $0xffff, v16  }
0x3cf: {  	[tilespmem:s22+$0x6460] =	vst.add.f32.msk $0xffff, v17  }
0x3d0: {  	[tilespmem:s22+$0x6470] =	vst.add.f32.msk $0xffff, v18  }
0x3d1: {  	[tilespmem:s22+$0x6800] =	vst.add.f32.msk $0xffff, v19  }
0x3d2: {  	[tilespmem:s22+$0x6810] =	vst.add.f32.msk $0xffff, v20  }
0x3d3: {  	[tilespmem:s22+$0x6820] =	vst.add.f32.msk $0xffff, v21  }
0x3d4: {  	[tilespmem:s22+$0x6830] =	vst.add.f32.msk $0xffff, v22  }
0x3d5: {  	[tilespmem:s22+$0x6840] =	vst.add.f32.msk $0xffff, v23  }
0x3d6: {  	[tilespmem:s22+$0x6850] =	vst.add.f32.msk $0xffff, v24  }
0x3d7: {  	[tilespmem:s22+$0x6860] =	vst.add.f32.msk $0xffff, v25  }
0x3d8: {  	[tilespmem:s22+$0x6870] =	vst.add.f32.msk $0xffff, v26  }
0x3d9: {  	[tilespmem:s22+$0x6C00] =	vst.add.f32.msk $0xffff, v27  }
0x3da: {  	[tilespmem:s22+$0x6C10] =	vst.add.f32.msk $0xffff, v28  }
0x3db: {  	[tilespmem:s22+$0x6C20] =	vst.add.f32.msk $0xffff, v29  }
0x3dc: {  	[tilespmem:s22+$0x6C30] =	vst.add.f32.msk $0xffff, v30  }
0x3dd: {  	[tilespmem:s22+$0x6C40] =	vst.add.f32.msk $0xffff, v48  }
0x3de: {  	[tilespmem:s22+$0x6C50] =	vst.add.f32.msk $0xffff, v49  }
0x3df: {  	[tilespmem:s22+$0x6C60] =	vst.add.f32.msk $0xffff, v50  }
0x3e0: {  	[tilespmem:s22+$0x6C70] =	vst.add.f32.msk $0xffff, v51  }
0x3e1: {  	[tilespmem:s22+$0x7000] =	vst.add.f32.msk $0xffff, v52  }
0x3e2: {  	[tilespmem:s22+$0x7010] =	vst.add.f32.msk $0xffff, v53  }
0x3e3: {  	[tilespmem:s22+$0x7020] =	vst.add.f32.msk $0xffff, v54  }
0x3e4: {  	[tilespmem:s22+$0x7030] =	vst.add.f32.msk $0xffff, v55  }
0x3e5: {  	[tilespmem:s22+$0x7040] =	vst.add.f32.msk $0xffff, v56  }
0x3e6: {  	[tilespmem:s22+$0x7050] =	vst.add.f32.msk $0xffff, v57  }
0x3e7: {  	[tilespmem:s22+$0x7060] =	vst.add.f32.msk $0xffff, v58  }
0x3e8: {  	[tilespmem:s22+$0x7070] =	vst.add.f32.msk $0xffff, v59  }
0x3e9: {  	[tilespmem:s22+$0x7400] =	vst.add.f32.msk $0xffff, v60  }
0x3ea: {  	[tilespmem:s22+$0x7410] =	vst.add.f32.msk $0xffff, v61  }
0x3eb: {  	[tilespmem:s22+$0x7420] =	vst.add.f32.msk $0xffff, v62  }
0x3ec: {  	s23 =	simm.s32 $0x2;
	s24 =	simm.s32 $0x0;
	[tilespmem:s22+$0x7430] =	vst.add.f32.msk $0xffff, v63  }
.LBB2_9:
0x3ed: {  	p0 =	sne.s32 s23, $0x1F;
	s24 =	smul.u32 $0x1800, s24;
	[tilespmem:s22+$0x7440] =	vst.add.f32.msk $0xffff, v2;
	s20 =	sadd.s32 $0x80, s20  }
0x3ee: {  	s25 =	sand.u32 $0x380, s20;
	[tilespmem:s22+$0x7450] =	vst.add.f32.msk $0xffff, v1  }
0x3ef: {  	[tilespmem:s22+$0x7460] =	vst.add.f32.msk $0xffff, v0;
	s22 =	sor.u32 s25, s24  }
0x3f0: {  	v0 =	vld [tilespmem:s22+$0x1470]  }
0x3f1: {  	v3 =	vld [tilespmem:s22+$0x0]  }
0x3f2: {  	v4 =	vld [tilespmem:s22+$0x10]  }
0x3f3: {  	v5 =	vld [tilespmem:s22+$0x20]  }
0x3f4: {  	v6 =	vld [tilespmem:s22+$0x30]  }
0x3f5: {  	[tilespmem:s22+$0x7470] =	vst.add.f32.msk $0xffff, v0  }
0x3f6: {  	v7 =	vld [tilespmem:s22+$0x40]  }
0x3f7: {  	v8 =	vld [tilespmem:s22+$0x50]  }
0x3f8: {  	v9 =	vld [tilespmem:s22+$0x60]  }
0x3f9: {  	v10 =	vld [tilespmem:s22+$0x70]  }
0x3fa: {  	v11 =	vld [tilespmem:s22+$0x400]  }
0x3fb: {  	v12 =	vld [tilespmem:s22+$0x410]  }
0x3fc: {  	v13 =	vld [tilespmem:s22+$0x420]  }
0x3fd: {  	v14 =	vld [tilespmem:s22+$0x430]  }
0x3fe: {  	v15 =	vld [tilespmem:s22+$0x440]  }
0x3ff: {  	v16 =	vld [tilespmem:s22+$0x450]  }
0x400: {  	v17 =	vld [tilespmem:s22+$0x460]  }
0x401: {  	v18 =	vld [tilespmem:s22+$0x470]  }
0x402: {  	v19 =	vld [tilespmem:s22+$0x800]  }
0x403: {  	v20 =	vld [tilespmem:s22+$0x810]  }
0x404: {  	v21 =	vld [tilespmem:s22+$0x820]  }
0x405: {  	v22 =	vld [tilespmem:s22+$0x830]  }
0x406: {  	v23 =	vld [tilespmem:s22+$0x840]  }
0x407: {  	v24 =	vld [tilespmem:s22+$0x850]  }
0x408: {  	v25 =	vld [tilespmem:s22+$0x860]  }
0x409: {  	v26 =	vld [tilespmem:s22+$0x870]  }
0x40a: {  	v27 =	vld [tilespmem:s22+$0xC00]  }
0x40b: {  	v28 =	vld [tilespmem:s22+$0xC10]  }
0x40c: {  	v29 =	vld [tilespmem:s22+$0xC20]  }
0x40d: {  	v30 =	vld [tilespmem:s22+$0xC30]  }
0x40e: {  	v31 =	vld [tilespmem:s22+$0xC40]  }
0x40f: {  	v32 =	vld [tilespmem:s22+$0xC50]  }
0x410: {  	v33 =	vld [tilespmem:s22+$0xC60]  }
0x411: {  	v34 =	vld [tilespmem:s22+$0xC70]  }
0x412: {  	v35 =	vld [tilespmem:s22+$0x1000]  }
0x413: {  	v36 =	vld [tilespmem:s22+$0x1010]  }
0x414: {  	v37 =	vld [tilespmem:s22+$0x1020]  }
0x415: {  	v38 =	vld [tilespmem:s22+$0x1030]  }
0x416: {  	v39 =	vld [tilespmem:s22+$0x1040]  }
0x417: {  	v40 =	vld [tilespmem:s22+$0x1050]  }
0x418: {  	v41 =	vld [tilespmem:s22+$0x1060]  }
0x419: {  	v42 =	vld [tilespmem:s22+$0x1070]  }
0x41a: {  	v43 =	vld [tilespmem:s22+$0x1400]  }
0x41b: {  	v44 =	vld [tilespmem:s22+$0x1410]  }
0x41c: {  	v45 =	vld [tilespmem:s22+$0x1420]  }
0x41d: {  	v46 =	vld [tilespmem:s22+$0x1430]  }
0x41e: {  	v2 =	vld [tilespmem:s22+$0x1440]  }
0x41f: {  	v1 =	vld [tilespmem:s22+$0x1450]  }
0x420: {  	v0 =	vld [tilespmem:s22+$0x1460]  }
0x421: {  	[tilespmem:s22+$0x6000] =	vst.add.f32.msk $0xffff, v3  }
0x422: {  	[tilespmem:s22+$0x6010] =	vst.add.f32.msk $0xffff, v4  }
0x423: {  	[tilespmem:s22+$0x6020] =	vst.add.f32.msk $0xffff, v5  }
0x424: {  	[tilespmem:s22+$0x6030] =	vst.add.f32.msk $0xffff, v6  }
0x425: {  	[tilespmem:s22+$0x6040] =	vst.add.f32.msk $0xffff, v7  }
0x426: {  	[tilespmem:s22+$0x6050] =	vst.add.f32.msk $0xffff, v8  }
0x427: {  	[tilespmem:s22+$0x6060] =	vst.add.f32.msk $0xffff, v9  }
0x428: {  	[tilespmem:s22+$0x6070] =	vst.add.f32.msk $0xffff, v10  }
0x429: {  	[tilespmem:s22+$0x6400] =	vst.add.f32.msk $0xffff, v11  }
0x42a: {  	[tilespmem:s22+$0x6410] =	vst.add.f32.msk $0xffff, v12  }
0x42b: {  	[tilespmem:s22+$0x6420] =	vst.add.f32.msk $0xffff, v13  }
0x42c: {  	[tilespmem:s22+$0x6430] =	vst.add.f32.msk $0xffff, v14  }
0x42d: {  	[tilespmem:s22+$0x6440] =	vst.add.f32.msk $0xffff, v15  }
0x42e: {  	[tilespmem:s22+$0x6450] =	vst.add.f32.msk $0xffff, v16  }
0x42f: {  	[tilespmem:s22+$0x6460] =	vst.add.f32.msk $0xffff, v17  }
0x430: {  	[tilespmem:s22+$0x6470] =	vst.add.f32.msk $0xffff, v18  }
0x431: {  	[tilespmem:s22+$0x6800] =	vst.add.f32.msk $0xffff, v19  }
0x432: {  	[tilespmem:s22+$0x6810] =	vst.add.f32.msk $0xffff, v20  }
0x433: {  	[tilespmem:s22+$0x6820] =	vst.add.f32.msk $0xffff, v21  }
0x434: {  	[tilespmem:s22+$0x6830] =	vst.add.f32.msk $0xffff, v22  }
0x435: {  	[tilespmem:s22+$0x6840] =	vst.add.f32.msk $0xffff, v23  }
0x436: {  	[tilespmem:s22+$0x6850] =	vst.add.f32.msk $0xffff, v24  }
0x437: {  	[tilespmem:s22+$0x6860] =	vst.add.f32.msk $0xffff, v25  }
0x438: {  	[tilespmem:s22+$0x6870] =	vst.add.f32.msk $0xffff, v26  }
0x439: {  	[tilespmem:s22+$0x6C00] =	vst.add.f32.msk $0xffff, v27  }
0x43a: {  	[tilespmem:s22+$0x6C10] =	vst.add.f32.msk $0xffff, v28  }
0x43b: {  	[tilespmem:s22+$0x6C20] =	vst.add.f32.msk $0xffff, v29  }
0x43c: {  	[tilespmem:s22+$0x6C30] =	vst.add.f32.msk $0xffff, v30  }
0x43d: {  	[tilespmem:s22+$0x6C40] =	vst.add.f32.msk $0xffff, v31  }
0x43e: {  	[tilespmem:s22+$0x6C50] =	vst.add.f32.msk $0xffff, v32  }
0x43f: {  	[tilespmem:s22+$0x6C60] =	vst.add.f32.msk $0xffff, v33  }
0x440: {  	[tilespmem:s22+$0x6C70] =	vst.add.f32.msk $0xffff, v34  }
0x441: {  	[tilespmem:s22+$0x7000] =	vst.add.f32.msk $0xffff, v35  }
0x442: {  	[tilespmem:s22+$0x7010] =	vst.add.f32.msk $0xffff, v36  }
0x443: {  	[tilespmem:s22+$0x7020] =	vst.add.f32.msk $0xffff, v37  }
0x444: {  	[tilespmem:s22+$0x7030] =	vst.add.f32.msk $0xffff, v38  }
0x445: {  	[tilespmem:s22+$0x7040] =	vst.add.f32.msk $0xffff, v39  }
0x446: {  	[tilespmem:s22+$0x7050] =	vst.add.f32.msk $0xffff, v40  }
0x447: {  	[tilespmem:s22+$0x7060] =	vst.add.f32.msk $0xffff, v41  }
.Ltmp3:
0x448: {  	[tilespmem:s22+$0x7070] =	vst.add.f32.msk $0xffff, v42;
	(pc) =	sbr.rel @p0 .LBB2_9-.Ltmp3, $4  }
0x449: {  	[tilespmem:s22+$0x7400] =	vst.add.f32.msk $0xffff, v43  }
0x44a: {  	[tilespmem:s22+$0x7410] =	vst.add.f32.msk $0xffff, v44  }
0x44b: {  	[tilespmem:s22+$0x7420] =	vst.add.f32.msk $0xffff, v45  }
0x44c: {  	s24 =	sshrl.u32 s23, $0x3;
	s23 =	sadd.s32 $0x1, s23;
	[tilespmem:s22+$0x7430] =	vst.add.f32.msk $0xffff, v46  }
0x44d: {  	s23 =	smul.u32 $0x1800, s24;
	[tilespmem:s22+$0x7440] =	vst.add.f32.msk $0xffff, v2;
	s20 =	sadd.s32 $0x80, s20  }
0x44e: {  	[tilespmem:s22+$0x7450] =	vst.add.f32.msk $0xffff, v1;
	s20 =	sand.u32 $0x380, s20  }
0x44f: {  	[tilespmem:s22+$0x7460] =	vst.add.f32.msk $0xffff, v0;
	s20 =	sor.u32 s20, s23  }
0x450: {  	v60 =	vld [tilespmem:s20+$0x1470]  }
0x451: {  	v61 =	vld [tilespmem:s20+$0x0]  }
0x452: {  	v62 =	vld [tilespmem:s20+$0x10]  }
0x453: {  	v3 =	vld [tilespmem:s20+$0x20]  }
0x454: {  	v4 =	vld [tilespmem:s20+$0x30]  }
0x455: {  	v63 =	vld [tilespmem:s20+$0x40]  }
0x456: {  	v5 =	vld [tilespmem:s20+$0x50]  }
0x457: {  	v6 =	vld [tilespmem:s20+$0x60]  }
0x458: {  	v7 =	vld [tilespmem:s20+$0x70]  }
0x459: {  	v8 =	vld [tilespmem:s20+$0x400]  }
0x45a: {  	v9 =	vld [tilespmem:s20+$0x410]  }
0x45b: {  	v10 =	vld [tilespmem:s20+$0x420]  }
0x45c: {  	v11 =	vld [tilespmem:s20+$0x430]  }
0x45d: {  	v12 =	vld [tilespmem:s20+$0x440]  }
0x45e: {  	v13 =	vld [tilespmem:s20+$0x450]  }
0x45f: {  	v14 =	vld [tilespmem:s20+$0x460]  }
0x460: {  	v15 =	vld [tilespmem:s20+$0x470]  }
0x461: {  	v16 =	vld [tilespmem:s20+$0x800]  }
0x462: {  	v17 =	vld [tilespmem:s20+$0x810]  }
0x463: {  	v18 =	vld [tilespmem:s20+$0x820]  }
0x464: {  	v19 =	vld [tilespmem:s20+$0x830]  }
0x465: {  	v20 =	vld [tilespmem:s20+$0x840]  }
0x466: {  	v21 =	vld [tilespmem:s20+$0x850]  }
0x467: {  	v22 =	vld [tilespmem:s20+$0x860]  }
0x468: {  	v23 =	vld [tilespmem:s20+$0x870]  }
0x469: {  	v24 =	vld [tilespmem:s20+$0xC00]  }
0x46a: {  	v25 =	vld [tilespmem:s20+$0xC10]  }
0x46b: {  	v26 =	vld [tilespmem:s20+$0xC20]  }
0x46c: {  	v27 =	vld [tilespmem:s20+$0xC30]  }
0x46d: {  	v28 =	vld [tilespmem:s20+$0xC40]  }
0x46e: {  	v29 =	vld [tilespmem:s20+$0xC50]  }
0x46f: {  	v30 =	vld [tilespmem:s20+$0xC60]  }
0x470: {  	v31 =	vld [tilespmem:s20+$0xC70]  }
0x471: {  	v32 =	vld [tilespmem:s20+$0x1000]  }
0x472: {  	v33 =	vld [tilespmem:s20+$0x1010]  }
0x473: {  	v34 =	vld [tilespmem:s20+$0x1020]  }
0x474: {  	v35 =	vld [tilespmem:s20+$0x1030]  }
0x475: {  	v36 =	vld [tilespmem:s20+$0x1040]  }
0x476: {  	v37 =	vld [tilespmem:s20+$0x1050]  }
0x477: {  	v38 =	vld [tilespmem:s20+$0x1060]  }
0x478: {  	v39 =	vld [tilespmem:s20+$0x1070]  }
0x479: {  	v40 =	vld [tilespmem:s20+$0x1400]  }
0x47a: {  	v41 =	vld [tilespmem:s20+$0x1410]  }
0x47b: {  	v42 =	vld [tilespmem:s20+$0x1420]  }
0x47c: {  	v43 =	vld [tilespmem:s20+$0x1430]  }
0x47d: {  	v44 =	vld [tilespmem:s20+$0x1440]  }
0x47e: {  	v45 =	vld [tilespmem:s20+$0x1450]  }
0x47f: {  	v46 =	vld [tilespmem:s20+$0x1460]  }
0x480: {  	[tilespmem:s20+$0x7470] =	vst.add.f32.msk $0xffff, v60  }
0x481: {  	[tilespmem:s20+$0x6000] =	vst.add.f32.msk $0xffff, v61  }
0x482: {  	[tilespmem:s20+$0x6010] =	vst.add.f32.msk $0xffff, v62  }
0x483: {  	[tilespmem:s20+$0x6020] =	vst.add.f32.msk $0xffff, v3  }
0x484: {  	[tilespmem:s20+$0x6030] =	vst.add.f32.msk $0xffff, v4  }
0x485: {  	[tilespmem:s20+$0x6040] =	vst.add.f32.msk $0xffff, v63  }
0x486: {  	[tilespmem:s20+$0x6050] =	vst.add.f32.msk $0xffff, v5  }
0x487: {  	[tilespmem:s20+$0x6060] =	vst.add.f32.msk $0xffff, v6  }
0x488: {  	[tilespmem:s20+$0x6070] =	vst.add.f32.msk $0xffff, v7  }
0x489: {  	[tilespmem:s20+$0x6400] =	vst.add.f32.msk $0xffff, v8  }
0x48a: {  	[tilespmem:s20+$0x6410] =	vst.add.f32.msk $0xffff, v9  }
0x48b: {  	[tilespmem:s20+$0x6420] =	vst.add.f32.msk $0xffff, v10  }
0x48c: {  	[tilespmem:s20+$0x6430] =	vst.add.f32.msk $0xffff, v11  }
0x48d: {  	[tilespmem:s20+$0x6440] =	vst.add.f32.msk $0xffff, v12  }
0x48e: {  	[tilespmem:s20+$0x6450] =	vst.add.f32.msk $0xffff, v13  }
0x48f: {  	[tilespmem:s20+$0x6460] =	vst.add.f32.msk $0xffff, v14  }
0x490: {  	[tilespmem:s20+$0x6470] =	vst.add.f32.msk $0xffff, v15  }
0x491: {  	[tilespmem:s20+$0x6800] =	vst.add.f32.msk $0xffff, v16  }
0x492: {  	[tilespmem:s20+$0x6810] =	vst.add.f32.msk $0xffff, v17  }
0x493: {  	[tilespmem:s20+$0x6820] =	vst.add.f32.msk $0xffff, v18  }
0x494: {  	[tilespmem:s20+$0x6830] =	vst.add.f32.msk $0xffff, v19  }
0x495: {  	[tilespmem:s20+$0x6840] =	vst.add.f32.msk $0xffff, v20  }
0x496: {  	[tilespmem:s20+$0x6850] =	vst.add.f32.msk $0xffff, v21  }
0x497: {  	[tilespmem:s20+$0x6860] =	vst.add.f32.msk $0xffff, v22  }
0x498: {  	[tilespmem:s20+$0x6870] =	vst.add.f32.msk $0xffff, v23  }
0x499: {  	[tilespmem:s20+$0x6C00] =	vst.add.f32.msk $0xffff, v24  }
0x49a: {  	[tilespmem:s20+$0x6C10] =	vst.add.f32.msk $0xffff, v25  }
0x49b: {  	[tilespmem:s20+$0x6C20] =	vst.add.f32.msk $0xffff, v26  }
0x49c: {  	[tilespmem:s20+$0x6C30] =	vst.add.f32.msk $0xffff, v27  }
0x49d: {  	[tilespmem:s20+$0x6C40] =	vst.add.f32.msk $0xffff, v28  }
0x49e: {  	[tilespmem:s20+$0x6C50] =	vst.add.f32.msk $0xffff, v29  }
0x49f: {  	[tilespmem:s20+$0x6C60] =	vst.add.f32.msk $0xffff, v30  }
0x4a0: {  	[tilespmem:s20+$0x6C70] =	vst.add.f32.msk $0xffff, v31  }
0x4a1: {  	[tilespmem:s20+$0x7000] =	vst.add.f32.msk $0xffff, v32  }
0x4a2: {  	[tilespmem:s20+$0x7010] =	vst.add.f32.msk $0xffff, v33  }
0x4a3: {  	[tilespmem:s20+$0x7020] =	vst.add.f32.msk $0xffff, v34  }
0x4a4: {  	[tilespmem:s20+$0x7030] =	vst.add.f32.msk $0xffff, v35  }
0x4a5: {  	[tilespmem:s20+$0x7040] =	vst.add.f32.msk $0xffff, v36  }
0x4a6: {  	[tilespmem:s20+$0x7050] =	vst.add.f32.msk $0xffff, v37  }
0x4a7: {  	[tilespmem:s20+$0x7060] =	vst.add.f32.msk $0xffff, v38  }
0x4a8: {  	[tilespmem:s20+$0x7070] =	vst.add.f32.msk $0xffff, v39  }
0x4a9: {  	[tilespmem:s20+$0x7400] =	vst.add.f32.msk $0xffff, v40  }
0x4aa: {  	[tilespmem:s20+$0x7410] =	vst.add.f32.msk $0xffff, v41  }
0x4ab: {  	[tilespmem:s20+$0x7420] =	vst.add.f32.msk $0xffff, v42  }
0x4ac: {  	[tilespmem:s20+$0x7430] =	vst.add.f32.msk $0xffff, v43  }
0x4ad: {  	[tilespmem:s20+$0x7440] =	vst.add.f32.msk $0xffff, v44  }
0x4ae: {  	[tilespmem:s20+$0x7450] =	vst.add.f32.msk $0xffff, v45  }
0x4af: {  	s31 =	sadd.s32 s3, s21;
	[tilespmem:s20+$0x7460] =	vst.add.f32.msk $0xffff, v46  }
0x4b0: {  	[hbm4b:s31+s5] =	stream.linear.scatter [tilespmem:s8], [sflag:$0x5], $0x6000, $0x38;
	[tilespmem:$0x18000] =	vst v63  }
0x4b1: {  	_ =	swait.ge [sflag:s16], $0x6000  }
0x4b2: {  	[sflag:s16] =	ssyncset.done $0x0  }
0x4b3: {  	s19 =	sadd.s32 $0x1, s19;
	[sflag:s16] =	ssyncadd.s32 $0xFFFFA000  }
0x4b4: {  	p0 =	sne.s32 s19, $0x8;
	_ =	swait.ge [sflag:s17], $0x6000  }
.Ltmp4:
0x4b5: {  	[sflag:s17] =	ssyncset.done $0x0;
	(pc) =	sbr.rel @p0 .LBB2_2-.Ltmp4, $4  }
0x4b6: {  	[sflag:s17] =	ssyncadd.s32 $0xFFFFA000  }
0x4b7: {  	_ =	swait.ge [sflag:s14], $0x6000  }
0x4b8: {  	[sflag:s14] =	ssyncset.done $0x0  }
0x4b9: {  	[sflag:s14] =	ssyncadd.s32 $0xFFFFA000  }
0x4ba: {  	s18 =	sadd.s32 $0x1, s18  }
0x4bb: {  	p0 =	sne.s32 s18, s7  }
.Ltmp5:
0x4bc: {  	_ = 	snop;
	(pc) =	sbr.rel @p0 .LBB2_1-.Ltmp5, $1  }
0x4bd: {  	_ =	sdelay $0x3  }
0x4be: {  	_ =	sfence.sel $0x180000  }
0x4bf: {  	[bflag:$0x0] =	sbarrier.arrive $0xFFFF  }
0x4c0: {  	p0 =	sne.s32 s4, $0x0;
	_ =	strace $0x90000047  }
0x4c1: {  	s0 =	sadd.s32 @!p0 $0x100000, s0;
	[bflag:$0x2] =	sbarrier.arrive $0xFFFF  }
0x4c2: {  	[sflag:s0] =	ssyncadd.tile.s32 @!p0 $0x1;
	_ =	shalt  }
.Lfunc_end2:
_tile_overlayer_lowered:
.L_overlay_start_2:
0x4c3: {  	(tag) =	ssettag $0x2  }
0x4c4: {  	s0 =	rddreg [dreg:$0x0];
	s2 =	stileid.u32  }
0x4c5: {  	s1 =	rddreg [dreg:$0x1];
	p0 =	sne.s32 s2, $0x0  }
0x4c6: {  	s3 =	rddreg [dreg:$0x2];
	[bflag:$0x3] =	sbarrier.arrive $0xFFFF;
	s2 =	simm.s32 @!p0 $0x1C08  }
0x4c7: {  	[timem:s3], [sflag:s2] =	dma.local @!p0 [hbm:s0], s1  }
0x4c8: {  	s0 =	simm.s32 @!p0 $0x8  }
0x4c9: {  	_ =	swait.ge @!p0 [sflag:s0], s1  }
0x4ca: {  	s1 =	ssub.s32 @!p0 $0x0, s1;
	[sflag:s0] =	ssyncset.done @!p0 $0x0  }
0x4cb: {  	[sflag:s0] =	ssyncadd.s32 @!p0 s1  }
0x4cc: {  	[bflag:$0x3] =	sbarrier.arrive $0xFFFF  }
0x4cd: {  	_ =	shalt  }

</sc_bundles>
